<compile_context>
chip_gen: v7x
topology: tpu7x:2x2x1
jax: 0.10.2.dev20260603
libtpu: 0.0.44.dev20260713+nightly
codegen_flags: <defaults>
</compile_context>

<pallas_src>
import functools

import jax
import jax.numpy as jnp
from jax import lax
from jax.experimental import pallas as pl
from jax.experimental.pallas import tpu as pltpu
from jax.experimental.pallas import tpu_sc as plsc

BATCH = 4096
HIST = 50
EMBED_DIM = 128
NUM_CORES = 2
NUM_SUBCORES = 16
NW = NUM_CORES * NUM_SUBCORES
PER_W = BATCH // NW
CHUNK = 64
SPLIT = PER_W // CHUNK
NCH = HIST * SPLIT
GRP = 5
NMACRO = NCH // GRP


def _gather_rows(table, idx_t):
    mesh = plsc.VectorSubcoreMesh(core_axis_name="c", subcore_axis_name="s")

    scratch = (
        [pltpu.VMEM((HIST, PER_W), jnp.int32)]
        + [pltpu.VMEM((CHUNK, EMBED_DIM), jnp.float32) for _ in range(2 * GRP)]
        + [pltpu.SemaphoreType.DMA for _ in range(4 * GRP)]
    )

    @functools.partial(
        pl.kernel,
        mesh=mesh,
        out_type=jax.ShapeDtypeStruct((HIST, BATCH, EMBED_DIM), jnp.float32),
        scratch_types=scratch,
    )
    def k(table_hbm, idx_hbm, out_hbm, idx_v, *bufs_and_sems):
        rows = bufs_and_sems[: 2 * GRP]
        gsem = bufs_and_sems[2 * GRP: 4 * GRP]
        osem = bufs_and_sems[4 * GRP:]

        wid = lax.axis_index("s") * NUM_CORES + lax.axis_index("c")
        c0 = wid * PER_W
        pltpu.sync_copy(idx_hbm.at[:, pl.ds(c0, PER_W)], idx_v)

        def idx_ref(chunk):
            t = chunk // SPLIT
            h = chunk % SPLIT
            return idx_v.at[t, pl.ds(h * CHUNK, CHUNK)]

        def out_ref(chunk):
            t = chunk // SPLIT
            h = chunk % SPLIT
            return out_hbm.at[t, pl.ds(c0 + h * CHUNK, CHUNK)]

        def fire_gather(slot, chunk):
            pltpu.async_copy(table_hbm.at[idx_ref(chunk)], rows[slot],
                             gsem[slot])

        def wait_gather(slot, chunk):
            pltpu.make_async_copy(table_hbm.at[idx_ref(chunk)], rows[slot],
                                  gsem[slot]).wait()

        def fire_out(slot, chunk):
            pltpu.async_copy(rows[slot], out_ref(chunk), osem[slot])

        def wait_out(slot, chunk):
            pltpu.make_async_copy(rows[slot], out_ref(chunk),
                                  osem[slot]).wait()

        def slots(group):
            return range(group * GRP, group * GRP + GRP)

        def phase_a(group, base):
            for j, s in enumerate(slots(group)):
                wait_gather(s, base + j)
                fire_out(s, base + j)

        def phase_b(group, prev_base, next_base):
            for j, s in enumerate(slots(group)):
                wait_out(s, prev_base + j)
                fire_gather(s, next_base + j)

        for j, s in enumerate(slots(0)):
            fire_gather(s, j)
        for j, s in enumerate(slots(1)):
            fire_gather(s, GRP + j)

        phase_a(0, 0)

        def phase_ab(act, idle, base):
            for j in range(GRP):
                wait_out(idle * GRP + j, base - GRP + j)
                fire_gather(idle * GRP + j, base + GRP + j)
                wait_gather(act * GRP + j, base + j)
                fire_out(act * GRP + j, base + j)

        def body(kk, carry):
            m1 = 2 * kk + 1
            phase_ab(1, 0, m1 * GRP)
            m2 = m1 + 1
            phase_ab(0, 1, m2 * GRP)
            return carry

        lax.fori_loop(0, (NMACRO - 2) // 2, body, 0)

        last = (NMACRO - 1) * GRP
        phase_a(1, last)
        for j, s in enumerate(slots(0)):
            wait_out(s, last - GRP + j)
        for j, s in enumerate(slots(1)):
            wait_out(s, last + j)

    return k(table, idx_t)


@jax.jit
def kernel(indices, table):
    idx_t = indices.astype(jnp.int32).T
    out_t = _gather_rows(table, idx_t)
    return out_t.transpose(1, 0, 2)

# --- scband reference (transcript-rebuilt; emitter-appended) ---
"""Pipeline reference for scband-embedding-model-35055523070654 (READ-ONLY COPY).

The authoritative reference and input builder live on the scoring server;
editing this copy changes nothing except your own understanding.
"""

import jax, jax.numpy as jnp
import numpy as np

NUM_PIECES = 100000
EMBED_DIM = 128
BATCH = 4096
HIST = 50

def setup_inputs(seed: int = 0) -> dict:
    key = jax.random.key(seed)
    k1, k2 = jax.random.split(key)
    indices = jax.random.randint(k1, (BATCH, HIST), 0, NUM_PIECES)
    table = jax.random.normal(k2, (NUM_PIECES, EMBED_DIM), dtype=jnp.float32)
    return {"indices": indices, "table": table}

def reference(indices, table):
    # nn.Embedding lookup: out[b, t, :] = table[indices[b, t], :]
    return jnp.take(table, indices, axis=0)

if __name__ == "__main__":
    import jax
    _d = setup_inputs()
    print(jax.jit(kernel)(*tuple(_d.values())))

</pallas_src>

<mosaic_0001>
#map = affine_map<(d0, d1) -> (0, 0)>
#map1 = affine_map<(d0, d1) -> (0, 0, 0)>
module attributes {stable_mosaic.version = 14 : i64} {
  func.func @k(%arg0: i32, %arg1: i32, %arg2: memref<100000x128xf32, #tpu.memory_space<hbm>>, %arg3: memref<50x4096xi32, #tpu.memory_space<hbm>>, %arg4: memref<50x4096x128xf32, #tpu.memory_space<hbm>>, %arg5: memref<50x128xi32, #tpu.memory_space<vmem>>, %arg6: memref<64x128xf32, #tpu.memory_space<vmem>>, %arg7: memref<64x128xf32, #tpu.memory_space<vmem>>, %arg8: memref<64x128xf32, #tpu.memory_space<vmem>>, %arg9: memref<64x128xf32, #tpu.memory_space<vmem>>, %arg10: memref<64x128xf32, #tpu.memory_space<vmem>>, %arg11: memref<64x128xf32, #tpu.memory_space<vmem>>, %arg12: memref<64x128xf32, #tpu.memory_space<vmem>>, %arg13: memref<64x128xf32, #tpu.memory_space<vmem>>, %arg14: memref<64x128xf32, #tpu.memory_space<vmem>>, %arg15: memref<64x128xf32, #tpu.memory_space<vmem>>, %arg16: memref<!tpu.dma_semaphore, #tpu.memory_space<semaphore_mem>>, %arg17: memref<!tpu.dma_semaphore, #tpu.memory_space<semaphore_mem>>, %arg18: memref<!tpu.dma_semaphore, #tpu.memory_space<semaphore_mem>>, %arg19: memref<!tpu.dma_semaphore, #tpu.memory_space<semaphore_mem>>, %arg20: memref<!tpu.dma_semaphore, #tpu.memory_space<semaphore_mem>>, %arg21: memref<!tpu.dma_semaphore, #tpu.memory_space<semaphore_mem>>, %arg22: memref<!tpu.dma_semaphore, #tpu.memory_space<semaphore_mem>>, %arg23: memref<!tpu.dma_semaphore, #tpu.memory_space<semaphore_mem>>, %arg24: memref<!tpu.dma_semaphore, #tpu.memory_space<semaphore_mem>>, %arg25: memref<!tpu.dma_semaphore, #tpu.memory_space<semaphore_mem>>, %arg26: memref<!tpu.dma_semaphore, #tpu.memory_space<semaphore_mem>>, %arg27: memref<!tpu.dma_semaphore, #tpu.memory_space<semaphore_mem>>, %arg28: memref<!tpu.dma_semaphore, #tpu.memory_space<semaphore_mem>>, %arg29: memref<!tpu.dma_semaphore, #tpu.memory_space<semaphore_mem>>, %arg30: memref<!tpu.dma_semaphore, #tpu.memory_space<semaphore_mem>>, %arg31: memref<!tpu.dma_semaphore, #tpu.memory_space<semaphore_mem>>, %arg32: memref<!tpu.dma_semaphore, #tpu.memory_space<semaphore_mem>>, %arg33: memref<!tpu.dma_semaphore, #tpu.memory_space<semaphore_mem>>, %arg34: memref<!tpu.dma_semaphore, #tpu.memory_space<semaphore_mem>>, %arg35: memref<!tpu.dma_semaphore, #tpu.memory_space<semaphore_mem>>) attributes {dimension_semantics = [#tpu.dimension_semantics<core_parallel>, #tpu.dimension_semantics<subcore_parallel>], iteration_bounds = array<i64: 2, 16>, scalar_prefetch = 0 : i64, scratch_operands = 31 : i64, tpu.core_type = #tpu.core_type<sc_vector_subcore>, window_params = [{transform_indices = #map}, {transform_indices = #map}, {transform_indices = #map1}]} {
    %mul3A = arith.constant 2 : i32
    %mul3A_0 = arith.muli %arg1, %mul3A : i32
    %add3A = arith.addi %mul3A_0, %arg0 : i32
    %mul3A_1 = arith.constant 128 : i32
    %mul3A_2 = arith.muli %add3A, %mul3A_1 : i32
    "tpu.region"() ({
      %run_scoped3A = tpu.sem_alloc : memref<!tpu.dma_semaphore, #tpu.memory_space<semaphore_mem>>
      %dma_start3A_326 = arith.constant 0 : i32
      %dma_start3A_327 = tpu.memref_slice %arg3[%dma_start3A_326, %mul3A_2] : memref<50x4096xi32, #tpu.memory_space<hbm>> -> memref<50x128xi32, #tpu.memory_space<hbm>>
      %dma_start3A_328 = arith.constant 0 : i32
      %dma_start3A_329 = tpu.memref_slice %arg3[%dma_start3A_328, %mul3A_2] : memref<50x4096xi32, #tpu.memory_space<hbm>> -> memref<50x128xi32, #tpu.memory_space<hbm>>
      tpu.enqueue_dma source(%dma_start3A_329 : memref<50x128xi32, #tpu.memory_space<hbm>>) target(%arg5 : memref<50x128xi32, #tpu.memory_space<vmem>>) target_semaphore(%run_scoped3A : memref<!tpu.dma_semaphore, #tpu.memory_space<semaphore_mem>>)
      %dma_wait3A_330 = arith.constant 0 : i32
      %dma_wait3A_331 = tpu.memref_slice %arg3[%dma_wait3A_330, %mul3A_2] : memref<50x4096xi32, #tpu.memory_space<hbm>> -> memref<50x128xi32, #tpu.memory_space<hbm>>
      %dma_wait3A_332 = arith.constant 0 : i32
      %dma_wait3A_333 = tpu.memref_slice %arg3[%dma_wait3A_332, %mul3A_2] : memref<50x4096xi32, #tpu.memory_space<hbm>> -> memref<50x128xi32, #tpu.memory_space<hbm>>
      tpu.wait_dma2 semaphore(%run_scoped3A : memref<!tpu.dma_semaphore, #tpu.memory_space<semaphore_mem>>) src(%dma_wait3A_333 : memref<50x128xi32, #tpu.memory_space<hbm>>) dst(%arg5 : memref<50x128xi32, #tpu.memory_space<vmem>>)
      tpu.yield
    }) : () -> ()
    %dma_start3A = arith.constant 0 : i32
    %dma_start3A_3 = arith.constant 0 : i32
    %dma_start3A_4 = tpu.memref_slice %arg5[%dma_start3A, %dma_start3A_3] : memref<50x128xi32, #tpu.memory_space<vmem>> -> memref<1x64xi32, #tpu.memory_space<vmem>>
    %dma_start3A_5 = tpu.memref_squeeze %dma_start3A_4 : memref<1x64xi32, #tpu.memory_space<vmem>> -> memref<64xi32, #tpu.memory_space<vmem>>
    %dma_start3A_6 = arith.constant 0 : i32
    %dma_start3A_7 = arith.constant 0 : i32
    %dma_start3A_8 = tpu.memref_slice %arg2[%dma_start3A_6, %dma_start3A_7] : memref<100000x128xf32, #tpu.memory_space<hbm>> -> memref<100000x128xf32, #tpu.memory_space<hbm>>
    tpu.enqueue_indirect_dma source(%dma_start3A_8 : memref<100000x128xf32, #tpu.memory_space<hbm>>) target(%arg6 : memref<64x128xf32, #tpu.memory_space<vmem>>) offsets(%dma_start3A_5 : memref<64xi32, #tpu.memory_space<vmem>>) semaphore(%arg16 : memref<!tpu.dma_semaphore, #tpu.memory_space<semaphore_mem>>)
    %dma_start3A_9 = arith.constant 0 : i32
    %dma_start3A_10 = arith.constant 64 : i32
    %dma_start3A_11 = tpu.memref_slice %arg5[%dma_start3A_9, %dma_start3A_10] : memref<50x128xi32, #tpu.memory_space<vmem>> -> memref<1x64xi32, #tpu.memory_space<vmem>>
    %dma_start3A_12 = tpu.memref_squeeze %dma_start3A_11 : memref<1x64xi32, #tpu.memory_space<vmem>> -> memref<64xi32, #tpu.memory_space<vmem>>
    %dma_start3A_13 = arith.constant 0 : i32
    %dma_start3A_14 = arith.constant 0 : i32
    %dma_start3A_15 = tpu.memref_slice %arg2[%dma_start3A_13, %dma_start3A_14] : memref<100000x128xf32, #tpu.memory_space<hbm>> -> memref<100000x128xf32, #tpu.memory_space<hbm>>
    tpu.enqueue_indirect_dma source(%dma_start3A_15 : memref<100000x128xf32, #tpu.memory_space<hbm>>) target(%arg7 : memref<64x128xf32, #tpu.memory_space<vmem>>) offsets(%dma_start3A_12 : memref<64xi32, #tpu.memory_space<vmem>>) semaphore(%arg17 : memref<!tpu.dma_semaphore, #tpu.memory_space<semaphore_mem>>)
    %dma_start3A_16 = arith.constant 1 : i32
    %dma_start3A_17 = arith.constant 0 : i32
    %dma_start3A_18 = tpu.memref_slice %arg5[%dma_start3A_16, %dma_start3A_17] : memref<50x128xi32, #tpu.memory_space<vmem>> -> memref<1x64xi32, #tpu.memory_space<vmem>>
    %dma_start3A_19 = tpu.memref_squeeze %dma_start3A_18 : memref<1x64xi32, #tpu.memory_space<vmem>> -> memref<64xi32, #tpu.memory_space<vmem>>
    %dma_start3A_20 = arith.constant 0 : i32
    %dma_start3A_21 = arith.constant 0 : i32
    %dma_start3A_22 = tpu.memref_slice %arg2[%dma_start3A_20, %dma_start3A_21] : memref<100000x128xf32, #tpu.memory_space<hbm>> -> memref<100000x128xf32, #tpu.memory_space<hbm>>
    tpu.enqueue_indirect_dma source(%dma_start3A_22 : memref<100000x128xf32, #tpu.memory_space<hbm>>) target(%arg8 : memref<64x128xf32, #tpu.memory_space<vmem>>) offsets(%dma_start3A_19 : memref<64xi32, #tpu.memory_space<vmem>>) semaphore(%arg18 : memref<!tpu.dma_semaphore, #tpu.memory_space<semaphore_mem>>)
    %dma_start3A_23 = arith.constant 1 : i32
    %dma_start3A_24 = arith.constant 64 : i32
    %dma_start3A_25 = tpu.memref_slice %arg5[%dma_start3A_23, %dma_start3A_24] : memref<50x128xi32, #tpu.memory_space<vmem>> -> memref<1x64xi32, #tpu.memory_space<vmem>>
    %dma_start3A_26 = tpu.memref_squeeze %dma_start3A_25 : memref<1x64xi32, #tpu.memory_space<vmem>> -> memref<64xi32, #tpu.memory_space<vmem>>
    %dma_start3A_27 = arith.constant 0 : i32
    %dma_start3A_28 = arith.constant 0 : i32
    %dma_start3A_29 = tpu.memref_slice %arg2[%dma_start3A_27, %dma_start3A_28] : memref<100000x128xf32, #tpu.memory_space<hbm>> -> memref<100000x128xf32, #tpu.memory_space<hbm>>
    tpu.enqueue_indirect_dma source(%dma_start3A_29 : memref<100000x128xf32, #tpu.memory_space<hbm>>) target(%arg9 : memref<64x128xf32, #tpu.memory_space<vmem>>) offsets(%dma_start3A_26 : memref<64xi32, #tpu.memory_space<vmem>>) semaphore(%arg19 : memref<!tpu.dma_semaphore, #tpu.memory_space<semaphore_mem>>)
    %dma_start3A_30 = arith.constant 2 : i32
    %dma_start3A_31 = arith.constant 0 : i32
    %dma_start3A_32 = tpu.memref_slice %arg5[%dma_start3A_30, %dma_start3A_31] : memref<50x128xi32, #tpu.memory_space<vmem>> -> memref<1x64xi32, #tpu.memory_space<vmem>>
    %dma_start3A_33 = tpu.memref_squeeze %dma_start3A_32 : memref<1x64xi32, #tpu.memory_space<vmem>> -> memref<64xi32, #tpu.memory_space<vmem>>
    %dma_start3A_34 = arith.constant 0 : i32
    %dma_start3A_35 = arith.constant 0 : i32
    %dma_start3A_36 = tpu.memref_slice %arg2[%dma_start3A_34, %dma_start3A_35] : memref<100000x128xf32, #tpu.memory_space<hbm>> -> memref<100000x128xf32, #tpu.memory_space<hbm>>
    tpu.enqueue_indirect_dma source(%dma_start3A_36 : memref<100000x128xf32, #tpu.memory_space<hbm>>) target(%arg10 : memref<64x128xf32, #tpu.memory_space<vmem>>) offsets(%dma_start3A_33 : memref<64xi32, #tpu.memory_space<vmem>>) semaphore(%arg20 : memref<!tpu.dma_semaphore, #tpu.memory_space<semaphore_mem>>)
    %dma_start3A_37 = arith.constant 2 : i32
    %dma_start3A_38 = arith.constant 64 : i32
    %dma_start3A_39 = tpu.memref_slice %arg5[%dma_start3A_37, %dma_start3A_38] : memref<50x128xi32, #tpu.memory_space<vmem>> -> memref<1x64xi32, #tpu.memory_space<vmem>>
    %dma_start3A_40 = tpu.memref_squeeze %dma_start3A_39 : memref<1x64xi32, #tpu.memory_space<vmem>> -> memref<64xi32, #tpu.memory_space<vmem>>
    %dma_start3A_41 = arith.constant 0 : i32
    %dma_start3A_42 = arith.constant 0 : i32
    %dma_start3A_43 = tpu.memref_slice %arg2[%dma_start3A_41, %dma_start3A_42] : memref<100000x128xf32, #tpu.memory_space<hbm>> -> memref<100000x128xf32, #tpu.memory_space<hbm>>
    tpu.enqueue_indirect_dma source(%dma_start3A_43 : memref<100000x128xf32, #tpu.memory_space<hbm>>) target(%arg11 : memref<64x128xf32, #tpu.memory_space<vmem>>) offsets(%dma_start3A_40 : memref<64xi32, #tpu.memory_space<vmem>>) semaphore(%arg21 : memref<!tpu.dma_semaphore, #tpu.memory_space<semaphore_mem>>)
    %dma_start3A_44 = arith.constant 3 : i32
    %dma_start3A_45 = arith.constant 0 : i32
    %dma_start3A_46 = tpu.memref_slice %arg5[%dma_start3A_44, %dma_start3A_45] : memref<50x128xi32, #tpu.memory_space<vmem>> -> memref<1x64xi32, #tpu.memory_space<vmem>>
    %dma_start3A_47 = tpu.memref_squeeze %dma_start3A_46 : memref<1x64xi32, #tpu.memory_space<vmem>> -> memref<64xi32, #tpu.memory_space<vmem>>
    %dma_start3A_48 = arith.constant 0 : i32
    %dma_start3A_49 = arith.constant 0 : i32
    %dma_start3A_50 = tpu.memref_slice %arg2[%dma_start3A_48, %dma_start3A_49] : memref<100000x128xf32, #tpu.memory_space<hbm>> -> memref<100000x128xf32, #tpu.memory_space<hbm>>
    tpu.enqueue_indirect_dma source(%dma_start3A_50 : memref<100000x128xf32, #tpu.memory_space<hbm>>) target(%arg12 : memref<64x128xf32, #tpu.memory_space<vmem>>) offsets(%dma_start3A_47 : memref<64xi32, #tpu.memory_space<vmem>>) semaphore(%arg22 : memref<!tpu.dma_semaphore, #tpu.memory_space<semaphore_mem>>)
    %dma_start3A_51 = arith.constant 3 : i32
    %dma_start3A_52 = arith.constant 64 : i32
    %dma_start3A_53 = tpu.memref_slice %arg5[%dma_start3A_51, %dma_start3A_52] : memref<50x128xi32, #tpu.memory_space<vmem>> -> memref<1x64xi32, #tpu.memory_space<vmem>>
    %dma_start3A_54 = tpu.memref_squeeze %dma_start3A_53 : memref<1x64xi32, #tpu.memory_space<vmem>> -> memref<64xi32, #tpu.memory_space<vmem>>
    %dma_start3A_55 = arith.constant 0 : i32
    %dma_start3A_56 = arith.constant 0 : i32
    %dma_start3A_57 = tpu.memref_slice %arg2[%dma_start3A_55, %dma_start3A_56] : memref<100000x128xf32, #tpu.memory_space<hbm>> -> memref<100000x128xf32, #tpu.memory_space<hbm>>
    tpu.enqueue_indirect_dma source(%dma_start3A_57 : memref<100000x128xf32, #tpu.memory_space<hbm>>) target(%arg13 : memref<64x128xf32, #tpu.memory_space<vmem>>) offsets(%dma_start3A_54 : memref<64xi32, #tpu.memory_space<vmem>>) semaphore(%arg23 : memref<!tpu.dma_semaphore, #tpu.memory_space<semaphore_mem>>)
    %dma_start3A_58 = arith.constant 4 : i32
    %dma_start3A_59 = arith.constant 0 : i32
    %dma_start3A_60 = tpu.memref_slice %arg5[%dma_start3A_58, %dma_start3A_59] : memref<50x128xi32, #tpu.memory_space<vmem>> -> memref<1x64xi32, #tpu.memory_space<vmem>>
    %dma_start3A_61 = tpu.memref_squeeze %dma_start3A_60 : memref<1x64xi32, #tpu.memory_space<vmem>> -> memref<64xi32, #tpu.memory_space<vmem>>
    %dma_start3A_62 = arith.constant 0 : i32
    %dma_start3A_63 = arith.constant 0 : i32
    %dma_start3A_64 = tpu.memref_slice %arg2[%dma_start3A_62, %dma_start3A_63] : memref<100000x128xf32, #tpu.memory_space<hbm>> -> memref<100000x128xf32, #tpu.memory_space<hbm>>
    tpu.enqueue_indirect_dma source(%dma_start3A_64 : memref<100000x128xf32, #tpu.memory_space<hbm>>) target(%arg14 : memref<64x128xf32, #tpu.memory_space<vmem>>) offsets(%dma_start3A_61 : memref<64xi32, #tpu.memory_space<vmem>>) semaphore(%arg24 : memref<!tpu.dma_semaphore, #tpu.memory_space<semaphore_mem>>)
    %dma_start3A_65 = arith.constant 4 : i32
    %dma_start3A_66 = arith.constant 64 : i32
    %dma_start3A_67 = tpu.memref_slice %arg5[%dma_start3A_65, %dma_start3A_66] : memref<50x128xi32, #tpu.memory_space<vmem>> -> memref<1x64xi32, #tpu.memory_space<vmem>>
    %dma_start3A_68 = tpu.memref_squeeze %dma_start3A_67 : memref<1x64xi32, #tpu.memory_space<vmem>> -> memref<64xi32, #tpu.memory_space<vmem>>
    %dma_start3A_69 = arith.constant 0 : i32
    %dma_start3A_70 = arith.constant 0 : i32
    %dma_start3A_71 = tpu.memref_slice %arg2[%dma_start3A_69, %dma_start3A_70] : memref<100000x128xf32, #tpu.memory_space<hbm>> -> memref<100000x128xf32, #tpu.memory_space<hbm>>
    tpu.enqueue_indirect_dma source(%dma_start3A_71 : memref<100000x128xf32, #tpu.memory_space<hbm>>) target(%arg15 : memref<64x128xf32, #tpu.memory_space<vmem>>) offsets(%dma_start3A_68 : memref<64xi32, #tpu.memory_space<vmem>>) semaphore(%arg25 : memref<!tpu.dma_semaphore, #tpu.memory_space<semaphore_mem>>)
    %dma_wait3A = arith.constant 0 : i32
    %dma_wait3A_72 = arith.constant 0 : i32
    %dma_wait3A_73 = tpu.memref_slice %arg5[%dma_wait3A, %dma_wait3A_72] : memref<50x128xi32, #tpu.memory_space<vmem>> -> memref<1x64xi32, #tpu.memory_space<vmem>>
    %dma_wait3A_74 = tpu.memref_squeeze %dma_wait3A_73 : memref<1x64xi32, #tpu.memory_space<vmem>> -> memref<64xi32, #tpu.memory_space<vmem>>
    %dma_wait3A_75 = arith.constant 0 : i32
    %dma_wait3A_76 = arith.constant 0 : i32
    %dma_wait3A_77 = tpu.memref_slice %arg2[%dma_wait3A_75, %dma_wait3A_76] : memref<100000x128xf32, #tpu.memory_space<hbm>> -> memref<100000x128xf32, #tpu.memory_space<hbm>>
    tpu.wait_indirect_dma semaphore(%arg16 : memref<!tpu.dma_semaphore, #tpu.memory_space<semaphore_mem>>) src(%dma_wait3A_77 : memref<100000x128xf32, #tpu.memory_space<hbm>>) dst(%arg6 : memref<64x128xf32, #tpu.memory_space<vmem>>)
    %add3A_78 = arith.constant 0 : i32
    %add3A_79 = arith.addi %mul3A_2, %add3A_78 : i32
    %dma_start3A_80 = arith.constant 0 : i32
    %dma_start3A_81 = arith.constant 0 : i32
    %dma_start3A_82 = tpu.memref_slice %arg4[%dma_start3A_80, %add3A_79, %dma_start3A_81] : memref<50x4096x128xf32, #tpu.memory_space<hbm>> -> memref<1x64x128xf32, #tpu.memory_space<hbm>>
    %dma_start3A_83 = tpu.memref_squeeze %dma_start3A_82 : memref<1x64x128xf32, #tpu.memory_space<hbm>> -> memref<64x128xf32, #tpu.memory_space<hbm>>
    %dma_start3A_84 = arith.constant 0 : i32
    %dma_start3A_85 = tpu.memref_slice %arg4[%dma_start3A_80, %add3A_79, %dma_start3A_84] : memref<50x4096x128xf32, #tpu.memory_space<hbm>> -> memref<1x64x128xf32, #tpu.memory_space<hbm>>
    %dma_start3A_86 = tpu.memref_squeeze %dma_start3A_85 : memref<1x64x128xf32, #tpu.memory_space<hbm>> -> memref<64x128xf32, #tpu.memory_space<hbm>>
    tpu.enqueue_dma source(%arg6 : memref<64x128xf32, #tpu.memory_space<vmem>>) target(%dma_start3A_86 : memref<64x128xf32, #tpu.memory_space<hbm>>) target_semaphore(%arg26 : memref<!tpu.dma_semaphore, #tpu.memory_space<semaphore_mem>>)
    %dma_wait3A_87 = arith.constant 0 : i32
    %dma_wait3A_88 = arith.constant 64 : i32
    %dma_wait3A_89 = tpu.memref_slice %arg5[%dma_wait3A_87, %dma_wait3A_88] : memref<50x128xi32, #tpu.memory_space<vmem>> -> memref<1x64xi32, #tpu.memory_space<vmem>>
    %dma_wait3A_90 = tpu.memref_squeeze %dma_wait3A_89 : memref<1x64xi32, #tpu.memory_space<vmem>> -> memref<64xi32, #tpu.memory_space<vmem>>
    %dma_wait3A_91 = arith.constant 0 : i32
    %dma_wait3A_92 = arith.constant 0 : i32
    %dma_wait3A_93 = tpu.memref_slice %arg2[%dma_wait3A_91, %dma_wait3A_92] : memref<100000x128xf32, #tpu.memory_space<hbm>> -> memref<100000x128xf32, #tpu.memory_space<hbm>>
    tpu.wait_indirect_dma semaphore(%arg17 : memref<!tpu.dma_semaphore, #tpu.memory_space<semaphore_mem>>) src(%dma_wait3A_93 : memref<100000x128xf32, #tpu.memory_space<hbm>>) dst(%arg7 : memref<64x128xf32, #tpu.memory_space<vmem>>)
    %add3A_94 = arith.constant 64 : i32
    %add3A_95 = arith.addi %mul3A_2, %add3A_94 : i32
    %dma_start3A_96 = arith.constant 0 : i32
    %dma_start3A_97 = arith.constant 0 : i32
    %dma_start3A_98 = tpu.memref_slice %arg4[%dma_start3A_96, %add3A_95, %dma_start3A_97] : memref<50x4096x128xf32, #tpu.memory_space<hbm>> -> memref<1x64x128xf32, #tpu.memory_space<hbm>>
    %dma_start3A_99 = tpu.memref_squeeze %dma_start3A_98 : memref<1x64x128xf32, #tpu.memory_space<hbm>> -> memref<64x128xf32, #tpu.memory_space<hbm>>
    %dma_start3A_100 = arith.constant 0 : i32
    %dma_start3A_101 = tpu.memref_slice %arg4[%dma_start3A_96, %add3A_95, %dma_start3A_100] : memref<50x4096x128xf32, #tpu.memory_space<hbm>> -> memref<1x64x128xf32, #tpu.memory_space<hbm>>
    %dma_start3A_102 = tpu.memref_squeeze %dma_start3A_101 : memref<1x64x128xf32, #tpu.memory_space<hbm>> -> memref<64x128xf32, #tpu.memory_space<hbm>>
    tpu.enqueue_dma source(%arg7 : memref<64x128xf32, #tpu.memory_space<vmem>>) target(%dma_start3A_102 : memref<64x128xf32, #tpu.memory_space<hbm>>) target_semaphore(%arg27 : memref<!tpu.dma_semaphore, #tpu.memory_space<semaphore_mem>>)
    %dma_wait3A_103 = arith.constant 1 : i32
    %dma_wait3A_104 = arith.constant 0 : i32
    %dma_wait3A_105 = tpu.memref_slice %arg5[%dma_wait3A_103, %dma_wait3A_104] : memref<50x128xi32, #tpu.memory_space<vmem>> -> memref<1x64xi32, #tpu.memory_space<vmem>>
    %dma_wait3A_106 = tpu.memref_squeeze %dma_wait3A_105 : memref<1x64xi32, #tpu.memory_space<vmem>> -> memref<64xi32, #tpu.memory_space<vmem>>
    %dma_wait3A_107 = arith.constant 0 : i32
    %dma_wait3A_108 = arith.constant 0 : i32
    %dma_wait3A_109 = tpu.memref_slice %arg2[%dma_wait3A_107, %dma_wait3A_108] : memref<100000x128xf32, #tpu.memory_space<hbm>> -> memref<100000x128xf32, #tpu.memory_space<hbm>>
    tpu.wait_indirect_dma semaphore(%arg18 : memref<!tpu.dma_semaphore, #tpu.memory_space<semaphore_mem>>) src(%dma_wait3A_109 : memref<100000x128xf32, #tpu.memory_space<hbm>>) dst(%arg8 : memref<64x128xf32, #tpu.memory_space<vmem>>)
    %add3A_110 = arith.constant 0 : i32
    %add3A_111 = arith.addi %mul3A_2, %add3A_110 : i32
    %dma_start3A_112 = arith.constant 1 : i32
    %dma_start3A_113 = arith.constant 0 : i32
    %dma_start3A_114 = tpu.memref_slice %arg4[%dma_start3A_112, %add3A_111, %dma_start3A_113] : memref<50x4096x128xf32, #tpu.memory_space<hbm>> -> memref<1x64x128xf32, #tpu.memory_space<hbm>>
    %dma_start3A_115 = tpu.memref_squeeze %dma_start3A_114 : memref<1x64x128xf32, #tpu.memory_space<hbm>> -> memref<64x128xf32, #tpu.memory_space<hbm>>
    %dma_start3A_116 = arith.constant 0 : i32
    %dma_start3A_117 = tpu.memref_slice %arg4[%dma_start3A_112, %add3A_111, %dma_start3A_116] : memref<50x4096x128xf32, #tpu.memory_space<hbm>> -> memref<1x64x128xf32, #tpu.memory_space<hbm>>
    %dma_start3A_118 = tpu.memref_squeeze %dma_start3A_117 : memref<1x64x128xf32, #tpu.memory_space<hbm>> -> memref<64x128xf32, #tpu.memory_space<hbm>>
    tpu.enqueue_dma source(%arg8 : memref<64x128xf32, #tpu.memory_space<vmem>>) target(%dma_start3A_118 : memref<64x128xf32, #tpu.memory_space<hbm>>) target_semaphore(%arg28 : memref<!tpu.dma_semaphore, #tpu.memory_space<semaphore_mem>>)
    %dma_wait3A_119 = arith.constant 1 : i32
    %dma_wait3A_120 = arith.constant 64 : i32
    %dma_wait3A_121 = tpu.memref_slice %arg5[%dma_wait3A_119, %dma_wait3A_120] : memref<50x128xi32, #tpu.memory_space<vmem>> -> memref<1x64xi32, #tpu.memory_space<vmem>>
    %dma_wait3A_122 = tpu.memref_squeeze %dma_wait3A_121 : memref<1x64xi32, #tpu.memory_space<vmem>> -> memref<64xi32, #tpu.memory_space<vmem>>
    %dma_wait3A_123 = arith.constant 0 : i32
    %dma_wait3A_124 = arith.constant 0 : i32
    %dma_wait3A_125 = tpu.memref_slice %arg2[%dma_wait3A_123, %dma_wait3A_124] : memref<100000x128xf32, #tpu.memory_space<hbm>> -> memref<100000x128xf32, #tpu.memory_space<hbm>>
    tpu.wait_indirect_dma semaphore(%arg19 : memref<!tpu.dma_semaphore, #tpu.memory_space<semaphore_mem>>) src(%dma_wait3A_125 : memref<100000x128xf32, #tpu.memory_space<hbm>>) dst(%arg9 : memref<64x128xf32, #tpu.memory_space<vmem>>)
    %add3A_126 = arith.constant 64 : i32
    %add3A_127 = arith.addi %mul3A_2, %add3A_126 : i32
    %dma_start3A_128 = arith.constant 1 : i32
    %dma_start3A_129 = arith.constant 0 : i32
    %dma_start3A_130 = tpu.memref_slice %arg4[%dma_start3A_128, %add3A_127, %dma_start3A_129] : memref<50x4096x128xf32, #tpu.memory_space<hbm>> -> memref<1x64x128xf32, #tpu.memory_space<hbm>>
    %dma_start3A_131 = tpu.memref_squeeze %dma_start3A_130 : memref<1x64x128xf32, #tpu.memory_space<hbm>> -> memref<64x128xf32, #tpu.memory_space<hbm>>
    %dma_start3A_132 = arith.constant 0 : i32
    %dma_start3A_133 = tpu.memref_slice %arg4[%dma_start3A_128, %add3A_127, %dma_start3A_132] : memref<50x4096x128xf32, #tpu.memory_space<hbm>> -> memref<1x64x128xf32, #tpu.memory_space<hbm>>
    %dma_start3A_134 = tpu.memref_squeeze %dma_start3A_133 : memref<1x64x128xf32, #tpu.memory_space<hbm>> -> memref<64x128xf32, #tpu.memory_space<hbm>>
    tpu.enqueue_dma source(%arg9 : memref<64x128xf32, #tpu.memory_space<vmem>>) target(%dma_start3A_134 : memref<64x128xf32, #tpu.memory_space<hbm>>) target_semaphore(%arg29 : memref<!tpu.dma_semaphore, #tpu.memory_space<semaphore_mem>>)
    %dma_wait3A_135 = arith.constant 2 : i32
    %dma_wait3A_136 = arith.constant 0 : i32
    %dma_wait3A_137 = tpu.memref_slice %arg5[%dma_wait3A_135, %dma_wait3A_136] : memref<50x128xi32, #tpu.memory_space<vmem>> -> memref<1x64xi32, #tpu.memory_space<vmem>>
    %dma_wait3A_138 = tpu.memref_squeeze %dma_wait3A_137 : memref<1x64xi32, #tpu.memory_space<vmem>> -> memref<64xi32, #tpu.memory_space<vmem>>
    %dma_wait3A_139 = arith.constant 0 : i32
    %dma_wait3A_140 = arith.constant 0 : i32
    %dma_wait3A_141 = tpu.memref_slice %arg2[%dma_wait3A_139, %dma_wait3A_140] : memref<100000x128xf32, #tpu.memory_space<hbm>> -> memref<100000x128xf32, #tpu.memory_space<hbm>>
    tpu.wait_indirect_dma semaphore(%arg20 : memref<!tpu.dma_semaphore, #tpu.memory_space<semaphore_mem>>) src(%dma_wait3A_141 : memref<100000x128xf32, #tpu.memory_space<hbm>>) dst(%arg10 : memref<64x128xf32, #tpu.memory_space<vmem>>)
    %add3A_142 = arith.constant 0 : i32
    %add3A_143 = arith.addi %mul3A_2, %add3A_142 : i32
    %dma_start3A_144 = arith.constant 2 : i32
    %dma_start3A_145 = arith.constant 0 : i32
    %dma_start3A_146 = tpu.memref_slice %arg4[%dma_start3A_144, %add3A_143, %dma_start3A_145] : memref<50x4096x128xf32, #tpu.memory_space<hbm>> -> memref<1x64x128xf32, #tpu.memory_space<hbm>>
    %dma_start3A_147 = tpu.memref_squeeze %dma_start3A_146 : memref<1x64x128xf32, #tpu.memory_space<hbm>> -> memref<64x128xf32, #tpu.memory_space<hbm>>
    %dma_start3A_148 = arith.constant 0 : i32
    %dma_start3A_149 = tpu.memref_slice %arg4[%dma_start3A_144, %add3A_143, %dma_start3A_148] : memref<50x4096x128xf32, #tpu.memory_space<hbm>> -> memref<1x64x128xf32, #tpu.memory_space<hbm>>
    %dma_start3A_150 = tpu.memref_squeeze %dma_start3A_149 : memref<1x64x128xf32, #tpu.memory_space<hbm>> -> memref<64x128xf32, #tpu.memory_space<hbm>>
    tpu.enqueue_dma source(%arg10 : memref<64x128xf32, #tpu.memory_space<vmem>>) target(%dma_start3A_150 : memref<64x128xf32, #tpu.memory_space<hbm>>) target_semaphore(%arg30 : memref<!tpu.dma_semaphore, #tpu.memory_space<semaphore_mem>>)
    %scan3A = arith.constant 0 : i32
    %scan3A_151 = arith.constant 0 : i32
    %scan3A_152 = arith.constant 9 : i32
    %scan3A_153 = arith.addi %scan3A_151, %scan3A_152 : i32
    %scan3A_154 = arith.constant 1 : i32
    scf.for %scan3A_326 = %scan3A_151 to %scan3A_153 step %scan3A_154  : i32 {
      %mul3A_327 = arith.constant 2 : i32
      %mul3A_328 = arith.muli %mul3A_327, %scan3A_326 : i32
      %add3A_329 = arith.constant 1 : i32
      %add3A_330 = arith.addi %mul3A_328, %add3A_329 : i32
      %mul3A_331 = arith.constant 5 : i32
      %mul3A_332 = arith.muli %add3A_330, %mul3A_331 : i32
      %sub3A = arith.constant 5 : i32
      %sub3A_333 = arith.subi %mul3A_332, %sub3A : i32
      %add3A_334 = arith.constant 0 : i32
      %add3A_335 = arith.addi %sub3A_333, %add3A_334 : i32
      %jit3A = arith.constant 2 : i32
      %div3A = arith.divsi %add3A_335, %jit3A : i32
      %sign3A = arith.constant 0 : i32
      %sign3A_336 = arith.cmpi sgt, %add3A_335, %sign3A : i32
      %sign3A_337 = arith.extui %sign3A_336 : i1 to i32
      %sign3A_338 = arith.constant 0 : i32
      %sign3A_339 = arith.cmpi slt, %add3A_335, %sign3A_338 : i32
      %sign3A_340 = arith.extui %sign3A_339 : i1 to i32
      %sign3A_341 = arith.subi %sign3A_337, %sign3A_340 : i32
      %sign3A_342 = arith.constant 0 : i32
      %sign3A_343 = arith.cmpi sgt, %jit3A, %sign3A_342 : i32
      %sign3A_344 = arith.extui %sign3A_343 : i1 to i32
      %sign3A_345 = arith.constant 0 : i32
      %sign3A_346 = arith.cmpi slt, %jit3A, %sign3A_345 : i32
      %sign3A_347 = arith.extui %sign3A_346 : i1 to i32
      %sign3A_348 = arith.subi %sign3A_344, %sign3A_347 : i32
      %ne3A = arith.cmpi ne, %sign3A_341, %sign3A_348 : i32
      %rem3A = arith.remsi %add3A_335, %jit3A : i32
      %ne3A_349 = arith.constant 0 : i32
      %ne3A_350 = arith.cmpi ne, %rem3A, %ne3A_349 : i32
      %and3A = arith.andi %ne3A, %ne3A_350 : i1
      %sub3A_351 = arith.constant 1 : i32
      %sub3A_352 = arith.subi %div3A, %sub3A_351 : i32
      %select_n3A = arith.select %and3A, %sub3A_352, %div3A : i32
      %jit3A_353 = arith.constant 2 : i32
      %eq3A = arith.constant 0 : i32
      %eq3A_354 = arith.cmpi eq, %jit3A_353, %eq3A : i32
      %jit3A_355 = arith.constant 1 : i32
      %select_n3A_356 = arith.select %eq3A_354, %jit3A_355, %jit3A_353 : i32
      %rem3A_357 = arith.remsi %add3A_335, %select_n3A_356 : i32
      %ne3A_358 = arith.constant 0 : i32
      %ne3A_359 = arith.cmpi ne, %rem3A_357, %ne3A_358 : i32
      %lt3A = arith.constant 0 : i32
      %lt3A_360 = arith.cmpi slt, %rem3A_357, %lt3A : i32
      %lt3A_361 = arith.constant 0 : i32
      %lt3A_362 = arith.cmpi slt, %select_n3A_356, %lt3A_361 : i32
      %ne3A_363 = arith.xori %lt3A_360, %lt3A_362 : i1
      %and3A_364 = arith.andi %ne3A_363, %ne3A_359 : i1
      %add3A_365 = arith.addi %rem3A_357, %select_n3A_356 : i32
      %select_n3A_366 = arith.select %and3A_364, %add3A_365, %rem3A_357 : i32
      %mul3A_367 = arith.constant 64 : i32
      %mul3A_368 = arith.muli %select_n3A_366, %mul3A_367 : i32
      %add3A_369 = arith.addi %mul3A_2, %mul3A_368 : i32
      %dma_wait3A_370 = arith.constant 0 : i32
      %dma_wait3A_371 = tpu.memref_slice %arg4[%select_n3A, %add3A_369, %dma_wait3A_370] : memref<50x4096x128xf32, #tpu.memory_space<hbm>> -> memref<1x64x128xf32, #tpu.memory_space<hbm>>
      %dma_wait3A_372 = tpu.memref_squeeze %dma_wait3A_371 : memref<1x64x128xf32, #tpu.memory_space<hbm>> -> memref<64x128xf32, #tpu.memory_space<hbm>>
      %dma_wait3A_373 = arith.constant 0 : i32
      %dma_wait3A_374 = tpu.memref_slice %arg4[%select_n3A, %add3A_369, %dma_wait3A_373] : memref<50x4096x128xf32, #tpu.memory_space<hbm>> -> memref<1x64x128xf32, #tpu.memory_space<hbm>>
      %dma_wait3A_375 = tpu.memref_squeeze %dma_wait3A_374 : memref<1x64x128xf32, #tpu.memory_space<hbm>> -> memref<64x128xf32, #tpu.memory_space<hbm>>
      tpu.wait_dma2 semaphore(%arg26 : memref<!tpu.dma_semaphore, #tpu.memory_space<semaphore_mem>>) src(%arg6 : memref<64x128xf32, #tpu.memory_space<vmem>>) dst(%dma_wait3A_375 : memref<64x128xf32, #tpu.memory_space<hbm>>)
      %add3A_376 = arith.constant 5 : i32
      %add3A_377 = arith.addi %mul3A_332, %add3A_376 : i32
      %add3A_378 = arith.constant 0 : i32
      %add3A_379 = arith.addi %add3A_377, %add3A_378 : i32
      %jit3A_380 = arith.constant 2 : i32
      %div3A_381 = arith.divsi %add3A_379, %jit3A_380 : i32
      %sign3A_382 = arith.constant 0 : i32
      %sign3A_383 = arith.cmpi sgt, %add3A_379, %sign3A_382 : i32
      %sign3A_384 = arith.extui %sign3A_383 : i1 to i32
      %sign3A_385 = arith.constant 0 : i32
      %sign3A_386 = arith.cmpi slt, %add3A_379, %sign3A_385 : i32
      %sign3A_387 = arith.extui %sign3A_386 : i1 to i32
      %sign3A_388 = arith.subi %sign3A_384, %sign3A_387 : i32
      %sign3A_389 = arith.constant 0 : i32
      %sign3A_390 = arith.cmpi sgt, %jit3A_380, %sign3A_389 : i32
      %sign3A_391 = arith.extui %sign3A_390 : i1 to i32
      %sign3A_392 = arith.constant 0 : i32
      %sign3A_393 = arith.cmpi slt, %jit3A_380, %sign3A_392 : i32
      %sign3A_394 = arith.extui %sign3A_393 : i1 to i32
      %sign3A_395 = arith.subi %sign3A_391, %sign3A_394 : i32
      %ne3A_396 = arith.cmpi ne, %sign3A_388, %sign3A_395 : i32
      %rem3A_397 = arith.remsi %add3A_379, %jit3A_380 : i32
      %ne3A_398 = arith.constant 0 : i32
      %ne3A_399 = arith.cmpi ne, %rem3A_397, %ne3A_398 : i32
      %and3A_400 = arith.andi %ne3A_396, %ne3A_399 : i1
      %sub3A_401 = arith.constant 1 : i32
      %sub3A_402 = arith.subi %div3A_381, %sub3A_401 : i32
      %select_n3A_403 = arith.select %and3A_400, %sub3A_402, %div3A_381 : i32
      %jit3A_404 = arith.constant 2 : i32
      %eq3A_405 = arith.constant 0 : i32
      %eq3A_406 = arith.cmpi eq, %jit3A_404, %eq3A_405 : i32
      %jit3A_407 = arith.constant 1 : i32
      %select_n3A_408 = arith.select %eq3A_406, %jit3A_407, %jit3A_404 : i32
      %rem3A_409 = arith.remsi %add3A_379, %select_n3A_408 : i32
      %ne3A_410 = arith.constant 0 : i32
      %ne3A_411 = arith.cmpi ne, %rem3A_409, %ne3A_410 : i32
      %lt3A_412 = arith.constant 0 : i32
      %lt3A_413 = arith.cmpi slt, %rem3A_409, %lt3A_412 : i32
      %lt3A_414 = arith.constant 0 : i32
      %lt3A_415 = arith.cmpi slt, %select_n3A_408, %lt3A_414 : i32
      %ne3A_416 = arith.xori %lt3A_413, %lt3A_415 : i1
      %and3A_417 = arith.andi %ne3A_416, %ne3A_411 : i1
      %add3A_418 = arith.addi %rem3A_409, %select_n3A_408 : i32
      %select_n3A_419 = arith.select %and3A_417, %add3A_418, %rem3A_409 : i32
      %mul3A_420 = arith.constant 64 : i32
      %mul3A_421 = arith.muli %select_n3A_419, %mul3A_420 : i32
      %dma_start3A_422 = tpu.memref_slice %arg5[%select_n3A_403, %mul3A_421] : memref<50x128xi32, #tpu.memory_space<vmem>> -> memref<1x64xi32, #tpu.memory_space<vmem>>
      %dma_start3A_423 = tpu.memref_squeeze %dma_start3A_422 : memref<1x64xi32, #tpu.memory_space<vmem>> -> memref<64xi32, #tpu.memory_space<vmem>>
      %dma_start3A_424 = arith.constant 0 : i32
      %dma_start3A_425 = arith.constant 0 : i32
      %dma_start3A_426 = tpu.memref_slice %arg2[%dma_start3A_424, %dma_start3A_425] : memref<100000x128xf32, #tpu.memory_space<hbm>> -> memref<100000x128xf32, #tpu.memory_space<hbm>>
      tpu.enqueue_indirect_dma source(%dma_start3A_426 : memref<100000x128xf32, #tpu.memory_space<hbm>>) target(%arg6 : memref<64x128xf32, #tpu.memory_space<vmem>>) offsets(%dma_start3A_423 : memref<64xi32, #tpu.memory_space<vmem>>) semaphore(%arg16 : memref<!tpu.dma_semaphore, #tpu.memory_space<semaphore_mem>>)
      %add3A_427 = arith.constant 0 : i32
      %add3A_428 = arith.addi %mul3A_332, %add3A_427 : i32
      %jit3A_429 = arith.constant 2 : i32
      %div3A_430 = arith.divsi %add3A_428, %jit3A_429 : i32
      %sign3A_431 = arith.constant 0 : i32
      %sign3A_432 = arith.cmpi sgt, %add3A_428, %sign3A_431 : i32
      %sign3A_433 = arith.extui %sign3A_432 : i1 to i32
      %sign3A_434 = arith.constant 0 : i32
      %sign3A_435 = arith.cmpi slt, %add3A_428, %sign3A_434 : i32
      %sign3A_436 = arith.extui %sign3A_435 : i1 to i32
      %sign3A_437 = arith.subi %sign3A_433, %sign3A_436 : i32
      %sign3A_438 = arith.constant 0 : i32
      %sign3A_439 = arith.cmpi sgt, %jit3A_429, %sign3A_438 : i32
      %sign3A_440 = arith.extui %sign3A_439 : i1 to i32
      %sign3A_441 = arith.constant 0 : i32
      %sign3A_442 = arith.cmpi slt, %jit3A_429, %sign3A_441 : i32
      %sign3A_443 = arith.extui %sign3A_442 : i1 to i32
      %sign3A_444 = arith.subi %sign3A_440, %sign3A_443 : i32
      %ne3A_445 = arith.cmpi ne, %sign3A_437, %sign3A_444 : i32
      %rem3A_446 = arith.remsi %add3A_428, %jit3A_429 : i32
      %ne3A_447 = arith.constant 0 : i32
      %ne3A_448 = arith.cmpi ne, %rem3A_446, %ne3A_447 : i32
      %and3A_449 = arith.andi %ne3A_445, %ne3A_448 : i1
      %sub3A_450 = arith.constant 1 : i32
      %sub3A_451 = arith.subi %div3A_430, %sub3A_450 : i32
      %select_n3A_452 = arith.select %and3A_449, %sub3A_451, %div3A_430 : i32
      %jit3A_453 = arith.constant 2 : i32
      %eq3A_454 = arith.constant 0 : i32
      %eq3A_455 = arith.cmpi eq, %jit3A_453, %eq3A_454 : i32
      %jit3A_456 = arith.constant 1 : i32
      %select_n3A_457 = arith.select %eq3A_455, %jit3A_456, %jit3A_453 : i32
      %rem3A_458 = arith.remsi %add3A_428, %select_n3A_457 : i32
      %ne3A_459 = arith.constant 0 : i32
      %ne3A_460 = arith.cmpi ne, %rem3A_458, %ne3A_459 : i32
      %lt3A_461 = arith.constant 0 : i32
      %lt3A_462 = arith.cmpi slt, %rem3A_458, %lt3A_461 : i32
      %lt3A_463 = arith.constant 0 : i32
      %lt3A_464 = arith.cmpi slt, %select_n3A_457, %lt3A_463 : i32
      %ne3A_465 = arith.xori %lt3A_462, %lt3A_464 : i1
      %and3A_466 = arith.andi %ne3A_465, %ne3A_460 : i1
      %add3A_467 = arith.addi %rem3A_458, %select_n3A_457 : i32
      %select_n3A_468 = arith.select %and3A_466, %add3A_467, %rem3A_458 : i32
      %mul3A_469 = arith.constant 64 : i32
      %mul3A_470 = arith.muli %select_n3A_468, %mul3A_469 : i32
      %dma_wait3A_471 = tpu.memref_slice %arg5[%select_n3A_452, %mul3A_470] : memref<50x128xi32, #tpu.memory_space<vmem>> -> memref<1x64xi32, #tpu.memory_space<vmem>>
      %dma_wait3A_472 = tpu.memref_squeeze %dma_wait3A_471 : memref<1x64xi32, #tpu.memory_space<vmem>> -> memref<64xi32, #tpu.memory_space<vmem>>
      %dma_wait3A_473 = arith.constant 0 : i32
      %dma_wait3A_474 = arith.constant 0 : i32
      %dma_wait3A_475 = tpu.memref_slice %arg2[%dma_wait3A_473, %dma_wait3A_474] : memref<100000x128xf32, #tpu.memory_space<hbm>> -> memref<100000x128xf32, #tpu.memory_space<hbm>>
      tpu.wait_indirect_dma semaphore(%arg21 : memref<!tpu.dma_semaphore, #tpu.memory_space<semaphore_mem>>) src(%dma_wait3A_475 : memref<100000x128xf32, #tpu.memory_space<hbm>>) dst(%arg11 : memref<64x128xf32, #tpu.memory_space<vmem>>)
      %add3A_476 = arith.constant 0 : i32
      %add3A_477 = arith.addi %mul3A_332, %add3A_476 : i32
      %jit3A_478 = arith.constant 2 : i32
      %div3A_479 = arith.divsi %add3A_477, %jit3A_478 : i32
      %sign3A_480 = arith.constant 0 : i32
      %sign3A_481 = arith.cmpi sgt, %add3A_477, %sign3A_480 : i32
      %sign3A_482 = arith.extui %sign3A_481 : i1 to i32
      %sign3A_483 = arith.constant 0 : i32
      %sign3A_484 = arith.cmpi slt, %add3A_477, %sign3A_483 : i32
      %sign3A_485 = arith.extui %sign3A_484 : i1 to i32
      %sign3A_486 = arith.subi %sign3A_482, %sign3A_485 : i32
      %sign3A_487 = arith.constant 0 : i32
      %sign3A_488 = arith.cmpi sgt, %jit3A_478, %sign3A_487 : i32
      %sign3A_489 = arith.extui %sign3A_488 : i1 to i32
      %sign3A_490 = arith.constant 0 : i32
      %sign3A_491 = arith.cmpi slt, %jit3A_478, %sign3A_490 : i32
      %sign3A_492 = arith.extui %sign3A_491 : i1 to i32
      %sign3A_493 = arith.subi %sign3A_489, %sign3A_492 : i32
      %ne3A_494 = arith.cmpi ne, %sign3A_486, %sign3A_493 : i32
      %rem3A_495 = arith.remsi %add3A_477, %jit3A_478 : i32
      %ne3A_496 = arith.constant 0 : i32
      %ne3A_497 = arith.cmpi ne, %rem3A_495, %ne3A_496 : i32
      %and3A_498 = arith.andi %ne3A_494, %ne3A_497 : i1
      %sub3A_499 = arith.constant 1 : i32
      %sub3A_500 = arith.subi %div3A_479, %sub3A_499 : i32
      %select_n3A_501 = arith.select %and3A_498, %sub3A_500, %div3A_479 : i32
      %jit3A_502 = arith.constant 2 : i32
      %eq3A_503 = arith.constant 0 : i32
      %eq3A_504 = arith.cmpi eq, %jit3A_502, %eq3A_503 : i32
      %jit3A_505 = arith.constant 1 : i32
      %select_n3A_506 = arith.select %eq3A_504, %jit3A_505, %jit3A_502 : i32
      %rem3A_507 = arith.remsi %add3A_477, %select_n3A_506 : i32
      %ne3A_508 = arith.constant 0 : i32
      %ne3A_509 = arith.cmpi ne, %rem3A_507, %ne3A_508 : i32
      %lt3A_510 = arith.constant 0 : i32
      %lt3A_511 = arith.cmpi slt, %rem3A_507, %lt3A_510 : i32
      %lt3A_512 = arith.constant 0 : i32
      %lt3A_513 = arith.cmpi slt, %select_n3A_506, %lt3A_512 : i32
      %ne3A_514 = arith.xori %lt3A_511, %lt3A_513 : i1
      %and3A_515 = arith.andi %ne3A_514, %ne3A_509 : i1
      %add3A_516 = arith.addi %rem3A_507, %select_n3A_506 : i32
      %select_n3A_517 = arith.select %and3A_515, %add3A_516, %rem3A_507 : i32
      %mul3A_518 = arith.constant 64 : i32
      %mul3A_519 = arith.muli %select_n3A_517, %mul3A_518 : i32
      %add3A_520 = arith.addi %mul3A_2, %mul3A_519 : i32
      %dma_start3A_521 = arith.constant 0 : i32
      %dma_start3A_522 = tpu.memref_slice %arg4[%select_n3A_501, %add3A_520, %dma_start3A_521] : memref<50x4096x128xf32, #tpu.memory_space<hbm>> -> memref<1x64x128xf32, #tpu.memory_space<hbm>>
      %dma_start3A_523 = tpu.memref_squeeze %dma_start3A_522 : memref<1x64x128xf32, #tpu.memory_space<hbm>> -> memref<64x128xf32, #tpu.memory_space<hbm>>
      %dma_start3A_524 = arith.constant 0 : i32
      %dma_start3A_525 = tpu.memref_slice %arg4[%select_n3A_501, %add3A_520, %dma_start3A_524] : memref<50x4096x128xf32, #tpu.memory_space<hbm>> -> memref<1x64x128xf32, #tpu.memory_space<hbm>>
      %dma_start3A_526 = tpu.memref_squeeze %dma_start3A_525 : memref<1x64x128xf32, #tpu.memory_space<hbm>> -> memref<64x128xf32, #tpu.memory_space<hbm>>
      tpu.enqueue_dma source(%arg11 : memref<64x128xf32, #tpu.memory_space<vmem>>) target(%dma_start3A_526 : memref<64x128xf32, #tpu.memory_space<hbm>>) target_semaphore(%arg31 : memref<!tpu.dma_semaphore, #tpu.memory_space<semaphore_mem>>)
      %sub3A_527 = arith.constant 5 : i32
      %sub3A_528 = arith.subi %mul3A_332, %sub3A_527 : i32
      %add3A_529 = arith.constant 1 : i32
      %add3A_530 = arith.addi %sub3A_528, %add3A_529 : i32
      %jit3A_531 = arith.constant 2 : i32
      %div3A_532 = arith.divsi %add3A_530, %jit3A_531 : i32
      %sign3A_533 = arith.constant 0 : i32
      %sign3A_534 = arith.cmpi sgt, %add3A_530, %sign3A_533 : i32
      %sign3A_535 = arith.extui %sign3A_534 : i1 to i32
      %sign3A_536 = arith.constant 0 : i32
      %sign3A_537 = arith.cmpi slt, %add3A_530, %sign3A_536 : i32
      %sign3A_538 = arith.extui %sign3A_537 : i1 to i32
      %sign3A_539 = arith.subi %sign3A_535, %sign3A_538 : i32
      %sign3A_540 = arith.constant 0 : i32
      %sign3A_541 = arith.cmpi sgt, %jit3A_531, %sign3A_540 : i32
      %sign3A_542 = arith.extui %sign3A_541 : i1 to i32
      %sign3A_543 = arith.constant 0 : i32
      %sign3A_544 = arith.cmpi slt, %jit3A_531, %sign3A_543 : i32
      %sign3A_545 = arith.extui %sign3A_544 : i1 to i32
      %sign3A_546 = arith.subi %sign3A_542, %sign3A_545 : i32
      %ne3A_547 = arith.cmpi ne, %sign3A_539, %sign3A_546 : i32
      %rem3A_548 = arith.remsi %add3A_530, %jit3A_531 : i32
      %ne3A_549 = arith.constant 0 : i32
      %ne3A_550 = arith.cmpi ne, %rem3A_548, %ne3A_549 : i32
      %and3A_551 = arith.andi %ne3A_547, %ne3A_550 : i1
      %sub3A_552 = arith.constant 1 : i32
      %sub3A_553 = arith.subi %div3A_532, %sub3A_552 : i32
      %select_n3A_554 = arith.select %and3A_551, %sub3A_553, %div3A_532 : i32
      %jit3A_555 = arith.constant 2 : i32
      %eq3A_556 = arith.constant 0 : i32
      %eq3A_557 = arith.cmpi eq, %jit3A_555, %eq3A_556 : i32
      %jit3A_558 = arith.constant 1 : i32
      %select_n3A_559 = arith.select %eq3A_557, %jit3A_558, %jit3A_555 : i32
      %rem3A_560 = arith.remsi %add3A_530, %select_n3A_559 : i32
      %ne3A_561 = arith.constant 0 : i32
      %ne3A_562 = arith.cmpi ne, %rem3A_560, %ne3A_561 : i32
      %lt3A_563 = arith.constant 0 : i32
      %lt3A_564 = arith.cmpi slt, %rem3A_560, %lt3A_563 : i32
      %lt3A_565 = arith.constant 0 : i32
      %lt3A_566 = arith.cmpi slt, %select_n3A_559, %lt3A_565 : i32
      %ne3A_567 = arith.xori %lt3A_564, %lt3A_566 : i1
      %and3A_568 = arith.andi %ne3A_567, %ne3A_562 : i1
      %add3A_569 = arith.addi %rem3A_560, %select_n3A_559 : i32
      %select_n3A_570 = arith.select %and3A_568, %add3A_569, %rem3A_560 : i32
      %mul3A_571 = arith.constant 64 : i32
      %mul3A_572 = arith.muli %select_n3A_570, %mul3A_571 : i32
      %add3A_573 = arith.addi %mul3A_2, %mul3A_572 : i32
      %dma_wait3A_574 = arith.constant 0 : i32
      %dma_wait3A_575 = tpu.memref_slice %arg4[%select_n3A_554, %add3A_573, %dma_wait3A_574] : memref<50x4096x128xf32, #tpu.memory_space<hbm>> -> memref<1x64x128xf32, #tpu.memory_space<hbm>>
      %dma_wait3A_576 = tpu.memref_squeeze %dma_wait3A_575 : memref<1x64x128xf32, #tpu.memory_space<hbm>> -> memref<64x128xf32, #tpu.memory_space<hbm>>
      %dma_wait3A_577 = arith.constant 0 : i32
      %dma_wait3A_578 = tpu.memref_slice %arg4[%select_n3A_554, %add3A_573, %dma_wait3A_577] : memref<50x4096x128xf32, #tpu.memory_space<hbm>> -> memref<1x64x128xf32, #tpu.memory_space<hbm>>
      %dma_wait3A_579 = tpu.memref_squeeze %dma_wait3A_578 : memref<1x64x128xf32, #tpu.memory_space<hbm>> -> memref<64x128xf32, #tpu.memory_space<hbm>>
      tpu.wait_dma2 semaphore(%arg27 : memref<!tpu.dma_semaphore, #tpu.memory_space<semaphore_mem>>) src(%arg7 : memref<64x128xf32, #tpu.memory_space<vmem>>) dst(%dma_wait3A_579 : memref<64x128xf32, #tpu.memory_space<hbm>>)
      %add3A_580 = arith.constant 5 : i32
      %add3A_581 = arith.addi %mul3A_332, %add3A_580 : i32
      %add3A_582 = arith.constant 1 : i32
      %add3A_583 = arith.addi %add3A_581, %add3A_582 : i32
      %jit3A_584 = arith.constant 2 : i32
      %div3A_585 = arith.divsi %add3A_583, %jit3A_584 : i32
      %sign3A_586 = arith.constant 0 : i32
      %sign3A_587 = arith.cmpi sgt, %add3A_583, %sign3A_586 : i32
      %sign3A_588 = arith.extui %sign3A_587 : i1 to i32
      %sign3A_589 = arith.constant 0 : i32
      %sign3A_590 = arith.cmpi slt, %add3A_583, %sign3A_589 : i32
      %sign3A_591 = arith.extui %sign3A_590 : i1 to i32
      %sign3A_592 = arith.subi %sign3A_588, %sign3A_591 : i32
      %sign3A_593 = arith.constant 0 : i32
      %sign3A_594 = arith.cmpi sgt, %jit3A_584, %sign3A_593 : i32
      %sign3A_595 = arith.extui %sign3A_594 : i1 to i32
      %sign3A_596 = arith.constant 0 : i32
      %sign3A_597 = arith.cmpi slt, %jit3A_584, %sign3A_596 : i32
      %sign3A_598 = arith.extui %sign3A_597 : i1 to i32
      %sign3A_599 = arith.subi %sign3A_595, %sign3A_598 : i32
      %ne3A_600 = arith.cmpi ne, %sign3A_592, %sign3A_599 : i32
      %rem3A_601 = arith.remsi %add3A_583, %jit3A_584 : i32
      %ne3A_602 = arith.constant 0 : i32
      %ne3A_603 = arith.cmpi ne, %rem3A_601, %ne3A_602 : i32
      %and3A_604 = arith.andi %ne3A_600, %ne3A_603 : i1
      %sub3A_605 = arith.constant 1 : i32
      %sub3A_606 = arith.subi %div3A_585, %sub3A_605 : i32
      %select_n3A_607 = arith.select %and3A_604, %sub3A_606, %div3A_585 : i32
      %jit3A_608 = arith.constant 2 : i32
      %eq3A_609 = arith.constant 0 : i32
      %eq3A_610 = arith.cmpi eq, %jit3A_608, %eq3A_609 : i32
      %jit3A_611 = arith.constant 1 : i32
      %select_n3A_612 = arith.select %eq3A_610, %jit3A_611, %jit3A_608 : i32
      %rem3A_613 = arith.remsi %add3A_583, %select_n3A_612 : i32
      %ne3A_614 = arith.constant 0 : i32
      %ne3A_615 = arith.cmpi ne, %rem3A_613, %ne3A_614 : i32
      %lt3A_616 = arith.constant 0 : i32
      %lt3A_617 = arith.cmpi slt, %rem3A_613, %lt3A_616 : i32
      %lt3A_618 = arith.constant 0 : i32
      %lt3A_619 = arith.cmpi slt, %select_n3A_612, %lt3A_618 : i32
      %ne3A_620 = arith.xori %lt3A_617, %lt3A_619 : i1
      %and3A_621 = arith.andi %ne3A_620, %ne3A_615 : i1
      %add3A_622 = arith.addi %rem3A_613, %select_n3A_612 : i32
      %select_n3A_623 = arith.select %and3A_621, %add3A_622, %rem3A_613 : i32
      %mul3A_624 = arith.constant 64 : i32
      %mul3A_625 = arith.muli %select_n3A_623, %mul3A_624 : i32
      %dma_start3A_626 = tpu.memref_slice %arg5[%select_n3A_607, %mul3A_625] : memref<50x128xi32, #tpu.memory_space<vmem>> -> memref<1x64xi32, #tpu.memory_space<vmem>>
      %dma_start3A_627 = tpu.memref_squeeze %dma_start3A_626 : memref<1x64xi32, #tpu.memory_space<vmem>> -> memref<64xi32, #tpu.memory_space<vmem>>
      %dma_start3A_628 = arith.constant 0 : i32
      %dma_start3A_629 = arith.constant 0 : i32
      %dma_start3A_630 = tpu.memref_slice %arg2[%dma_start3A_628, %dma_start3A_629] : memref<100000x128xf32, #tpu.memory_space<hbm>> -> memref<100000x128xf32, #tpu.memory_space<hbm>>
      tpu.enqueue_indirect_dma source(%dma_start3A_630 : memref<100000x128xf32, #tpu.memory_space<hbm>>) target(%arg7 : memref<64x128xf32, #tpu.memory_space<vmem>>) offsets(%dma_start3A_627 : memref<64xi32, #tpu.memory_space<vmem>>) semaphore(%arg17 : memref<!tpu.dma_semaphore, #tpu.memory_space<semaphore_mem>>)
      %add3A_631 = arith.constant 1 : i32
      %add3A_632 = arith.addi %mul3A_332, %add3A_631 : i32
      %jit3A_633 = arith.constant 2 : i32
      %div3A_634 = arith.divsi %add3A_632, %jit3A_633 : i32
      %sign3A_635 = arith.constant 0 : i32
      %sign3A_636 = arith.cmpi sgt, %add3A_632, %sign3A_635 : i32
      %sign3A_637 = arith.extui %sign3A_636 : i1 to i32
      %sign3A_638 = arith.constant 0 : i32
      %sign3A_639 = arith.cmpi slt, %add3A_632, %sign3A_638 : i32
      %sign3A_640 = arith.extui %sign3A_639 : i1 to i32
      %sign3A_641 = arith.subi %sign3A_637, %sign3A_640 : i32
      %sign3A_642 = arith.constant 0 : i32
      %sign3A_643 = arith.cmpi sgt, %jit3A_633, %sign3A_642 : i32
      %sign3A_644 = arith.extui %sign3A_643 : i1 to i32
      %sign3A_645 = arith.constant 0 : i32
      %sign3A_646 = arith.cmpi slt, %jit3A_633, %sign3A_645 : i32
      %sign3A_647 = arith.extui %sign3A_646 : i1 to i32
      %sign3A_648 = arith.subi %sign3A_644, %sign3A_647 : i32
      %ne3A_649 = arith.cmpi ne, %sign3A_641, %sign3A_648 : i32
      %rem3A_650 = arith.remsi %add3A_632, %jit3A_633 : i32
      %ne3A_651 = arith.constant 0 : i32
      %ne3A_652 = arith.cmpi ne, %rem3A_650, %ne3A_651 : i32
      %and3A_653 = arith.andi %ne3A_649, %ne3A_652 : i1
      %sub3A_654 = arith.constant 1 : i32
      %sub3A_655 = arith.subi %div3A_634, %sub3A_654 : i32
      %select_n3A_656 = arith.select %and3A_653, %sub3A_655, %div3A_634 : i32
      %jit3A_657 = arith.constant 2 : i32
      %eq3A_658 = arith.constant 0 : i32
      %eq3A_659 = arith.cmpi eq, %jit3A_657, %eq3A_658 : i32
      %jit3A_660 = arith.constant 1 : i32
      %select_n3A_661 = arith.select %eq3A_659, %jit3A_660, %jit3A_657 : i32
      %rem3A_662 = arith.remsi %add3A_632, %select_n3A_661 : i32
      %ne3A_663 = arith.constant 0 : i32
      %ne3A_664 = arith.cmpi ne, %rem3A_662, %ne3A_663 : i32
      %lt3A_665 = arith.constant 0 : i32
      %lt3A_666 = arith.cmpi slt, %rem3A_662, %lt3A_665 : i32
      %lt3A_667 = arith.constant 0 : i32
      %lt3A_668 = arith.cmpi slt, %select_n3A_661, %lt3A_667 : i32
      %ne3A_669 = arith.xori %lt3A_666, %lt3A_668 : i1
      %and3A_670 = arith.andi %ne3A_669, %ne3A_664 : i1
      %add3A_671 = arith.addi %rem3A_662, %select_n3A_661 : i32
      %select_n3A_672 = arith.select %and3A_670, %add3A_671, %rem3A_662 : i32
      %mul3A_673 = arith.constant 64 : i32
      %mul3A_674 = arith.muli %select_n3A_672, %mul3A_673 : i32
      %dma_wait3A_675 = tpu.memref_slice %arg5[%select_n3A_656, %mul3A_674] : memref<50x128xi32, #tpu.memory_space<vmem>> -> memref<1x64xi32, #tpu.memory_space<vmem>>
      %dma_wait3A_676 = tpu.memref_squeeze %dma_wait3A_675 : memref<1x64xi32, #tpu.memory_space<vmem>> -> memref<64xi32, #tpu.memory_space<vmem>>
      %dma_wait3A_677 = arith.constant 0 : i32
      %dma_wait3A_678 = arith.constant 0 : i32
      %dma_wait3A_679 = tpu.memref_slice %arg2[%dma_wait3A_677, %dma_wait3A_678] : memref<100000x128xf32, #tpu.memory_space<hbm>> -> memref<100000x128xf32, #tpu.memory_space<hbm>>
      tpu.wait_indirect_dma semaphore(%arg22 : memref<!tpu.dma_semaphore, #tpu.memory_space<semaphore_mem>>) src(%dma_wait3A_679 : memref<100000x128xf32, #tpu.memory_space<hbm>>) dst(%arg12 : memref<64x128xf32, #tpu.memory_space<vmem>>)
      %add3A_680 = arith.constant 1 : i32
      %add3A_681 = arith.addi %mul3A_332, %add3A_680 : i32
      %jit3A_682 = arith.constant 2 : i32
      %div3A_683 = arith.divsi %add3A_681, %jit3A_682 : i32
      %sign3A_684 = arith.constant 0 : i32
      %sign3A_685 = arith.cmpi sgt, %add3A_681, %sign3A_684 : i32
      %sign3A_686 = arith.extui %sign3A_685 : i1 to i32
      %sign3A_687 = arith.constant 0 : i32
      %sign3A_688 = arith.cmpi slt, %add3A_681, %sign3A_687 : i32
      %sign3A_689 = arith.extui %sign3A_688 : i1 to i32
      %sign3A_690 = arith.subi %sign3A_686, %sign3A_689 : i32
      %sign3A_691 = arith.constant 0 : i32
      %sign3A_692 = arith.cmpi sgt, %jit3A_682, %sign3A_691 : i32
      %sign3A_693 = arith.extui %sign3A_692 : i1 to i32
      %sign3A_694 = arith.constant 0 : i32
      %sign3A_695 = arith.cmpi slt, %jit3A_682, %sign3A_694 : i32
      %sign3A_696 = arith.extui %sign3A_695 : i1 to i32
      %sign3A_697 = arith.subi %sign3A_693, %sign3A_696 : i32
      %ne3A_698 = arith.cmpi ne, %sign3A_690, %sign3A_697 : i32
      %rem3A_699 = arith.remsi %add3A_681, %jit3A_682 : i32
      %ne3A_700 = arith.constant 0 : i32
      %ne3A_701 = arith.cmpi ne, %rem3A_699, %ne3A_700 : i32
      %and3A_702 = arith.andi %ne3A_698, %ne3A_701 : i1
      %sub3A_703 = arith.constant 1 : i32
      %sub3A_704 = arith.subi %div3A_683, %sub3A_703 : i32
      %select_n3A_705 = arith.select %and3A_702, %sub3A_704, %div3A_683 : i32
      %jit3A_706 = arith.constant 2 : i32
      %eq3A_707 = arith.constant 0 : i32
      %eq3A_708 = arith.cmpi eq, %jit3A_706, %eq3A_707 : i32
      %jit3A_709 = arith.constant 1 : i32
      %select_n3A_710 = arith.select %eq3A_708, %jit3A_709, %jit3A_706 : i32
      %rem3A_711 = arith.remsi %add3A_681, %select_n3A_710 : i32
      %ne3A_712 = arith.constant 0 : i32
      %ne3A_713 = arith.cmpi ne, %rem3A_711, %ne3A_712 : i32
      %lt3A_714 = arith.constant 0 : i32
      %lt3A_715 = arith.cmpi slt, %rem3A_711, %lt3A_714 : i32
      %lt3A_716 = arith.constant 0 : i32
      %lt3A_717 = arith.cmpi slt, %select_n3A_710, %lt3A_716 : i32
      %ne3A_718 = arith.xori %lt3A_715, %lt3A_717 : i1
      %and3A_719 = arith.andi %ne3A_718, %ne3A_713 : i1
      %add3A_720 = arith.addi %rem3A_711, %select_n3A_710 : i32
      %select_n3A_721 = arith.select %and3A_719, %add3A_720, %rem3A_711 : i32
      %mul3A_722 = arith.constant 64 : i32
      %mul3A_723 = arith.muli %select_n3A_721, %mul3A_722 : i32
      %add3A_724 = arith.addi %mul3A_2, %mul3A_723 : i32
      %dma_start3A_725 = arith.constant 0 : i32
      %dma_start3A_726 = tpu.memref_slice %arg4[%select_n3A_705, %add3A_724, %dma_start3A_725] : memref<50x4096x128xf32, #tpu.memory_space<hbm>> -> memref<1x64x128xf32, #tpu.memory_space<hbm>>
      %dma_start3A_727 = tpu.memref_squeeze %dma_start3A_726 : memref<1x64x128xf32, #tpu.memory_space<hbm>> -> memref<64x128xf32, #tpu.memory_space<hbm>>
      %dma_start3A_728 = arith.constant 0 : i32
      %dma_start3A_729 = tpu.memref_slice %arg4[%select_n3A_705, %add3A_724, %dma_start3A_728] : memref<50x4096x128xf32, #tpu.memory_space<hbm>> -> memref<1x64x128xf32, #tpu.memory_space<hbm>>
      %dma_start3A_730 = tpu.memref_squeeze %dma_start3A_729 : memref<1x64x128xf32, #tpu.memory_space<hbm>> -> memref<64x128xf32, #tpu.memory_space<hbm>>
      tpu.enqueue_dma source(%arg12 : memref<64x128xf32, #tpu.memory_space<vmem>>) target(%dma_start3A_730 : memref<64x128xf32, #tpu.memory_space<hbm>>) target_semaphore(%arg32 : memref<!tpu.dma_semaphore, #tpu.memory_space<semaphore_mem>>)
      %sub3A_731 = arith.constant 5 : i32
      %sub3A_732 = arith.subi %mul3A_332, %sub3A_731 : i32
      %add3A_733 = arith.constant 2 : i32
      %add3A_734 = arith.addi %sub3A_732, %add3A_733 : i32
      %jit3A_735 = arith.constant 2 : i32
      %div3A_736 = arith.divsi %add3A_734, %jit3A_735 : i32
      %sign3A_737 = arith.constant 0 : i32
      %sign3A_738 = arith.cmpi sgt, %add3A_734, %sign3A_737 : i32
      %sign3A_739 = arith.extui %sign3A_738 : i1 to i32
      %sign3A_740 = arith.constant 0 : i32
      %sign3A_741 = arith.cmpi slt, %add3A_734, %sign3A_740 : i32
      %sign3A_742 = arith.extui %sign3A_741 : i1 to i32
      %sign3A_743 = arith.subi %sign3A_739, %sign3A_742 : i32
      %sign3A_744 = arith.constant 0 : i32
      %sign3A_745 = arith.cmpi sgt, %jit3A_735, %sign3A_744 : i32
      %sign3A_746 = arith.extui %sign3A_745 : i1 to i32
      %sign3A_747 = arith.constant 0 : i32
      %sign3A_748 = arith.cmpi slt, %jit3A_735, %sign3A_747 : i32
      %sign3A_749 = arith.extui %sign3A_748 : i1 to i32
      %sign3A_750 = arith.subi %sign3A_746, %sign3A_749 : i32
      %ne3A_751 = arith.cmpi ne, %sign3A_743, %sign3A_750 : i32
      %rem3A_752 = arith.remsi %add3A_734, %jit3A_735 : i32
      %ne3A_753 = arith.constant 0 : i32
      %ne3A_754 = arith.cmpi ne, %rem3A_752, %ne3A_753 : i32
      %and3A_755 = arith.andi %ne3A_751, %ne3A_754 : i1
      %sub3A_756 = arith.constant 1 : i32
      %sub3A_757 = arith.subi %div3A_736, %sub3A_756 : i32
      %select_n3A_758 = arith.select %and3A_755, %sub3A_757, %div3A_736 : i32
      %jit3A_759 = arith.constant 2 : i32
      %eq3A_760 = arith.constant 0 : i32
      %eq3A_761 = arith.cmpi eq, %jit3A_759, %eq3A_760 : i32
      %jit3A_762 = arith.constant 1 : i32
      %select_n3A_763 = arith.select %eq3A_761, %jit3A_762, %jit3A_759 : i32
      %rem3A_764 = arith.remsi %add3A_734, %select_n3A_763 : i32
      %ne3A_765 = arith.constant 0 : i32
      %ne3A_766 = arith.cmpi ne, %rem3A_764, %ne3A_765 : i32
      %lt3A_767 = arith.constant 0 : i32
      %lt3A_768 = arith.cmpi slt, %rem3A_764, %lt3A_767 : i32
      %lt3A_769 = arith.constant 0 : i32
      %lt3A_770 = arith.cmpi slt, %select_n3A_763, %lt3A_769 : i32
      %ne3A_771 = arith.xori %lt3A_768, %lt3A_770 : i1
      %and3A_772 = arith.andi %ne3A_771, %ne3A_766 : i1
      %add3A_773 = arith.addi %rem3A_764, %select_n3A_763 : i32
      %select_n3A_774 = arith.select %and3A_772, %add3A_773, %rem3A_764 : i32
      %mul3A_775 = arith.constant 64 : i32
      %mul3A_776 = arith.muli %select_n3A_774, %mul3A_775 : i32
      %add3A_777 = arith.addi %mul3A_2, %mul3A_776 : i32
      %dma_wait3A_778 = arith.constant 0 : i32
      %dma_wait3A_779 = tpu.memref_slice %arg4[%select_n3A_758, %add3A_777, %dma_wait3A_778] : memref<50x4096x128xf32, #tpu.memory_space<hbm>> -> memref<1x64x128xf32, #tpu.memory_space<hbm>>
      %dma_wait3A_780 = tpu.memref_squeeze %dma_wait3A_779 : memref<1x64x128xf32, #tpu.memory_space<hbm>> -> memref<64x128xf32, #tpu.memory_space<hbm>>
      %dma_wait3A_781 = arith.constant 0 : i32
      %dma_wait3A_782 = tpu.memref_slice %arg4[%select_n3A_758, %add3A_777, %dma_wait3A_781] : memref<50x4096x128xf32, #tpu.memory_space<hbm>> -> memref<1x64x128xf32, #tpu.memory_space<hbm>>
      %dma_wait3A_783 = tpu.memref_squeeze %dma_wait3A_782 : memref<1x64x128xf32, #tpu.memory_space<hbm>> -> memref<64x128xf32, #tpu.memory_space<hbm>>
      tpu.wait_dma2 semaphore(%arg28 : memref<!tpu.dma_semaphore, #tpu.memory_space<semaphore_mem>>) src(%arg8 : memref<64x128xf32, #tpu.memory_space<vmem>>) dst(%dma_wait3A_783 : memref<64x128xf32, #tpu.memory_space<hbm>>)
      %add3A_784 = arith.constant 5 : i32
      %add3A_785 = arith.addi %mul3A_332, %add3A_784 : i32
      %add3A_786 = arith.constant 2 : i32
      %add3A_787 = arith.addi %add3A_785, %add3A_786 : i32
      %jit3A_788 = arith.constant 2 : i32
      %div3A_789 = arith.divsi %add3A_787, %jit3A_788 : i32
      %sign3A_790 = arith.constant 0 : i32
      %sign3A_791 = arith.cmpi sgt, %add3A_787, %sign3A_790 : i32
      %sign3A_792 = arith.extui %sign3A_791 : i1 to i32
      %sign3A_793 = arith.constant 0 : i32
      %sign3A_794 = arith.cmpi slt, %add3A_787, %sign3A_793 : i32
      %sign3A_795 = arith.extui %sign3A_794 : i1 to i32
      %sign3A_796 = arith.subi %sign3A_792, %sign3A_795 : i32
      %sign3A_797 = arith.constant 0 : i32
      %sign3A_798 = arith.cmpi sgt, %jit3A_788, %sign3A_797 : i32
      %sign3A_799 = arith.extui %sign3A_798 : i1 to i32
      %sign3A_800 = arith.constant 0 : i32
      %sign3A_801 = arith.cmpi slt, %jit3A_788, %sign3A_800 : i32
      %sign3A_802 = arith.extui %sign3A_801 : i1 to i32
      %sign3A_803 = arith.subi %sign3A_799, %sign3A_802 : i32
      %ne3A_804 = arith.cmpi ne, %sign3A_796, %sign3A_803 : i32
      %rem3A_805 = arith.remsi %add3A_787, %jit3A_788 : i32
      %ne3A_806 = arith.constant 0 : i32
      %ne3A_807 = arith.cmpi ne, %rem3A_805, %ne3A_806 : i32
      %and3A_808 = arith.andi %ne3A_804, %ne3A_807 : i1
      %sub3A_809 = arith.constant 1 : i32
      %sub3A_810 = arith.subi %div3A_789, %sub3A_809 : i32
      %select_n3A_811 = arith.select %and3A_808, %sub3A_810, %div3A_789 : i32
      %jit3A_812 = arith.constant 2 : i32
      %eq3A_813 = arith.constant 0 : i32
      %eq3A_814 = arith.cmpi eq, %jit3A_812, %eq3A_813 : i32
      %jit3A_815 = arith.constant 1 : i32
      %select_n3A_816 = arith.select %eq3A_814, %jit3A_815, %jit3A_812 : i32
      %rem3A_817 = arith.remsi %add3A_787, %select_n3A_816 : i32
      %ne3A_818 = arith.constant 0 : i32
      %ne3A_819 = arith.cmpi ne, %rem3A_817, %ne3A_818 : i32
      %lt3A_820 = arith.constant 0 : i32
      %lt3A_821 = arith.cmpi slt, %rem3A_817, %lt3A_820 : i32
      %lt3A_822 = arith.constant 0 : i32
      %lt3A_823 = arith.cmpi slt, %select_n3A_816, %lt3A_822 : i32
      %ne3A_824 = arith.xori %lt3A_821, %lt3A_823 : i1
      %and3A_825 = arith.andi %ne3A_824, %ne3A_819 : i1
      %add3A_826 = arith.addi %rem3A_817, %select_n3A_816 : i32
      %select_n3A_827 = arith.select %and3A_825, %add3A_826, %rem3A_817 : i32
      %mul3A_828 = arith.constant 64 : i32
      %mul3A_829 = arith.muli %select_n3A_827, %mul3A_828 : i32
      %dma_start3A_830 = tpu.memref_slice %arg5[%select_n3A_811, %mul3A_829] : memref<50x128xi32, #tpu.memory_space<vmem>> -> memref<1x64xi32, #tpu.memory_space<vmem>>
      %dma_start3A_831 = tpu.memref_squeeze %dma_start3A_830 : memref<1x64xi32, #tpu.memory_space<vmem>> -> memref<64xi32, #tpu.memory_space<vmem>>
      %dma_start3A_832 = arith.constant 0 : i32
      %dma_start3A_833 = arith.constant 0 : i32
      %dma_start3A_834 = tpu.memref_slice %arg2[%dma_start3A_832, %dma_start3A_833] : memref<100000x128xf32, #tpu.memory_space<hbm>> -> memref<100000x128xf32, #tpu.memory_space<hbm>>
      tpu.enqueue_indirect_dma source(%dma_start3A_834 : memref<100000x128xf32, #tpu.memory_space<hbm>>) target(%arg8 : memref<64x128xf32, #tpu.memory_space<vmem>>) offsets(%dma_start3A_831 : memref<64xi32, #tpu.memory_space<vmem>>) semaphore(%arg18 : memref<!tpu.dma_semaphore, #tpu.memory_space<semaphore_mem>>)
      %add3A_835 = arith.constant 2 : i32
      %add3A_836 = arith.addi %mul3A_332, %add3A_835 : i32
      %jit3A_837 = arith.constant 2 : i32
      %div3A_838 = arith.divsi %add3A_836, %jit3A_837 : i32
      %sign3A_839 = arith.constant 0 : i32
      %sign3A_840 = arith.cmpi sgt, %add3A_836, %sign3A_839 : i32
      %sign3A_841 = arith.extui %sign3A_840 : i1 to i32
      %sign3A_842 = arith.constant 0 : i32
      %sign3A_843 = arith.cmpi slt, %add3A_836, %sign3A_842 : i32
      %sign3A_844 = arith.extui %sign3A_843 : i1 to i32
      %sign3A_845 = arith.subi %sign3A_841, %sign3A_844 : i32
      %sign3A_846 = arith.constant 0 : i32
      %sign3A_847 = arith.cmpi sgt, %jit3A_837, %sign3A_846 : i32
      %sign3A_848 = arith.extui %sign3A_847 : i1 to i32
      %sign3A_849 = arith.constant 0 : i32
      %sign3A_850 = arith.cmpi slt, %jit3A_837, %sign3A_849 : i32
      %sign3A_851 = arith.extui %sign3A_850 : i1 to i32
      %sign3A_852 = arith.subi %sign3A_848, %sign3A_851 : i32
      %ne3A_853 = arith.cmpi ne, %sign3A_845, %sign3A_852 : i32
      %rem3A_854 = arith.remsi %add3A_836, %jit3A_837 : i32
      %ne3A_855 = arith.constant 0 : i32
      %ne3A_856 = arith.cmpi ne, %rem3A_854, %ne3A_855 : i32
      %and3A_857 = arith.andi %ne3A_853, %ne3A_856 : i1
      %sub3A_858 = arith.constant 1 : i32
      %sub3A_859 = arith.subi %div3A_838, %sub3A_858 : i32
      %select_n3A_860 = arith.select %and3A_857, %sub3A_859, %div3A_838 : i32
      %jit3A_861 = arith.constant 2 : i32
      %eq3A_862 = arith.constant 0 : i32
      %eq3A_863 = arith.cmpi eq, %jit3A_861, %eq3A_862 : i32
      %jit3A_864 = arith.constant 1 : i32
      %select_n3A_865 = arith.select %eq3A_863, %jit3A_864, %jit3A_861 : i32
      %rem3A_866 = arith.remsi %add3A_836, %select_n3A_865 : i32
      %ne3A_867 = arith.constant 0 : i32
      %ne3A_868 = arith.cmpi ne, %rem3A_866, %ne3A_867 : i32
      %lt3A_869 = arith.constant 0 : i32
      %lt3A_870 = arith.cmpi slt, %rem3A_866, %lt3A_869 : i32
      %lt3A_871 = arith.constant 0 : i32
      %lt3A_872 = arith.cmpi slt, %select_n3A_865, %lt3A_871 : i32
      %ne3A_873 = arith.xori %lt3A_870, %lt3A_872 : i1
      %and3A_874 = arith.andi %ne3A_873, %ne3A_868 : i1
      %add3A_875 = arith.addi %rem3A_866, %select_n3A_865 : i32
      %select_n3A_876 = arith.select %and3A_874, %add3A_875, %rem3A_866 : i32
      %mul3A_877 = arith.constant 64 : i32
      %mul3A_878 = arith.muli %select_n3A_876, %mul3A_877 : i32
      %dma_wait3A_879 = tpu.memref_slice %arg5[%select_n3A_860, %mul3A_878] : memref<50x128xi32, #tpu.memory_space<vmem>> -> memref<1x64xi32, #tpu.memory_space<vmem>>
      %dma_wait3A_880 = tpu.memref_squeeze %dma_wait3A_879 : memref<1x64xi32, #tpu.memory_space<vmem>> -> memref<64xi32, #tpu.memory_space<vmem>>
      %dma_wait3A_881 = arith.constant 0 : i32
      %dma_wait3A_882 = arith.constant 0 : i32
      %dma_wait3A_883 = tpu.memref_slice %arg2[%dma_wait3A_881, %dma_wait3A_882] : memref<100000x128xf32, #tpu.memory_space<hbm>> -> memref<100000x128xf32, #tpu.memory_space<hbm>>
      tpu.wait_indirect_dma semaphore(%arg23 : memref<!tpu.dma_semaphore, #tpu.memory_space<semaphore_mem>>) src(%dma_wait3A_883 : memref<100000x128xf32, #tpu.memory_space<hbm>>) dst(%arg13 : memref<64x128xf32, #tpu.memory_space<vmem>>)
      %add3A_884 = arith.constant 2 : i32
      %add3A_885 = arith.addi %mul3A_332, %add3A_884 : i32
      %jit3A_886 = arith.constant 2 : i32
      %div3A_887 = arith.divsi %add3A_885, %jit3A_886 : i32
      %sign3A_888 = arith.constant 0 : i32
      %sign3A_889 = arith.cmpi sgt, %add3A_885, %sign3A_888 : i32
      %sign3A_890 = arith.extui %sign3A_889 : i1 to i32
      %sign3A_891 = arith.constant 0 : i32
      %sign3A_892 = arith.cmpi slt, %add3A_885, %sign3A_891 : i32
      %sign3A_893 = arith.extui %sign3A_892 : i1 to i32
      %sign3A_894 = arith.subi %sign3A_890, %sign3A_893 : i32
      %sign3A_895 = arith.constant 0 : i32
      %sign3A_896 = arith.cmpi sgt, %jit3A_886, %sign3A_895 : i32
      %sign3A_897 = arith.extui %sign3A_896 : i1 to i32
      %sign3A_898 = arith.constant 0 : i32
      %sign3A_899 = arith.cmpi slt, %jit3A_886, %sign3A_898 : i32
      %sign3A_900 = arith.extui %sign3A_899 : i1 to i32
      %sign3A_901 = arith.subi %sign3A_897, %sign3A_900 : i32
      %ne3A_902 = arith.cmpi ne, %sign3A_894, %sign3A_901 : i32
      %rem3A_903 = arith.remsi %add3A_885, %jit3A_886 : i32
      %ne3A_904 = arith.constant 0 : i32
      %ne3A_905 = arith.cmpi ne, %rem3A_903, %ne3A_904 : i32
      %and3A_906 = arith.andi %ne3A_902, %ne3A_905 : i1
      %sub3A_907 = arith.constant 1 : i32
      %sub3A_908 = arith.subi %div3A_887, %sub3A_907 : i32
      %select_n3A_909 = arith.select %and3A_906, %sub3A_908, %div3A_887 : i32
      %jit3A_910 = arith.constant 2 : i32
      %eq3A_911 = arith.constant 0 : i32
      %eq3A_912 = arith.cmpi eq, %jit3A_910, %eq3A_911 : i32
      %jit3A_913 = arith.constant 1 : i32
      %select_n3A_914 = arith.select %eq3A_912, %jit3A_913, %jit3A_910 : i32
      %rem3A_915 = arith.remsi %add3A_885, %select_n3A_914 : i32
      %ne3A_916 = arith.constant 0 : i32
      %ne3A_917 = arith.cmpi ne, %rem3A_915, %ne3A_916 : i32
      %lt3A_918 = arith.constant 0 : i32
      %lt3A_919 = arith.cmpi slt, %rem3A_915, %lt3A_918 : i32
      %lt3A_920 = arith.constant 0 : i32
      %lt3A_921 = arith.cmpi slt, %select_n3A_914, %lt3A_920 : i32
      %ne3A_922 = arith.xori %lt3A_919, %lt3A_921 : i1
      %and3A_923 = arith.andi %ne3A_922, %ne3A_917 : i1
      %add3A_924 = arith.addi %rem3A_915, %select_n3A_914 : i32
      %select_n3A_925 = arith.select %and3A_923, %add3A_924, %rem3A_915 : i32
      %mul3A_926 = arith.constant 64 : i32
      %mul3A_927 = arith.muli %select_n3A_925, %mul3A_926 : i32
      %add3A_928 = arith.addi %mul3A_2, %mul3A_927 : i32
      %dma_start3A_929 = arith.constant 0 : i32
      %dma_start3A_930 = tpu.memref_slice %arg4[%select_n3A_909, %add3A_928, %dma_start3A_929] : memref<50x4096x128xf32, #tpu.memory_space<hbm>> -> memref<1x64x128xf32, #tpu.memory_space<hbm>>
      %dma_start3A_931 = tpu.memref_squeeze %dma_start3A_930 : memref<1x64x128xf32, #tpu.memory_space<hbm>> -> memref<64x128xf32, #tpu.memory_space<hbm>>
      %dma_start3A_932 = arith.constant 0 : i32
      %dma_start3A_933 = tpu.memref_slice %arg4[%select_n3A_909, %add3A_928, %dma_start3A_932] : memref<50x4096x128xf32, #tpu.memory_space<hbm>> -> memref<1x64x128xf32, #tpu.memory_space<hbm>>
      %dma_start3A_934 = tpu.memref_squeeze %dma_start3A_933 : memref<1x64x128xf32, #tpu.memory_space<hbm>> -> memref<64x128xf32, #tpu.memory_space<hbm>>
      tpu.enqueue_dma source(%arg13 : memref<64x128xf32, #tpu.memory_space<vmem>>) target(%dma_start3A_934 : memref<64x128xf32, #tpu.memory_space<hbm>>) target_semaphore(%arg33 : memref<!tpu.dma_semaphore, #tpu.memory_space<semaphore_mem>>)
      %sub3A_935 = arith.constant 5 : i32
      %sub3A_936 = arith.subi %mul3A_332, %sub3A_935 : i32
      %add3A_937 = arith.constant 3 : i32
      %add3A_938 = arith.addi %sub3A_936, %add3A_937 : i32
      %jit3A_939 = arith.constant 2 : i32
      %div3A_940 = arith.divsi %add3A_938, %jit3A_939 : i32
      %sign3A_941 = arith.constant 0 : i32
      %sign3A_942 = arith.cmpi sgt, %add3A_938, %sign3A_941 : i32
      %sign3A_943 = arith.extui %sign3A_942 : i1 to i32
      %sign3A_944 = arith.constant 0 : i32
      %sign3A_945 = arith.cmpi slt, %add3A_938, %sign3A_944 : i32
      %sign3A_946 = arith.extui %sign3A_945 : i1 to i32
      %sign3A_947 = arith.subi %sign3A_943, %sign3A_946 : i32
      %sign3A_948 = arith.constant 0 : i32
      %sign3A_949 = arith.cmpi sgt, %jit3A_939, %sign3A_948 : i32
      %sign3A_950 = arith.extui %sign3A_949 : i1 to i32
      %sign3A_951 = arith.constant 0 : i32
      %sign3A_952 = arith.cmpi slt, %jit3A_939, %sign3A_951 : i32
      %sign3A_953 = arith.extui %sign3A_952 : i1 to i32
      %sign3A_954 = arith.subi %sign3A_950, %sign3A_953 : i32
      %ne3A_955 = arith.cmpi ne, %sign3A_947, %sign3A_954 : i32
      %rem3A_956 = arith.remsi %add3A_938, %jit3A_939 : i32
      %ne3A_957 = arith.constant 0 : i32
      %ne3A_958 = arith.cmpi ne, %rem3A_956, %ne3A_957 : i32
      %and3A_959 = arith.andi %ne3A_955, %ne3A_958 : i1
      %sub3A_960 = arith.constant 1 : i32
      %sub3A_961 = arith.subi %div3A_940, %sub3A_960 : i32
      %select_n3A_962 = arith.select %and3A_959, %sub3A_961, %div3A_940 : i32
      %jit3A_963 = arith.constant 2 : i32
      %eq3A_964 = arith.constant 0 : i32
      %eq3A_965 = arith.cmpi eq, %jit3A_963, %eq3A_964 : i32
      %jit3A_966 = arith.constant 1 : i32
      %select_n3A_967 = arith.select %eq3A_965, %jit3A_966, %jit3A_963 : i32
      %rem3A_968 = arith.remsi %add3A_938, %select_n3A_967 : i32
      %ne3A_969 = arith.constant 0 : i32
      %ne3A_970 = arith.cmpi ne, %rem3A_968, %ne3A_969 : i32
      %lt3A_971 = arith.constant 0 : i32
      %lt3A_972 = arith.cmpi slt, %rem3A_968, %lt3A_971 : i32
      %lt3A_973 = arith.constant 0 : i32
      %lt3A_974 = arith.cmpi slt, %select_n3A_967, %lt3A_973 : i32
      %ne3A_975 = arith.xori %lt3A_972, %lt3A_974 : i1
      %and3A_976 = arith.andi %ne3A_975, %ne3A_970 : i1
      %add3A_977 = arith.addi %rem3A_968, %select_n3A_967 : i32
      %select_n3A_978 = arith.select %and3A_976, %add3A_977, %rem3A_968 : i32
      %mul3A_979 = arith.constant 64 : i32
      %mul3A_980 = arith.muli %select_n3A_978, %mul3A_979 : i32
      %add3A_981 = arith.addi %mul3A_2, %mul3A_980 : i32
      %dma_wait3A_982 = arith.constant 0 : i32
      %dma_wait3A_983 = tpu.memref_slice %arg4[%select_n3A_962, %add3A_981, %dma_wait3A_982] : memref<50x4096x128xf32, #tpu.memory_space<hbm>> -> memref<1x64x128xf32, #tpu.memory_space<hbm>>
      %dma_wait3A_984 = tpu.memref_squeeze %dma_wait3A_983 : memref<1x64x128xf32, #tpu.memory_space<hbm>> -> memref<64x128xf32, #tpu.memory_space<hbm>>
      %dma_wait3A_985 = arith.constant 0 : i32
      %dma_wait3A_986 = tpu.memref_slice %arg4[%select_n3A_962, %add3A_981, %dma_wait3A_985] : memref<50x4096x128xf32, #tpu.memory_space<hbm>> -> memref<1x64x128xf32, #tpu.memory_space<hbm>>
      %dma_wait3A_987 = tpu.memref_squeeze %dma_wait3A_986 : memref<1x64x128xf32, #tpu.memory_space<hbm>> -> memref<64x128xf32, #tpu.memory_space<hbm>>
      tpu.wait_dma2 semaphore(%arg29 : memref<!tpu.dma_semaphore, #tpu.memory_space<semaphore_mem>>) src(%arg9 : memref<64x128xf32, #tpu.memory_space<vmem>>) dst(%dma_wait3A_987 : memref<64x128xf32, #tpu.memory_space<hbm>>)
      %add3A_988 = arith.constant 5 : i32
      %add3A_989 = arith.addi %mul3A_332, %add3A_988 : i32
      %add3A_990 = arith.constant 3 : i32
      %add3A_991 = arith.addi %add3A_989, %add3A_990 : i32
      %jit3A_992 = arith.constant 2 : i32
      %div3A_993 = arith.divsi %add3A_991, %jit3A_992 : i32
      %sign3A_994 = arith.constant 0 : i32
      %sign3A_995 = arith.cmpi sgt, %add3A_991, %sign3A_994 : i32
      %sign3A_996 = arith.extui %sign3A_995 : i1 to i32
      %sign3A_997 = arith.constant 0 : i32
      %sign3A_998 = arith.cmpi slt, %add3A_991, %sign3A_997 : i32
      %sign3A_999 = arith.extui %sign3A_998 : i1 to i32
      %sign3A_1000 = arith.subi %sign3A_996, %sign3A_999 : i32
      %sign3A_1001 = arith.constant 0 : i32
      %sign3A_1002 = arith.cmpi sgt, %jit3A_992, %sign3A_1001 : i32
      %sign3A_1003 = arith.extui %sign3A_1002 : i1 to i32
      %sign3A_1004 = arith.constant 0 : i32
      %sign3A_1005 = arith.cmpi slt, %jit3A_992, %sign3A_1004 : i32
      %sign3A_1006 = arith.extui %sign3A_1005 : i1 to i32
      %sign3A_1007 = arith.subi %sign3A_1003, %sign3A_1006 : i32
      %ne3A_1008 = arith.cmpi ne, %sign3A_1000, %sign3A_1007 : i32
      %rem3A_1009 = arith.remsi %add3A_991, %jit3A_992 : i32
      %ne3A_1010 = arith.constant 0 : i32
      %ne3A_1011 = arith.cmpi ne, %rem3A_1009, %ne3A_1010 : i32
      %and3A_1012 = arith.andi %ne3A_1008, %ne3A_1011 : i1
      %sub3A_1013 = arith.constant 1 : i32
      %sub3A_1014 = arith.subi %div3A_993, %sub3A_1013 : i32
      %select_n3A_1015 = arith.select %and3A_1012, %sub3A_1014, %div3A_993 : i32
      %jit3A_1016 = arith.constant 2 : i32
      %eq3A_1017 = arith.constant 0 : i32
      %eq3A_1018 = arith.cmpi eq, %jit3A_1016, %eq3A_1017 : i32
      %jit3A_1019 = arith.constant 1 : i32
      %select_n3A_1020 = arith.select %eq3A_1018, %jit3A_1019, %jit3A_1016 : i32
      %rem3A_1021 = arith.remsi %add3A_991, %select_n3A_1020 : i32
      %ne3A_1022 = arith.constant 0 : i32
      %ne3A_1023 = arith.cmpi ne, %rem3A_1021, %ne3A_1022 : i32
      %lt3A_1024 = arith.constant 0 : i32
      %lt3A_1025 = arith.cmpi slt, %rem3A_1021, %lt3A_1024 : i32
      %lt3A_1026 = arith.constant 0 : i32
      %lt3A_1027 = arith.cmpi slt, %select_n3A_1020, %lt3A_1026 : i32
      %ne3A_1028 = arith.xori %lt3A_1025, %lt3A_1027 : i1
      %and3A_1029 = arith.andi %ne3A_1028, %ne3A_1023 : i1
      %add3A_1030 = arith.addi %rem3A_1021, %select_n3A_1020 : i32
      %select_n3A_1031 = arith.select %and3A_1029, %add3A_1030, %rem3A_1021 : i32
      %mul3A_1032 = arith.constant 64 : i32
      %mul3A_1033 = arith.muli %select_n3A_1031, %mul3A_1032 : i32
      %dma_start3A_1034 = tpu.memref_slice %arg5[%select_n3A_1015, %mul3A_1033] : memref<50x128xi32, #tpu.memory_space<vmem>> -> memref<1x64xi32, #tpu.memory_space<vmem>>
      %dma_start3A_1035 = tpu.memref_squeeze %dma_start3A_1034 : memref<1x64xi32, #tpu.memory_space<vmem>> -> memref<64xi32, #tpu.memory_space<vmem>>
      %dma_start3A_1036 = arith.constant 0 : i32
      %dma_start3A_1037 = arith.constant 0 : i32
      %dma_start3A_1038 = tpu.memref_slice %arg2[%dma_start3A_1036, %dma_start3A_1037] : memref<100000x128xf32, #tpu.memory_space<hbm>> -> memref<100000x128xf32, #tpu.memory_space<hbm>>
      tpu.enqueue_indirect_dma source(%dma_start3A_1038 : memref<100000x128xf32, #tpu.memory_space<hbm>>) target(%arg9 : memref<64x128xf32, #tpu.memory_space<vmem>>) offsets(%dma_start3A_1035 : memref<64xi32, #tpu.memory_space<vmem>>) semaphore(%arg19 : memref<!tpu.dma_semaphore, #tpu.memory_space<semaphore_mem>>)
      %add3A_1039 = arith.constant 3 : i32
      %add3A_1040 = arith.addi %mul3A_332, %add3A_1039 : i32
      %jit3A_1041 = arith.constant 2 : i32
      %div3A_1042 = arith.divsi %add3A_1040, %jit3A_1041 : i32
      %sign3A_1043 = arith.constant 0 : i32
      %sign3A_1044 = arith.cmpi sgt, %add3A_1040, %sign3A_1043 : i32
      %sign3A_1045 = arith.extui %sign3A_1044 : i1 to i32
      %sign3A_1046 = arith.constant 0 : i32
      %sign3A_1047 = arith.cmpi slt, %add3A_1040, %sign3A_1046 : i32
      %sign3A_1048 = arith.extui %sign3A_1047 : i1 to i32
      %sign3A_1049 = arith.subi %sign3A_1045, %sign3A_1048 : i32
      %sign3A_1050 = arith.constant 0 : i32
      %sign3A_1051 = arith.cmpi sgt, %jit3A_1041, %sign3A_1050 : i32
      %sign3A_1052 = arith.extui %sign3A_1051 : i1 to i32
      %sign3A_1053 = arith.constant 0 : i32
      %sign3A_1054 = arith.cmpi slt, %jit3A_1041, %sign3A_1053 : i32
      %sign3A_1055 = arith.extui %sign3A_1054 : i1 to i32
      %sign3A_1056 = arith.subi %sign3A_1052, %sign3A_1055 : i32
      %ne3A_1057 = arith.cmpi ne, %sign3A_1049, %sign3A_1056 : i32
      %rem3A_1058 = arith.remsi %add3A_1040, %jit3A_1041 : i32
      %ne3A_1059 = arith.constant 0 : i32
      %ne3A_1060 = arith.cmpi ne, %rem3A_1058, %ne3A_1059 : i32
      %and3A_1061 = arith.andi %ne3A_1057, %ne3A_1060 : i1
      %sub3A_1062 = arith.constant 1 : i32
      %sub3A_1063 = arith.subi %div3A_1042, %sub3A_1062 : i32
      %select_n3A_1064 = arith.select %and3A_1061, %sub3A_1063, %div3A_1042 : i32
      %jit3A_1065 = arith.constant 2 : i32
      %eq3A_1066 = arith.constant 0 : i32
      %eq3A_1067 = arith.cmpi eq, %jit3A_1065, %eq3A_1066 : i32
      %jit3A_1068 = arith.constant 1 : i32
      %select_n3A_1069 = arith.select %eq3A_1067, %jit3A_1068, %jit3A_1065 : i32
      %rem3A_1070 = arith.remsi %add3A_1040, %select_n3A_1069 : i32
      %ne3A_1071 = arith.constant 0 : i32
      %ne3A_1072 = arith.cmpi ne, %rem3A_1070, %ne3A_1071 : i32
      %lt3A_1073 = arith.constant 0 : i32
      %lt3A_1074 = arith.cmpi slt, %rem3A_1070, %lt3A_1073 : i32
      %lt3A_1075 = arith.constant 0 : i32
      %lt3A_1076 = arith.cmpi slt, %select_n3A_1069, %lt3A_1075 : i32
      %ne3A_1077 = arith.xori %lt3A_1074, %lt3A_1076 : i1
      %and3A_1078 = arith.andi %ne3A_1077, %ne3A_1072 : i1
      %add3A_1079 = arith.addi %rem3A_1070, %select_n3A_1069 : i32
      %select_n3A_1080 = arith.select %and3A_1078, %add3A_1079, %rem3A_1070 : i32
      %mul3A_1081 = arith.constant 64 : i32
      %mul3A_1082 = arith.muli %select_n3A_1080, %mul3A_1081 : i32
      %dma_wait3A_1083 = tpu.memref_slice %arg5[%select_n3A_1064, %mul3A_1082] : memref<50x128xi32, #tpu.memory_space<vmem>> -> memref<1x64xi32, #tpu.memory_space<vmem>>
      %dma_wait3A_1084 = tpu.memref_squeeze %dma_wait3A_1083 : memref<1x64xi32, #tpu.memory_space<vmem>> -> memref<64xi32, #tpu.memory_space<vmem>>
      %dma_wait3A_1085 = arith.constant 0 : i32
      %dma_wait3A_1086 = arith.constant 0 : i32
      %dma_wait3A_1087 = tpu.memref_slice %arg2[%dma_wait3A_1085, %dma_wait3A_1086] : memref<100000x128xf32, #tpu.memory_space<hbm>> -> memref<100000x128xf32, #tpu.memory_space<hbm>>
      tpu.wait_indirect_dma semaphore(%arg24 : memref<!tpu.dma_semaphore, #tpu.memory_space<semaphore_mem>>) src(%dma_wait3A_1087 : memref<100000x128xf32, #tpu.memory_space<hbm>>) dst(%arg14 : memref<64x128xf32, #tpu.memory_space<vmem>>)
      %add3A_1088 = arith.constant 3 : i32
      %add3A_1089 = arith.addi %mul3A_332, %add3A_1088 : i32
      %jit3A_1090 = arith.constant 2 : i32
      %div3A_1091 = arith.divsi %add3A_1089, %jit3A_1090 : i32
      %sign3A_1092 = arith.constant 0 : i32
      %sign3A_1093 = arith.cmpi sgt, %add3A_1089, %sign3A_1092 : i32
      %sign3A_1094 = arith.extui %sign3A_1093 : i1 to i32
      %sign3A_1095 = arith.constant 0 : i32
      %sign3A_1096 = arith.cmpi slt, %add3A_1089, %sign3A_1095 : i32
      %sign3A_1097 = arith.extui %sign3A_1096 : i1 to i32
      %sign3A_1098 = arith.subi %sign3A_1094, %sign3A_1097 : i32
      %sign3A_1099 = arith.constant 0 : i32
      %sign3A_1100 = arith.cmpi sgt, %jit3A_1090, %sign3A_1099 : i32
      %sign3A_1101 = arith.extui %sign3A_1100 : i1 to i32
      %sign3A_1102 = arith.constant 0 : i32
      %sign3A_1103 = arith.cmpi slt, %jit3A_1090, %sign3A_1102 : i32
      %sign3A_1104 = arith.extui %sign3A_1103 : i1 to i32
      %sign3A_1105 = arith.subi %sign3A_1101, %sign3A_1104 : i32
      %ne3A_1106 = arith.cmpi ne, %sign3A_1098, %sign3A_1105 : i32
      %rem3A_1107 = arith.remsi %add3A_1089, %jit3A_1090 : i32
      %ne3A_1108 = arith.constant 0 : i32
      %ne3A_1109 = arith.cmpi ne, %rem3A_1107, %ne3A_1108 : i32
      %and3A_1110 = arith.andi %ne3A_1106, %ne3A_1109 : i1
      %sub3A_1111 = arith.constant 1 : i32
      %sub3A_1112 = arith.subi %div3A_1091, %sub3A_1111 : i32
      %select_n3A_1113 = arith.select %and3A_1110, %sub3A_1112, %div3A_1091 : i32
      %jit3A_1114 = arith.constant 2 : i32
      %eq3A_1115 = arith.constant 0 : i32
      %eq3A_1116 = arith.cmpi eq, %jit3A_1114, %eq3A_1115 : i32
      %jit3A_1117 = arith.constant 1 : i32
      %select_n3A_1118 = arith.select %eq3A_1116, %jit3A_1117, %jit3A_1114 : i32
      %rem3A_1119 = arith.remsi %add3A_1089, %select_n3A_1118 : i32
      %ne3A_1120 = arith.constant 0 : i32
      %ne3A_1121 = arith.cmpi ne, %rem3A_1119, %ne3A_1120 : i32
      %lt3A_1122 = arith.constant 0 : i32
      %lt3A_1123 = arith.cmpi slt, %rem3A_1119, %lt3A_1122 : i32
      %lt3A_1124 = arith.constant 0 : i32
      %lt3A_1125 = arith.cmpi slt, %select_n3A_1118, %lt3A_1124 : i32
      %ne3A_1126 = arith.xori %lt3A_1123, %lt3A_1125 : i1
      %and3A_1127 = arith.andi %ne3A_1126, %ne3A_1121 : i1
      %add3A_1128 = arith.addi %rem3A_1119, %select_n3A_1118 : i32
      %select_n3A_1129 = arith.select %and3A_1127, %add3A_1128, %rem3A_1119 : i32
      %mul3A_1130 = arith.constant 64 : i32
      %mul3A_1131 = arith.muli %select_n3A_1129, %mul3A_1130 : i32
      %add3A_1132 = arith.addi %mul3A_2, %mul3A_1131 : i32
      %dma_start3A_1133 = arith.constant 0 : i32
      %dma_start3A_1134 = tpu.memref_slice %arg4[%select_n3A_1113, %add3A_1132, %dma_start3A_1133] : memref<50x4096x128xf32, #tpu.memory_space<hbm>> -> memref<1x64x128xf32, #tpu.memory_space<hbm>>
      %dma_start3A_1135 = tpu.memref_squeeze %dma_start3A_1134 : memref<1x64x128xf32, #tpu.memory_space<hbm>> -> memref<64x128xf32, #tpu.memory_space<hbm>>
      %dma_start3A_1136 = arith.constant 0 : i32
      %dma_start3A_1137 = tpu.memref_slice %arg4[%select_n3A_1113, %add3A_1132, %dma_start3A_1136] : memref<50x4096x128xf32, #tpu.memory_space<hbm>> -> memref<1x64x128xf32, #tpu.memory_space<hbm>>
      %dma_start3A_1138 = tpu.memref_squeeze %dma_start3A_1137 : memref<1x64x128xf32, #tpu.memory_space<hbm>> -> memref<64x128xf32, #tpu.memory_space<hbm>>
      tpu.enqueue_dma source(%arg14 : memref<64x128xf32, #tpu.memory_space<vmem>>) target(%dma_start3A_1138 : memref<64x128xf32, #tpu.memory_space<hbm>>) target_semaphore(%arg34 : memref<!tpu.dma_semaphore, #tpu.memory_space<semaphore_mem>>)
      %sub3A_1139 = arith.constant 5 : i32
      %sub3A_1140 = arith.subi %mul3A_332, %sub3A_1139 : i32
      %add3A_1141 = arith.constant 4 : i32
      %add3A_1142 = arith.addi %sub3A_1140, %add3A_1141 : i32
      %jit3A_1143 = arith.constant 2 : i32
      %div3A_1144 = arith.divsi %add3A_1142, %jit3A_1143 : i32
      %sign3A_1145 = arith.constant 0 : i32
      %sign3A_1146 = arith.cmpi sgt, %add3A_1142, %sign3A_1145 : i32
      %sign3A_1147 = arith.extui %sign3A_1146 : i1 to i32
      %sign3A_1148 = arith.constant 0 : i32
      %sign3A_1149 = arith.cmpi slt, %add3A_1142, %sign3A_1148 : i32
      %sign3A_1150 = arith.extui %sign3A_1149 : i1 to i32
      %sign3A_1151 = arith.subi %sign3A_1147, %sign3A_1150 : i32
      %sign3A_1152 = arith.constant 0 : i32
      %sign3A_1153 = arith.cmpi sgt, %jit3A_1143, %sign3A_1152 : i32
      %sign3A_1154 = arith.extui %sign3A_1153 : i1 to i32
      %sign3A_1155 = arith.constant 0 : i32
      %sign3A_1156 = arith.cmpi slt, %jit3A_1143, %sign3A_1155 : i32
      %sign3A_1157 = arith.extui %sign3A_1156 : i1 to i32
      %sign3A_1158 = arith.subi %sign3A_1154, %sign3A_1157 : i32
      %ne3A_1159 = arith.cmpi ne, %sign3A_1151, %sign3A_1158 : i32
      %rem3A_1160 = arith.remsi %add3A_1142, %jit3A_1143 : i32
      %ne3A_1161 = arith.constant 0 : i32
      %ne3A_1162 = arith.cmpi ne, %rem3A_1160, %ne3A_1161 : i32
      %and3A_1163 = arith.andi %ne3A_1159, %ne3A_1162 : i1
      %sub3A_1164 = arith.constant 1 : i32
      %sub3A_1165 = arith.subi %div3A_1144, %sub3A_1164 : i32
      %select_n3A_1166 = arith.select %and3A_1163, %sub3A_1165, %div3A_1144 : i32
      %jit3A_1167 = arith.constant 2 : i32
      %eq3A_1168 = arith.constant 0 : i32
      %eq3A_1169 = arith.cmpi eq, %jit3A_1167, %eq3A_1168 : i32
      %jit3A_1170 = arith.constant 1 : i32
      %select_n3A_1171 = arith.select %eq3A_1169, %jit3A_1170, %jit3A_1167 : i32
      %rem3A_1172 = arith.remsi %add3A_1142, %select_n3A_1171 : i32
      %ne3A_1173 = arith.constant 0 : i32
      %ne3A_1174 = arith.cmpi ne, %rem3A_1172, %ne3A_1173 : i32
      %lt3A_1175 = arith.constant 0 : i32
      %lt3A_1176 = arith.cmpi slt, %rem3A_1172, %lt3A_1175 : i32
      %lt3A_1177 = arith.constant 0 : i32
      %lt3A_1178 = arith.cmpi slt, %select_n3A_1171, %lt3A_1177 : i32
      %ne3A_1179 = arith.xori %lt3A_1176, %lt3A_1178 : i1
      %and3A_1180 = arith.andi %ne3A_1179, %ne3A_1174 : i1
      %add3A_1181 = arith.addi %rem3A_1172, %select_n3A_1171 : i32
      %select_n3A_1182 = arith.select %and3A_1180, %add3A_1181, %rem3A_1172 : i32
      %mul3A_1183 = arith.constant 64 : i32
      %mul3A_1184 = arith.muli %select_n3A_1182, %mul3A_1183 : i32
      %add3A_1185 = arith.addi %mul3A_2, %mul3A_1184 : i32
      %dma_wait3A_1186 = arith.constant 0 : i32
      %dma_wait3A_1187 = tpu.memref_slice %arg4[%select_n3A_1166, %add3A_1185, %dma_wait3A_1186] : memref<50x4096x128xf32, #tpu.memory_space<hbm>> -> memref<1x64x128xf32, #tpu.memory_space<hbm>>
      %dma_wait3A_1188 = tpu.memref_squeeze %dma_wait3A_1187 : memref<1x64x128xf32, #tpu.memory_space<hbm>> -> memref<64x128xf32, #tpu.memory_space<hbm>>
      %dma_wait3A_1189 = arith.constant 0 : i32
      %dma_wait3A_1190 = tpu.memref_slice %arg4[%select_n3A_1166, %add3A_1185, %dma_wait3A_1189] : memref<50x4096x128xf32, #tpu.memory_space<hbm>> -> memref<1x64x128xf32, #tpu.memory_space<hbm>>
      %dma_wait3A_1191 = tpu.memref_squeeze %dma_wait3A_1190 : memref<1x64x128xf32, #tpu.memory_space<hbm>> -> memref<64x128xf32, #tpu.memory_space<hbm>>
      tpu.wait_dma2 semaphore(%arg30 : memref<!tpu.dma_semaphore, #tpu.memory_space<semaphore_mem>>) src(%arg10 : memref<64x128xf32, #tpu.memory_space<vmem>>) dst(%dma_wait3A_1191 : memref<64x128xf32, #tpu.memory_space<hbm>>)
      %add3A_1192 = arith.constant 5 : i32
      %add3A_1193 = arith.addi %mul3A_332, %add3A_1192 : i32
      %add3A_1194 = arith.constant 4 : i32
      %add3A_1195 = arith.addi %add3A_1193, %add3A_1194 : i32
      %jit3A_1196 = arith.constant 2 : i32
      %div3A_1197 = arith.divsi %add3A_1195, %jit3A_1196 : i32
      %sign3A_1198 = arith.constant 0 : i32
      %sign3A_1199 = arith.cmpi sgt, %add3A_1195, %sign3A_1198 : i32
      %sign3A_1200 = arith.extui %sign3A_1199 : i1 to i32
      %sign3A_1201 = arith.constant 0 : i32
      %sign3A_1202 = arith.cmpi slt, %add3A_1195, %sign3A_1201 : i32
      %sign3A_1203 = arith.extui %sign3A_1202 : i1 to i32
      %sign3A_1204 = arith.subi %sign3A_1200, %sign3A_1203 : i32
      %sign3A_1205 = arith.constant 0 : i32
      %sign3A_1206 = arith.cmpi sgt, %jit3A_1196, %sign3A_1205 : i32
      %sign3A_1207 = arith.extui %sign3A_1206 : i1 to i32
      %sign3A_1208 = arith.constant 0 : i32
      %sign3A_1209 = arith.cmpi slt, %jit3A_1196, %sign3A_1208 : i32
      %sign3A_1210 = arith.extui %sign3A_1209 : i1 to i32
      %sign3A_1211 = arith.subi %sign3A_1207, %sign3A_1210 : i32
      %ne3A_1212 = arith.cmpi ne, %sign3A_1204, %sign3A_1211 : i32
      %rem3A_1213 = arith.remsi %add3A_1195, %jit3A_1196 : i32
      %ne3A_1214 = arith.constant 0 : i32
      %ne3A_1215 = arith.cmpi ne, %rem3A_1213, %ne3A_1214 : i32
      %and3A_1216 = arith.andi %ne3A_1212, %ne3A_1215 : i1
      %sub3A_1217 = arith.constant 1 : i32
      %sub3A_1218 = arith.subi %div3A_1197, %sub3A_1217 : i32
      %select_n3A_1219 = arith.select %and3A_1216, %sub3A_1218, %div3A_1197 : i32
      %jit3A_1220 = arith.constant 2 : i32
      %eq3A_1221 = arith.constant 0 : i32
      %eq3A_1222 = arith.cmpi eq, %jit3A_1220, %eq3A_1221 : i32
      %jit3A_1223 = arith.constant 1 : i32
      %select_n3A_1224 = arith.select %eq3A_1222, %jit3A_1223, %jit3A_1220 : i32
      %rem3A_1225 = arith.remsi %add3A_1195, %select_n3A_1224 : i32
      %ne3A_1226 = arith.constant 0 : i32
      %ne3A_1227 = arith.cmpi ne, %rem3A_1225, %ne3A_1226 : i32
      %lt3A_1228 = arith.constant 0 : i32
      %lt3A_1229 = arith.cmpi slt, %rem3A_1225, %lt3A_1228 : i32
      %lt3A_1230 = arith.constant 0 : i32
      %lt3A_1231 = arith.cmpi slt, %select_n3A_1224, %lt3A_1230 : i32
      %ne3A_1232 = arith.xori %lt3A_1229, %lt3A_1231 : i1
      %and3A_1233 = arith.andi %ne3A_1232, %ne3A_1227 : i1
      %add3A_1234 = arith.addi %rem3A_1225, %select_n3A_1224 : i32
      %select_n3A_1235 = arith.select %and3A_1233, %add3A_1234, %rem3A_1225 : i32
      %mul3A_1236 = arith.constant 64 : i32
      %mul3A_1237 = arith.muli %select_n3A_1235, %mul3A_1236 : i32
      %dma_start3A_1238 = tpu.memref_slice %arg5[%select_n3A_1219, %mul3A_1237] : memref<50x128xi32, #tpu.memory_space<vmem>> -> memref<1x64xi32, #tpu.memory_space<vmem>>
      %dma_start3A_1239 = tpu.memref_squeeze %dma_start3A_1238 : memref<1x64xi32, #tpu.memory_space<vmem>> -> memref<64xi32, #tpu.memory_space<vmem>>
      %dma_start3A_1240 = arith.constant 0 : i32
      %dma_start3A_1241 = arith.constant 0 : i32
      %dma_start3A_1242 = tpu.memref_slice %arg2[%dma_start3A_1240, %dma_start3A_1241] : memref<100000x128xf32, #tpu.memory_space<hbm>> -> memref<100000x128xf32, #tpu.memory_space<hbm>>
      tpu.enqueue_indirect_dma source(%dma_start3A_1242 : memref<100000x128xf32, #tpu.memory_space<hbm>>) target(%arg10 : memref<64x128xf32, #tpu.memory_space<vmem>>) offsets(%dma_start3A_1239 : memref<64xi32, #tpu.memory_space<vmem>>) semaphore(%arg20 : memref<!tpu.dma_semaphore, #tpu.memory_space<semaphore_mem>>)
      %add3A_1243 = arith.constant 4 : i32
      %add3A_1244 = arith.addi %mul3A_332, %add3A_1243 : i32
      %jit3A_1245 = arith.constant 2 : i32
      %div3A_1246 = arith.divsi %add3A_1244, %jit3A_1245 : i32
      %sign3A_1247 = arith.constant 0 : i32
      %sign3A_1248 = arith.cmpi sgt, %add3A_1244, %sign3A_1247 : i32
      %sign3A_1249 = arith.extui %sign3A_1248 : i1 to i32
      %sign3A_1250 = arith.constant 0 : i32
      %sign3A_1251 = arith.cmpi slt, %add3A_1244, %sign3A_1250 : i32
      %sign3A_1252 = arith.extui %sign3A_1251 : i1 to i32
      %sign3A_1253 = arith.subi %sign3A_1249, %sign3A_1252 : i32
      %sign3A_1254 = arith.constant 0 : i32
      %sign3A_1255 = arith.cmpi sgt, %jit3A_1245, %sign3A_1254 : i32
      %sign3A_1256 = arith.extui %sign3A_1255 : i1 to i32
      %sign3A_1257 = arith.constant 0 : i32
      %sign3A_1258 = arith.cmpi slt, %jit3A_1245, %sign3A_1257 : i32
      %sign3A_1259 = arith.extui %sign3A_1258 : i1 to i32
      %sign3A_1260 = arith.subi %sign3A_1256, %sign3A_1259 : i32
      %ne3A_1261 = arith.cmpi ne, %sign3A_1253, %sign3A_1260 : i32
      %rem3A_1262 = arith.remsi %add3A_1244, %jit3A_1245 : i32
      %ne3A_1263 = arith.constant 0 : i32
      %ne3A_1264 = arith.cmpi ne, %rem3A_1262, %ne3A_1263 : i32
      %and3A_1265 = arith.andi %ne3A_1261, %ne3A_1264 : i1
      %sub3A_1266 = arith.constant 1 : i32
      %sub3A_1267 = arith.subi %div3A_1246, %sub3A_1266 : i32
      %select_n3A_1268 = arith.select %and3A_1265, %sub3A_1267, %div3A_1246 : i32
      %jit3A_1269 = arith.constant 2 : i32
      %eq3A_1270 = arith.constant 0 : i32
      %eq3A_1271 = arith.cmpi eq, %jit3A_1269, %eq3A_1270 : i32
      %jit3A_1272 = arith.constant 1 : i32
      %select_n3A_1273 = arith.select %eq3A_1271, %jit3A_1272, %jit3A_1269 : i32
      %rem3A_1274 = arith.remsi %add3A_1244, %select_n3A_1273 : i32
      %ne3A_1275 = arith.constant 0 : i32
      %ne3A_1276 = arith.cmpi ne, %rem3A_1274, %ne3A_1275 : i32
      %lt3A_1277 = arith.constant 0 : i32
      %lt3A_1278 = arith.cmpi slt, %rem3A_1274, %lt3A_1277 : i32
      %lt3A_1279 = arith.constant 0 : i32
      %lt3A_1280 = arith.cmpi slt, %select_n3A_1273, %lt3A_1279 : i32
      %ne3A_1281 = arith.xori %lt3A_1278, %lt3A_1280 : i1
      %and3A_1282 = arith.andi %ne3A_1281, %ne3A_1276 : i1
      %add3A_1283 = arith.addi %rem3A_1274, %select_n3A_1273 : i32
      %select_n3A_1284 = arith.select %and3A_1282, %add3A_1283, %rem3A_1274 : i32
      %mul3A_1285 = arith.constant 64 : i32
      %mul3A_1286 = arith.muli %select_n3A_1284, %mul3A_1285 : i32
      %dma_wait3A_1287 = tpu.memref_slice %arg5[%select_n3A_1268, %mul3A_1286] : memref<50x128xi32, #tpu.memory_space<vmem>> -> memref<1x64xi32, #tpu.memory_space<vmem>>
      %dma_wait3A_1288 = tpu.memref_squeeze %dma_wait3A_1287 : memref<1x64xi32, #tpu.memory_space<vmem>> -> memref<64xi32, #tpu.memory_space<vmem>>
      %dma_wait3A_1289 = arith.constant 0 : i32
      %dma_wait3A_1290 = arith.constant 0 : i32
      %dma_wait3A_1291 = tpu.memref_slice %arg2[%dma_wait3A_1289, %dma_wait3A_1290] : memref<100000x128xf32, #tpu.memory_space<hbm>> -> memref<100000x128xf32, #tpu.memory_space<hbm>>
      tpu.wait_indirect_dma semaphore(%arg25 : memref<!tpu.dma_semaphore, #tpu.memory_space<semaphore_mem>>) src(%dma_wait3A_1291 : memref<100000x128xf32, #tpu.memory_space<hbm>>) dst(%arg15 : memref<64x128xf32, #tpu.memory_space<vmem>>)
      %add3A_1292 = arith.constant 4 : i32
      %add3A_1293 = arith.addi %mul3A_332, %add3A_1292 : i32
      %jit3A_1294 = arith.constant 2 : i32
      %div3A_1295 = arith.divsi %add3A_1293, %jit3A_1294 : i32
      %sign3A_1296 = arith.constant 0 : i32
      %sign3A_1297 = arith.cmpi sgt, %add3A_1293, %sign3A_1296 : i32
      %sign3A_1298 = arith.extui %sign3A_1297 : i1 to i32
      %sign3A_1299 = arith.constant 0 : i32
      %sign3A_1300 = arith.cmpi slt, %add3A_1293, %sign3A_1299 : i32
      %sign3A_1301 = arith.extui %sign3A_1300 : i1 to i32
      %sign3A_1302 = arith.subi %sign3A_1298, %sign3A_1301 : i32
      %sign3A_1303 = arith.constant 0 : i32
      %sign3A_1304 = arith.cmpi sgt, %jit3A_1294, %sign3A_1303 : i32
      %sign3A_1305 = arith.extui %sign3A_1304 : i1 to i32
      %sign3A_1306 = arith.constant 0 : i32
      %sign3A_1307 = arith.cmpi slt, %jit3A_1294, %sign3A_1306 : i32
      %sign3A_1308 = arith.extui %sign3A_1307 : i1 to i32
      %sign3A_1309 = arith.subi %sign3A_1305, %sign3A_1308 : i32
      %ne3A_1310 = arith.cmpi ne, %sign3A_1302, %sign3A_1309 : i32
      %rem3A_1311 = arith.remsi %add3A_1293, %jit3A_1294 : i32
      %ne3A_1312 = arith.constant 0 : i32
      %ne3A_1313 = arith.cmpi ne, %rem3A_1311, %ne3A_1312 : i32
      %and3A_1314 = arith.andi %ne3A_1310, %ne3A_1313 : i1
      %sub3A_1315 = arith.constant 1 : i32
      %sub3A_1316 = arith.subi %div3A_1295, %sub3A_1315 : i32
      %select_n3A_1317 = arith.select %and3A_1314, %sub3A_1316, %div3A_1295 : i32
      %jit3A_1318 = arith.constant 2 : i32
      %eq3A_1319 = arith.constant 0 : i32
      %eq3A_1320 = arith.cmpi eq, %jit3A_1318, %eq3A_1319 : i32
      %jit3A_1321 = arith.constant 1 : i32
      %select_n3A_1322 = arith.select %eq3A_1320, %jit3A_1321, %jit3A_1318 : i32
      %rem3A_1323 = arith.remsi %add3A_1293, %select_n3A_1322 : i32
      %ne3A_1324 = arith.constant 0 : i32
      %ne3A_1325 = arith.cmpi ne, %rem3A_1323, %ne3A_1324 : i32
      %lt3A_1326 = arith.constant 0 : i32
      %lt3A_1327 = arith.cmpi slt, %rem3A_1323, %lt3A_1326 : i32
      %lt3A_1328 = arith.constant 0 : i32
      %lt3A_1329 = arith.cmpi slt, %select_n3A_1322, %lt3A_1328 : i32
      %ne3A_1330 = arith.xori %lt3A_1327, %lt3A_1329 : i1
      %and3A_1331 = arith.andi %ne3A_1330, %ne3A_1325 : i1
      %add3A_1332 = arith.addi %rem3A_1323, %select_n3A_1322 : i32
      %select_n3A_1333 = arith.select %and3A_1331, %add3A_1332, %rem3A_1323 : i32
      %mul3A_1334 = arith.constant 64 : i32
      %mul3A_1335 = arith.muli %select_n3A_1333, %mul3A_1334 : i32
      %add3A_1336 = arith.addi %mul3A_2, %mul3A_1335 : i32
      %dma_start3A_1337 = arith.constant 0 : i32
      %dma_start3A_1338 = tpu.memref_slice %arg4[%select_n3A_1317, %add3A_1336, %dma_start3A_1337] : memref<50x4096x128xf32, #tpu.memory_space<hbm>> -> memref<1x64x128xf32, #tpu.memory_space<hbm>>
      %dma_start3A_1339 = tpu.memref_squeeze %dma_start3A_1338 : memref<1x64x128xf32, #tpu.memory_space<hbm>> -> memref<64x128xf32, #tpu.memory_space<hbm>>
      %dma_start3A_1340 = arith.constant 0 : i32
      %dma_start3A_1341 = tpu.memref_slice %arg4[%select_n3A_1317, %add3A_1336, %dma_start3A_1340] : memref<50x4096x128xf32, #tpu.memory_space<hbm>> -> memref<1x64x128xf32, #tpu.memory_space<hbm>>
      %dma_start3A_1342 = tpu.memref_squeeze %dma_start3A_1341 : memref<1x64x128xf32, #tpu.memory_space<hbm>> -> memref<64x128xf32, #tpu.memory_space<hbm>>
      tpu.enqueue_dma source(%arg15 : memref<64x128xf32, #tpu.memory_space<vmem>>) target(%dma_start3A_1342 : memref<64x128xf32, #tpu.memory_space<hbm>>) target_semaphore(%arg35 : memref<!tpu.dma_semaphore, #tpu.memory_space<semaphore_mem>>)
      %add3A_1343 = arith.constant 1 : i32
      %add3A_1344 = arith.addi %add3A_330, %add3A_1343 : i32
      %mul3A_1345 = arith.constant 5 : i32
      %mul3A_1346 = arith.muli %add3A_1344, %mul3A_1345 : i32
      %sub3A_1347 = arith.constant 5 : i32
      %sub3A_1348 = arith.subi %mul3A_1346, %sub3A_1347 : i32
      %add3A_1349 = arith.constant 0 : i32
      %add3A_1350 = arith.addi %sub3A_1348, %add3A_1349 : i32
      %jit3A_1351 = arith.constant 2 : i32
      %div3A_1352 = arith.divsi %add3A_1350, %jit3A_1351 : i32
      %sign3A_1353 = arith.constant 0 : i32
      %sign3A_1354 = arith.cmpi sgt, %add3A_1350, %sign3A_1353 : i32
      %sign3A_1355 = arith.extui %sign3A_1354 : i1 to i32
      %sign3A_1356 = arith.constant 0 : i32
      %sign3A_1357 = arith.cmpi slt, %add3A_1350, %sign3A_1356 : i32
      %sign3A_1358 = arith.extui %sign3A_1357 : i1 to i32
      %sign3A_1359 = arith.subi %sign3A_1355, %sign3A_1358 : i32
      %sign3A_1360 = arith.constant 0 : i32
      %sign3A_1361 = arith.cmpi sgt, %jit3A_1351, %sign3A_1360 : i32
      %sign3A_1362 = arith.extui %sign3A_1361 : i1 to i32
      %sign3A_1363 = arith.constant 0 : i32
      %sign3A_1364 = arith.cmpi slt, %jit3A_1351, %sign3A_1363 : i32
      %sign3A_1365 = arith.extui %sign3A_1364 : i1 to i32
      %sign3A_1366 = arith.subi %sign3A_1362, %sign3A_1365 : i32
      %ne3A_1367 = arith.cmpi ne, %sign3A_1359, %sign3A_1366 : i32
      %rem3A_1368 = arith.remsi %add3A_1350, %jit3A_1351 : i32
      %ne3A_1369 = arith.constant 0 : i32
      %ne3A_1370 = arith.cmpi ne, %rem3A_1368, %ne3A_1369 : i32
      %and3A_1371 = arith.andi %ne3A_1367, %ne3A_1370 : i1
      %sub3A_1372 = arith.constant 1 : i32
      %sub3A_1373 = arith.subi %div3A_1352, %sub3A_1372 : i32
      %select_n3A_1374 = arith.select %and3A_1371, %sub3A_1373, %div3A_1352 : i32
      %jit3A_1375 = arith.constant 2 : i32
      %eq3A_1376 = arith.constant 0 : i32
      %eq3A_1377 = arith.cmpi eq, %jit3A_1375, %eq3A_1376 : i32
      %jit3A_1378 = arith.constant 1 : i32
      %select_n3A_1379 = arith.select %eq3A_1377, %jit3A_1378, %jit3A_1375 : i32
      %rem3A_1380 = arith.remsi %add3A_1350, %select_n3A_1379 : i32
      %ne3A_1381 = arith.constant 0 : i32
      %ne3A_1382 = arith.cmpi ne, %rem3A_1380, %ne3A_1381 : i32
      %lt3A_1383 = arith.constant 0 : i32
      %lt3A_1384 = arith.cmpi slt, %rem3A_1380, %lt3A_1383 : i32
      %lt3A_1385 = arith.constant 0 : i32
      %lt3A_1386 = arith.cmpi slt, %select_n3A_1379, %lt3A_1385 : i32
      %ne3A_1387 = arith.xori %lt3A_1384, %lt3A_1386 : i1
      %and3A_1388 = arith.andi %ne3A_1387, %ne3A_1382 : i1
      %add3A_1389 = arith.addi %rem3A_1380, %select_n3A_1379 : i32
      %select_n3A_1390 = arith.select %and3A_1388, %add3A_1389, %rem3A_1380 : i32
      %mul3A_1391 = arith.constant 64 : i32
      %mul3A_1392 = arith.muli %select_n3A_1390, %mul3A_1391 : i32
      %add3A_1393 = arith.addi %mul3A_2, %mul3A_1392 : i32
      %dma_wait3A_1394 = arith.constant 0 : i32
      %dma_wait3A_1395 = tpu.memref_slice %arg4[%select_n3A_1374, %add3A_1393, %dma_wait3A_1394] : memref<50x4096x128xf32, #tpu.memory_space<hbm>> -> memref<1x64x128xf32, #tpu.memory_space<hbm>>
      %dma_wait3A_1396 = tpu.memref_squeeze %dma_wait3A_1395 : memref<1x64x128xf32, #tpu.memory_space<hbm>> -> memref<64x128xf32, #tpu.memory_space<hbm>>
      %dma_wait3A_1397 = arith.constant 0 : i32
      %dma_wait3A_1398 = tpu.memref_slice %arg4[%select_n3A_1374, %add3A_1393, %dma_wait3A_1397] : memref<50x4096x128xf32, #tpu.memory_space<hbm>> -> memref<1x64x128xf32, #tpu.memory_space<hbm>>
      %dma_wait3A_1399 = tpu.memref_squeeze %dma_wait3A_1398 : memref<1x64x128xf32, #tpu.memory_space<hbm>> -> memref<64x128xf32, #tpu.memory_space<hbm>>
      tpu.wait_dma2 semaphore(%arg31 : memref<!tpu.dma_semaphore, #tpu.memory_space<semaphore_mem>>) src(%arg11 : memref<64x128xf32, #tpu.memory_space<vmem>>) dst(%dma_wait3A_1399 : memref<64x128xf32, #tpu.memory_space<hbm>>)
      %add3A_1400 = arith.constant 5 : i32
      %add3A_1401 = arith.addi %mul3A_1346, %add3A_1400 : i32
      %add3A_1402 = arith.constant 0 : i32
      %add3A_1403 = arith.addi %add3A_1401, %add3A_1402 : i32
      %jit3A_1404 = arith.constant 2 : i32
      %div3A_1405 = arith.divsi %add3A_1403, %jit3A_1404 : i32
      %sign3A_1406 = arith.constant 0 : i32
      %sign3A_1407 = arith.cmpi sgt, %add3A_1403, %sign3A_1406 : i32
      %sign3A_1408 = arith.extui %sign3A_1407 : i1 to i32
      %sign3A_1409 = arith.constant 0 : i32
      %sign3A_1410 = arith.cmpi slt, %add3A_1403, %sign3A_1409 : i32
      %sign3A_1411 = arith.extui %sign3A_1410 : i1 to i32
      %sign3A_1412 = arith.subi %sign3A_1408, %sign3A_1411 : i32
      %sign3A_1413 = arith.constant 0 : i32
      %sign3A_1414 = arith.cmpi sgt, %jit3A_1404, %sign3A_1413 : i32
      %sign3A_1415 = arith.extui %sign3A_1414 : i1 to i32
      %sign3A_1416 = arith.constant 0 : i32
      %sign3A_1417 = arith.cmpi slt, %jit3A_1404, %sign3A_1416 : i32
      %sign3A_1418 = arith.extui %sign3A_1417 : i1 to i32
      %sign3A_1419 = arith.subi %sign3A_1415, %sign3A_1418 : i32
      %ne3A_1420 = arith.cmpi ne, %sign3A_1412, %sign3A_1419 : i32
      %rem3A_1421 = arith.remsi %add3A_1403, %jit3A_1404 : i32
      %ne3A_1422 = arith.constant 0 : i32
      %ne3A_1423 = arith.cmpi ne, %rem3A_1421, %ne3A_1422 : i32
      %and3A_1424 = arith.andi %ne3A_1420, %ne3A_1423 : i1
      %sub3A_1425 = arith.constant 1 : i32
      %sub3A_1426 = arith.subi %div3A_1405, %sub3A_1425 : i32
      %select_n3A_1427 = arith.select %and3A_1424, %sub3A_1426, %div3A_1405 : i32
      %jit3A_1428 = arith.constant 2 : i32
      %eq3A_1429 = arith.constant 0 : i32
      %eq3A_1430 = arith.cmpi eq, %jit3A_1428, %eq3A_1429 : i32
      %jit3A_1431 = arith.constant 1 : i32
      %select_n3A_1432 = arith.select %eq3A_1430, %jit3A_1431, %jit3A_1428 : i32
      %rem3A_1433 = arith.remsi %add3A_1403, %select_n3A_1432 : i32
      %ne3A_1434 = arith.constant 0 : i32
      %ne3A_1435 = arith.cmpi ne, %rem3A_1433, %ne3A_1434 : i32
      %lt3A_1436 = arith.constant 0 : i32
      %lt3A_1437 = arith.cmpi slt, %rem3A_1433, %lt3A_1436 : i32
      %lt3A_1438 = arith.constant 0 : i32
      %lt3A_1439 = arith.cmpi slt, %select_n3A_1432, %lt3A_1438 : i32
      %ne3A_1440 = arith.xori %lt3A_1437, %lt3A_1439 : i1
      %and3A_1441 = arith.andi %ne3A_1440, %ne3A_1435 : i1
      %add3A_1442 = arith.addi %rem3A_1433, %select_n3A_1432 : i32
      %select_n3A_1443 = arith.select %and3A_1441, %add3A_1442, %rem3A_1433 : i32
      %mul3A_1444 = arith.constant 64 : i32
      %mul3A_1445 = arith.muli %select_n3A_1443, %mul3A_1444 : i32
      %dma_start3A_1446 = tpu.memref_slice %arg5[%select_n3A_1427, %mul3A_1445] : memref<50x128xi32, #tpu.memory_space<vmem>> -> memref<1x64xi32, #tpu.memory_space<vmem>>
      %dma_start3A_1447 = tpu.memref_squeeze %dma_start3A_1446 : memref<1x64xi32, #tpu.memory_space<vmem>> -> memref<64xi32, #tpu.memory_space<vmem>>
      %dma_start3A_1448 = arith.constant 0 : i32
      %dma_start3A_1449 = arith.constant 0 : i32
      %dma_start3A_1450 = tpu.memref_slice %arg2[%dma_start3A_1448, %dma_start3A_1449] : memref<100000x128xf32, #tpu.memory_space<hbm>> -> memref<100000x128xf32, #tpu.memory_space<hbm>>
      tpu.enqueue_indirect_dma source(%dma_start3A_1450 : memref<100000x128xf32, #tpu.memory_space<hbm>>) target(%arg11 : memref<64x128xf32, #tpu.memory_space<vmem>>) offsets(%dma_start3A_1447 : memref<64xi32, #tpu.memory_space<vmem>>) semaphore(%arg21 : memref<!tpu.dma_semaphore, #tpu.memory_space<semaphore_mem>>)
      %add3A_1451 = arith.constant 0 : i32
      %add3A_1452 = arith.addi %mul3A_1346, %add3A_1451 : i32
      %jit3A_1453 = arith.constant 2 : i32
      %div3A_1454 = arith.divsi %add3A_1452, %jit3A_1453 : i32
      %sign3A_1455 = arith.constant 0 : i32
      %sign3A_1456 = arith.cmpi sgt, %add3A_1452, %sign3A_1455 : i32
      %sign3A_1457 = arith.extui %sign3A_1456 : i1 to i32
      %sign3A_1458 = arith.constant 0 : i32
      %sign3A_1459 = arith.cmpi slt, %add3A_1452, %sign3A_1458 : i32
      %sign3A_1460 = arith.extui %sign3A_1459 : i1 to i32
      %sign3A_1461 = arith.subi %sign3A_1457, %sign3A_1460 : i32
      %sign3A_1462 = arith.constant 0 : i32
      %sign3A_1463 = arith.cmpi sgt, %jit3A_1453, %sign3A_1462 : i32
      %sign3A_1464 = arith.extui %sign3A_1463 : i1 to i32
      %sign3A_1465 = arith.constant 0 : i32
      %sign3A_1466 = arith.cmpi slt, %jit3A_1453, %sign3A_1465 : i32
      %sign3A_1467 = arith.extui %sign3A_1466 : i1 to i32
      %sign3A_1468 = arith.subi %sign3A_1464, %sign3A_1467 : i32
      %ne3A_1469 = arith.cmpi ne, %sign3A_1461, %sign3A_1468 : i32
      %rem3A_1470 = arith.remsi %add3A_1452, %jit3A_1453 : i32
      %ne3A_1471 = arith.constant 0 : i32
      %ne3A_1472 = arith.cmpi ne, %rem3A_1470, %ne3A_1471 : i32
      %and3A_1473 = arith.andi %ne3A_1469, %ne3A_1472 : i1
      %sub3A_1474 = arith.constant 1 : i32
      %sub3A_1475 = arith.subi %div3A_1454, %sub3A_1474 : i32
      %select_n3A_1476 = arith.select %and3A_1473, %sub3A_1475, %div3A_1454 : i32
      %jit3A_1477 = arith.constant 2 : i32
      %eq3A_1478 = arith.constant 0 : i32
      %eq3A_1479 = arith.cmpi eq, %jit3A_1477, %eq3A_1478 : i32
      %jit3A_1480 = arith.constant 1 : i32
      %select_n3A_1481 = arith.select %eq3A_1479, %jit3A_1480, %jit3A_1477 : i32
      %rem3A_1482 = arith.remsi %add3A_1452, %select_n3A_1481 : i32
      %ne3A_1483 = arith.constant 0 : i32
      %ne3A_1484 = arith.cmpi ne, %rem3A_1482, %ne3A_1483 : i32
      %lt3A_1485 = arith.constant 0 : i32
      %lt3A_1486 = arith.cmpi slt, %rem3A_1482, %lt3A_1485 : i32
      %lt3A_1487 = arith.constant 0 : i32
      %lt3A_1488 = arith.cmpi slt, %select_n3A_1481, %lt3A_1487 : i32
      %ne3A_1489 = arith.xori %lt3A_1486, %lt3A_1488 : i1
      %and3A_1490 = arith.andi %ne3A_1489, %ne3A_1484 : i1
      %add3A_1491 = arith.addi %rem3A_1482, %select_n3A_1481 : i32
      %select_n3A_1492 = arith.select %and3A_1490, %add3A_1491, %rem3A_1482 : i32
      %mul3A_1493 = arith.constant 64 : i32
      %mul3A_1494 = arith.muli %select_n3A_1492, %mul3A_1493 : i32
      %dma_wait3A_1495 = tpu.memref_slice %arg5[%select_n3A_1476, %mul3A_1494] : memref<50x128xi32, #tpu.memory_space<vmem>> -> memref<1x64xi32, #tpu.memory_space<vmem>>
      %dma_wait3A_1496 = tpu.memref_squeeze %dma_wait3A_1495 : memref<1x64xi32, #tpu.memory_space<vmem>> -> memref<64xi32, #tpu.memory_space<vmem>>
      %dma_wait3A_1497 = arith.constant 0 : i32
      %dma_wait3A_1498 = arith.constant 0 : i32
      %dma_wait3A_1499 = tpu.memref_slice %arg2[%dma_wait3A_1497, %dma_wait3A_1498] : memref<100000x128xf32, #tpu.memory_space<hbm>> -> memref<100000x128xf32, #tpu.memory_space<hbm>>
      tpu.wait_indirect_dma semaphore(%arg16 : memref<!tpu.dma_semaphore, #tpu.memory_space<semaphore_mem>>) src(%dma_wait3A_1499 : memref<100000x128xf32, #tpu.memory_space<hbm>>) dst(%arg6 : memref<64x128xf32, #tpu.memory_space<vmem>>)
      %add3A_1500 = arith.constant 0 : i32
      %add3A_1501 = arith.addi %mul3A_1346, %add3A_1500 : i32
      %jit3A_1502 = arith.constant 2 : i32
      %div3A_1503 = arith.divsi %add3A_1501, %jit3A_1502 : i32
      %sign3A_1504 = arith.constant 0 : i32
      %sign3A_1505 = arith.cmpi sgt, %add3A_1501, %sign3A_1504 : i32
      %sign3A_1506 = arith.extui %sign3A_1505 : i1 to i32
      %sign3A_1507 = arith.constant 0 : i32
      %sign3A_1508 = arith.cmpi slt, %add3A_1501, %sign3A_1507 : i32
      %sign3A_1509 = arith.extui %sign3A_1508 : i1 to i32
      %sign3A_1510 = arith.subi %sign3A_1506, %sign3A_1509 : i32
      %sign3A_1511 = arith.constant 0 : i32
      %sign3A_1512 = arith.cmpi sgt, %jit3A_1502, %sign3A_1511 : i32
      %sign3A_1513 = arith.extui %sign3A_1512 : i1 to i32
      %sign3A_1514 = arith.constant 0 : i32
      %sign3A_1515 = arith.cmpi slt, %jit3A_1502, %sign3A_1514 : i32
      %sign3A_1516 = arith.extui %sign3A_1515 : i1 to i32
      %sign3A_1517 = arith.subi %sign3A_1513, %sign3A_1516 : i32
      %ne3A_1518 = arith.cmpi ne, %sign3A_1510, %sign3A_1517 : i32
      %rem3A_1519 = arith.remsi %add3A_1501, %jit3A_1502 : i32
      %ne3A_1520 = arith.constant 0 : i32
      %ne3A_1521 = arith.cmpi ne, %rem3A_1519, %ne3A_1520 : i32
      %and3A_1522 = arith.andi %ne3A_1518, %ne3A_1521 : i1
      %sub3A_1523 = arith.constant 1 : i32
      %sub3A_1524 = arith.subi %div3A_1503, %sub3A_1523 : i32
      %select_n3A_1525 = arith.select %and3A_1522, %sub3A_1524, %div3A_1503 : i32
      %jit3A_1526 = arith.constant 2 : i32
      %eq3A_1527 = arith.constant 0 : i32
      %eq3A_1528 = arith.cmpi eq, %jit3A_1526, %eq3A_1527 : i32
      %jit3A_1529 = arith.constant 1 : i32
      %select_n3A_1530 = arith.select %eq3A_1528, %jit3A_1529, %jit3A_1526 : i32
      %rem3A_1531 = arith.remsi %add3A_1501, %select_n3A_1530 : i32
      %ne3A_1532 = arith.constant 0 : i32
      %ne3A_1533 = arith.cmpi ne, %rem3A_1531, %ne3A_1532 : i32
      %lt3A_1534 = arith.constant 0 : i32
      %lt3A_1535 = arith.cmpi slt, %rem3A_1531, %lt3A_1534 : i32
      %lt3A_1536 = arith.constant 0 : i32
      %lt3A_1537 = arith.cmpi slt, %select_n3A_1530, %lt3A_1536 : i32
      %ne3A_1538 = arith.xori %lt3A_1535, %lt3A_1537 : i1
      %and3A_1539 = arith.andi %ne3A_1538, %ne3A_1533 : i1
      %add3A_1540 = arith.addi %rem3A_1531, %select_n3A_1530 : i32
      %select_n3A_1541 = arith.select %and3A_1539, %add3A_1540, %rem3A_1531 : i32
      %mul3A_1542 = arith.constant 64 : i32
      %mul3A_1543 = arith.muli %select_n3A_1541, %mul3A_1542 : i32
      %add3A_1544 = arith.addi %mul3A_2, %mul3A_1543 : i32
      %dma_start3A_1545 = arith.constant 0 : i32
      %dma_start3A_1546 = tpu.memref_slice %arg4[%select_n3A_1525, %add3A_1544, %dma_start3A_1545] : memref<50x4096x128xf32, #tpu.memory_space<hbm>> -> memref<1x64x128xf32, #tpu.memory_space<hbm>>
      %dma_start3A_1547 = tpu.memref_squeeze %dma_start3A_1546 : memref<1x64x128xf32, #tpu.memory_space<hbm>> -> memref<64x128xf32, #tpu.memory_space<hbm>>
      %dma_start3A_1548 = arith.constant 0 : i32
      %dma_start3A_1549 = tpu.memref_slice %arg4[%select_n3A_1525, %add3A_1544, %dma_start3A_1548] : memref<50x4096x128xf32, #tpu.memory_space<hbm>> -> memref<1x64x128xf32, #tpu.memory_space<hbm>>
      %dma_start3A_1550 = tpu.memref_squeeze %dma_start3A_1549 : memref<1x64x128xf32, #tpu.memory_space<hbm>> -> memref<64x128xf32, #tpu.memory_space<hbm>>
      tpu.enqueue_dma source(%arg6 : memref<64x128xf32, #tpu.memory_space<vmem>>) target(%dma_start3A_1550 : memref<64x128xf32, #tpu.memory_space<hbm>>) target_semaphore(%arg26 : memref<!tpu.dma_semaphore, #tpu.memory_space<semaphore_mem>>)
      %sub3A_1551 = arith.constant 5 : i32
      %sub3A_1552 = arith.subi %mul3A_1346, %sub3A_1551 : i32
      %add3A_1553 = arith.constant 1 : i32
      %add3A_1554 = arith.addi %sub3A_1552, %add3A_1553 : i32
      %jit3A_1555 = arith.constant 2 : i32
      %div3A_1556 = arith.divsi %add3A_1554, %jit3A_1555 : i32
      %sign3A_1557 = arith.constant 0 : i32
      %sign3A_1558 = arith.cmpi sgt, %add3A_1554, %sign3A_1557 : i32
      %sign3A_1559 = arith.extui %sign3A_1558 : i1 to i32
      %sign3A_1560 = arith.constant 0 : i32
      %sign3A_1561 = arith.cmpi slt, %add3A_1554, %sign3A_1560 : i32
      %sign3A_1562 = arith.extui %sign3A_1561 : i1 to i32
      %sign3A_1563 = arith.subi %sign3A_1559, %sign3A_1562 : i32
      %sign3A_1564 = arith.constant 0 : i32
      %sign3A_1565 = arith.cmpi sgt, %jit3A_1555, %sign3A_1564 : i32
      %sign3A_1566 = arith.extui %sign3A_1565 : i1 to i32
      %sign3A_1567 = arith.constant 0 : i32
      %sign3A_1568 = arith.cmpi slt, %jit3A_1555, %sign3A_1567 : i32
      %sign3A_1569 = arith.extui %sign3A_1568 : i1 to i32
      %sign3A_1570 = arith.subi %sign3A_1566, %sign3A_1569 : i32
      %ne3A_1571 = arith.cmpi ne, %sign3A_1563, %sign3A_1570 : i32
      %rem3A_1572 = arith.remsi %add3A_1554, %jit3A_1555 : i32
      %ne3A_1573 = arith.constant 0 : i32
      %ne3A_1574 = arith.cmpi ne, %rem3A_1572, %ne3A_1573 : i32
      %and3A_1575 = arith.andi %ne3A_1571, %ne3A_1574 : i1
      %sub3A_1576 = arith.constant 1 : i32
      %sub3A_1577 = arith.subi %div3A_1556, %sub3A_1576 : i32
      %select_n3A_1578 = arith.select %and3A_1575, %sub3A_1577, %div3A_1556 : i32
      %jit3A_1579 = arith.constant 2 : i32
      %eq3A_1580 = arith.constant 0 : i32
      %eq3A_1581 = arith.cmpi eq, %jit3A_1579, %eq3A_1580 : i32
      %jit3A_1582 = arith.constant 1 : i32
      %select_n3A_1583 = arith.select %eq3A_1581, %jit3A_1582, %jit3A_1579 : i32
      %rem3A_1584 = arith.remsi %add3A_1554, %select_n3A_1583 : i32
      %ne3A_1585 = arith.constant 0 : i32
      %ne3A_1586 = arith.cmpi ne, %rem3A_1584, %ne3A_1585 : i32
      %lt3A_1587 = arith.constant 0 : i32
      %lt3A_1588 = arith.cmpi slt, %rem3A_1584, %lt3A_1587 : i32
      %lt3A_1589 = arith.constant 0 : i32
      %lt3A_1590 = arith.cmpi slt, %select_n3A_1583, %lt3A_1589 : i32
      %ne3A_1591 = arith.xori %lt3A_1588, %lt3A_1590 : i1
      %and3A_1592 = arith.andi %ne3A_1591, %ne3A_1586 : i1
      %add3A_1593 = arith.addi %rem3A_1584, %select_n3A_1583 : i32
      %select_n3A_1594 = arith.select %and3A_1592, %add3A_1593, %rem3A_1584 : i32
      %mul3A_1595 = arith.constant 64 : i32
      %mul3A_1596 = arith.muli %select_n3A_1594, %mul3A_1595 : i32
      %add3A_1597 = arith.addi %mul3A_2, %mul3A_1596 : i32
      %dma_wait3A_1598 = arith.constant 0 : i32
      %dma_wait3A_1599 = tpu.memref_slice %arg4[%select_n3A_1578, %add3A_1597, %dma_wait3A_1598] : memref<50x4096x128xf32, #tpu.memory_space<hbm>> -> memref<1x64x128xf32, #tpu.memory_space<hbm>>
      %dma_wait3A_1600 = tpu.memref_squeeze %dma_wait3A_1599 : memref<1x64x128xf32, #tpu.memory_space<hbm>> -> memref<64x128xf32, #tpu.memory_space<hbm>>
      %dma_wait3A_1601 = arith.constant 0 : i32
      %dma_wait3A_1602 = tpu.memref_slice %arg4[%select_n3A_1578, %add3A_1597, %dma_wait3A_1601] : memref<50x4096x128xf32, #tpu.memory_space<hbm>> -> memref<1x64x128xf32, #tpu.memory_space<hbm>>
      %dma_wait3A_1603 = tpu.memref_squeeze %dma_wait3A_1602 : memref<1x64x128xf32, #tpu.memory_space<hbm>> -> memref<64x128xf32, #tpu.memory_space<hbm>>
      tpu.wait_dma2 semaphore(%arg32 : memref<!tpu.dma_semaphore, #tpu.memory_space<semaphore_mem>>) src(%arg12 : memref<64x128xf32, #tpu.memory_space<vmem>>) dst(%dma_wait3A_1603 : memref<64x128xf32, #tpu.memory_space<hbm>>)
      %add3A_1604 = arith.constant 5 : i32
      %add3A_1605 = arith.addi %mul3A_1346, %add3A_1604 : i32
      %add3A_1606 = arith.constant 1 : i32
      %add3A_1607 = arith.addi %add3A_1605, %add3A_1606 : i32
      %jit3A_1608 = arith.constant 2 : i32
      %div3A_1609 = arith.divsi %add3A_1607, %jit3A_1608 : i32
      %sign3A_1610 = arith.constant 0 : i32
      %sign3A_1611 = arith.cmpi sgt, %add3A_1607, %sign3A_1610 : i32
      %sign3A_1612 = arith.extui %sign3A_1611 : i1 to i32
      %sign3A_1613 = arith.constant 0 : i32
      %sign3A_1614 = arith.cmpi slt, %add3A_1607, %sign3A_1613 : i32
      %sign3A_1615 = arith.extui %sign3A_1614 : i1 to i32
      %sign3A_1616 = arith.subi %sign3A_1612, %sign3A_1615 : i32
      %sign3A_1617 = arith.constant 0 : i32
      %sign3A_1618 = arith.cmpi sgt, %jit3A_1608, %sign3A_1617 : i32
      %sign3A_1619 = arith.extui %sign3A_1618 : i1 to i32
      %sign3A_1620 = arith.constant 0 : i32
      %sign3A_1621 = arith.cmpi slt, %jit3A_1608, %sign3A_1620 : i32
      %sign3A_1622 = arith.extui %sign3A_1621 : i1 to i32
      %sign3A_1623 = arith.subi %sign3A_1619, %sign3A_1622 : i32
      %ne3A_1624 = arith.cmpi ne, %sign3A_1616, %sign3A_1623 : i32
      %rem3A_1625 = arith.remsi %add3A_1607, %jit3A_1608 : i32
      %ne3A_1626 = arith.constant 0 : i32
      %ne3A_1627 = arith.cmpi ne, %rem3A_1625, %ne3A_1626 : i32
      %and3A_1628 = arith.andi %ne3A_1624, %ne3A_1627 : i1
      %sub3A_1629 = arith.constant 1 : i32
      %sub3A_1630 = arith.subi %div3A_1609, %sub3A_1629 : i32
      %select_n3A_1631 = arith.select %and3A_1628, %sub3A_1630, %div3A_1609 : i32
      %jit3A_1632 = arith.constant 2 : i32
      %eq3A_1633 = arith.constant 0 : i32
      %eq3A_1634 = arith.cmpi eq, %jit3A_1632, %eq3A_1633 : i32
      %jit3A_1635 = arith.constant 1 : i32
      %select_n3A_1636 = arith.select %eq3A_1634, %jit3A_1635, %jit3A_1632 : i32
      %rem3A_1637 = arith.remsi %add3A_1607, %select_n3A_1636 : i32
      %ne3A_1638 = arith.constant 0 : i32
      %ne3A_1639 = arith.cmpi ne, %rem3A_1637, %ne3A_1638 : i32
      %lt3A_1640 = arith.constant 0 : i32
      %lt3A_1641 = arith.cmpi slt, %rem3A_1637, %lt3A_1640 : i32
      %lt3A_1642 = arith.constant 0 : i32
      %lt3A_1643 = arith.cmpi slt, %select_n3A_1636, %lt3A_1642 : i32
      %ne3A_1644 = arith.xori %lt3A_1641, %lt3A_1643 : i1
      %and3A_1645 = arith.andi %ne3A_1644, %ne3A_1639 : i1
      %add3A_1646 = arith.addi %rem3A_1637, %select_n3A_1636 : i32
      %select_n3A_1647 = arith.select %and3A_1645, %add3A_1646, %rem3A_1637 : i32
      %mul3A_1648 = arith.constant 64 : i32
      %mul3A_1649 = arith.muli %select_n3A_1647, %mul3A_1648 : i32
      %dma_start3A_1650 = tpu.memref_slice %arg5[%select_n3A_1631, %mul3A_1649] : memref<50x128xi32, #tpu.memory_space<vmem>> -> memref<1x64xi32, #tpu.memory_space<vmem>>
      %dma_start3A_1651 = tpu.memref_squeeze %dma_start3A_1650 : memref<1x64xi32, #tpu.memory_space<vmem>> -> memref<64xi32, #tpu.memory_space<vmem>>
      %dma_start3A_1652 = arith.constant 0 : i32
      %dma_start3A_1653 = arith.constant 0 : i32
      %dma_start3A_1654 = tpu.memref_slice %arg2[%dma_start3A_1652, %dma_start3A_1653] : memref<100000x128xf32, #tpu.memory_space<hbm>> -> memref<100000x128xf32, #tpu.memory_space<hbm>>
      tpu.enqueue_indirect_dma source(%dma_start3A_1654 : memref<100000x128xf32, #tpu.memory_space<hbm>>) target(%arg12 : memref<64x128xf32, #tpu.memory_space<vmem>>) offsets(%dma_start3A_1651 : memref<64xi32, #tpu.memory_space<vmem>>) semaphore(%arg22 : memref<!tpu.dma_semaphore, #tpu.memory_space<semaphore_mem>>)
      %add3A_1655 = arith.constant 1 : i32
      %add3A_1656 = arith.addi %mul3A_1346, %add3A_1655 : i32
      %jit3A_1657 = arith.constant 2 : i32
      %div3A_1658 = arith.divsi %add3A_1656, %jit3A_1657 : i32
      %sign3A_1659 = arith.constant 0 : i32
      %sign3A_1660 = arith.cmpi sgt, %add3A_1656, %sign3A_1659 : i32
      %sign3A_1661 = arith.extui %sign3A_1660 : i1 to i32
      %sign3A_1662 = arith.constant 0 : i32
      %sign3A_1663 = arith.cmpi slt, %add3A_1656, %sign3A_1662 : i32
      %sign3A_1664 = arith.extui %sign3A_1663 : i1 to i32
      %sign3A_1665 = arith.subi %sign3A_1661, %sign3A_1664 : i32
      %sign3A_1666 = arith.constant 0 : i32
      %sign3A_1667 = arith.cmpi sgt, %jit3A_1657, %sign3A_1666 : i32
      %sign3A_1668 = arith.extui %sign3A_1667 : i1 to i32
      %sign3A_1669 = arith.constant 0 : i32
      %sign3A_1670 = arith.cmpi slt, %jit3A_1657, %sign3A_1669 : i32
      %sign3A_1671 = arith.extui %sign3A_1670 : i1 to i32
      %sign3A_1672 = arith.subi %sign3A_1668, %sign3A_1671 : i32
      %ne3A_1673 = arith.cmpi ne, %sign3A_1665, %sign3A_1672 : i32
      %rem3A_1674 = arith.remsi %add3A_1656, %jit3A_1657 : i32
      %ne3A_1675 = arith.constant 0 : i32
      %ne3A_1676 = arith.cmpi ne, %rem3A_1674, %ne3A_1675 : i32
      %and3A_1677 = arith.andi %ne3A_1673, %ne3A_1676 : i1
      %sub3A_1678 = arith.constant 1 : i32
      %sub3A_1679 = arith.subi %div3A_1658, %sub3A_1678 : i32
      %select_n3A_1680 = arith.select %and3A_1677, %sub3A_1679, %div3A_1658 : i32
      %jit3A_1681 = arith.constant 2 : i32
      %eq3A_1682 = arith.constant 0 : i32
      %eq3A_1683 = arith.cmpi eq, %jit3A_1681, %eq3A_1682 : i32
      %jit3A_1684 = arith.constant 1 : i32
      %select_n3A_1685 = arith.select %eq3A_1683, %jit3A_1684, %jit3A_1681 : i32
      %rem3A_1686 = arith.remsi %add3A_1656, %select_n3A_1685 : i32
      %ne3A_1687 = arith.constant 0 : i32
      %ne3A_1688 = arith.cmpi ne, %rem3A_1686, %ne3A_1687 : i32
      %lt3A_1689 = arith.constant 0 : i32
      %lt3A_1690 = arith.cmpi slt, %rem3A_1686, %lt3A_1689 : i32
      %lt3A_1691 = arith.constant 0 : i32
      %lt3A_1692 = arith.cmpi slt, %select_n3A_1685, %lt3A_1691 : i32
      %ne3A_1693 = arith.xori %lt3A_1690, %lt3A_1692 : i1
      %and3A_1694 = arith.andi %ne3A_1693, %ne3A_1688 : i1
      %add3A_1695 = arith.addi %rem3A_1686, %select_n3A_1685 : i32
      %select_n3A_1696 = arith.select %and3A_1694, %add3A_1695, %rem3A_1686 : i32
      %mul3A_1697 = arith.constant 64 : i32
      %mul3A_1698 = arith.muli %select_n3A_1696, %mul3A_1697 : i32
      %dma_wait3A_1699 = tpu.memref_slice %arg5[%select_n3A_1680, %mul3A_1698] : memref<50x128xi32, #tpu.memory_space<vmem>> -> memref<1x64xi32, #tpu.memory_space<vmem>>
      %dma_wait3A_1700 = tpu.memref_squeeze %dma_wait3A_1699 : memref<1x64xi32, #tpu.memory_space<vmem>> -> memref<64xi32, #tpu.memory_space<vmem>>
      %dma_wait3A_1701 = arith.constant 0 : i32
      %dma_wait3A_1702 = arith.constant 0 : i32
      %dma_wait3A_1703 = tpu.memref_slice %arg2[%dma_wait3A_1701, %dma_wait3A_1702] : memref<100000x128xf32, #tpu.memory_space<hbm>> -> memref<100000x128xf32, #tpu.memory_space<hbm>>
      tpu.wait_indirect_dma semaphore(%arg17 : memref<!tpu.dma_semaphore, #tpu.memory_space<semaphore_mem>>) src(%dma_wait3A_1703 : memref<100000x128xf32, #tpu.memory_space<hbm>>) dst(%arg7 : memref<64x128xf32, #tpu.memory_space<vmem>>)
      %add3A_1704 = arith.constant 1 : i32
      %add3A_1705 = arith.addi %mul3A_1346, %add3A_1704 : i32
      %jit3A_1706 = arith.constant 2 : i32
      %div3A_1707 = arith.divsi %add3A_1705, %jit3A_1706 : i32
      %sign3A_1708 = arith.constant 0 : i32
      %sign3A_1709 = arith.cmpi sgt, %add3A_1705, %sign3A_1708 : i32
      %sign3A_1710 = arith.extui %sign3A_1709 : i1 to i32
      %sign3A_1711 = arith.constant 0 : i32
      %sign3A_1712 = arith.cmpi slt, %add3A_1705, %sign3A_1711 : i32
      %sign3A_1713 = arith.extui %sign3A_1712 : i1 to i32
      %sign3A_1714 = arith.subi %sign3A_1710, %sign3A_1713 : i32
      %sign3A_1715 = arith.constant 0 : i32
      %sign3A_1716 = arith.cmpi sgt, %jit3A_1706, %sign3A_1715 : i32
      %sign3A_1717 = arith.extui %sign3A_1716 : i1 to i32
      %sign3A_1718 = arith.constant 0 : i32
      %sign3A_1719 = arith.cmpi slt, %jit3A_1706, %sign3A_1718 : i32
      %sign3A_1720 = arith.extui %sign3A_1719 : i1 to i32
      %sign3A_1721 = arith.subi %sign3A_1717, %sign3A_1720 : i32
      %ne3A_1722 = arith.cmpi ne, %sign3A_1714, %sign3A_1721 : i32
      %rem3A_1723 = arith.remsi %add3A_1705, %jit3A_1706 : i32
      %ne3A_1724 = arith.constant 0 : i32
      %ne3A_1725 = arith.cmpi ne, %rem3A_1723, %ne3A_1724 : i32
      %and3A_1726 = arith.andi %ne3A_1722, %ne3A_1725 : i1
      %sub3A_1727 = arith.constant 1 : i32
      %sub3A_1728 = arith.subi %div3A_1707, %sub3A_1727 : i32
      %select_n3A_1729 = arith.select %and3A_1726, %sub3A_1728, %div3A_1707 : i32
      %jit3A_1730 = arith.constant 2 : i32
      %eq3A_1731 = arith.constant 0 : i32
      %eq3A_1732 = arith.cmpi eq, %jit3A_1730, %eq3A_1731 : i32
      %jit3A_1733 = arith.constant 1 : i32
      %select_n3A_1734 = arith.select %eq3A_1732, %jit3A_1733, %jit3A_1730 : i32
      %rem3A_1735 = arith.remsi %add3A_1705, %select_n3A_1734 : i32
      %ne3A_1736 = arith.constant 0 : i32
      %ne3A_1737 = arith.cmpi ne, %rem3A_1735, %ne3A_1736 : i32
      %lt3A_1738 = arith.constant 0 : i32
      %lt3A_1739 = arith.cmpi slt, %rem3A_1735, %lt3A_1738 : i32
      %lt3A_1740 = arith.constant 0 : i32
      %lt3A_1741 = arith.cmpi slt, %select_n3A_1734, %lt3A_1740 : i32
      %ne3A_1742 = arith.xori %lt3A_1739, %lt3A_1741 : i1
      %and3A_1743 = arith.andi %ne3A_1742, %ne3A_1737 : i1
      %add3A_1744 = arith.addi %rem3A_1735, %select_n3A_1734 : i32
      %select_n3A_1745 = arith.select %and3A_1743, %add3A_1744, %rem3A_1735 : i32
      %mul3A_1746 = arith.constant 64 : i32
      %mul3A_1747 = arith.muli %select_n3A_1745, %mul3A_1746 : i32
      %add3A_1748 = arith.addi %mul3A_2, %mul3A_1747 : i32
      %dma_start3A_1749 = arith.constant 0 : i32
      %dma_start3A_1750 = tpu.memref_slice %arg4[%select_n3A_1729, %add3A_1748, %dma_start3A_1749] : memref<50x4096x128xf32, #tpu.memory_space<hbm>> -> memref<1x64x128xf32, #tpu.memory_space<hbm>>
      %dma_start3A_1751 = tpu.memref_squeeze %dma_start3A_1750 : memref<1x64x128xf32, #tpu.memory_space<hbm>> -> memref<64x128xf32, #tpu.memory_space<hbm>>
      %dma_start3A_1752 = arith.constant 0 : i32
      %dma_start3A_1753 = tpu.memref_slice %arg4[%select_n3A_1729, %add3A_1748, %dma_start3A_1752] : memref<50x4096x128xf32, #tpu.memory_space<hbm>> -> memref<1x64x128xf32, #tpu.memory_space<hbm>>
      %dma_start3A_1754 = tpu.memref_squeeze %dma_start3A_1753 : memref<1x64x128xf32, #tpu.memory_space<hbm>> -> memref<64x128xf32, #tpu.memory_space<hbm>>
      tpu.enqueue_dma source(%arg7 : memref<64x128xf32, #tpu.memory_space<vmem>>) target(%dma_start3A_1754 : memref<64x128xf32, #tpu.memory_space<hbm>>) target_semaphore(%arg27 : memref<!tpu.dma_semaphore, #tpu.memory_space<semaphore_mem>>)
      %sub3A_1755 = arith.constant 5 : i32
      %sub3A_1756 = arith.subi %mul3A_1346, %sub3A_1755 : i32
      %add3A_1757 = arith.constant 2 : i32
      %add3A_1758 = arith.addi %sub3A_1756, %add3A_1757 : i32
      %jit3A_1759 = arith.constant 2 : i32
      %div3A_1760 = arith.divsi %add3A_1758, %jit3A_1759 : i32
      %sign3A_1761 = arith.constant 0 : i32
      %sign3A_1762 = arith.cmpi sgt, %add3A_1758, %sign3A_1761 : i32
      %sign3A_1763 = arith.extui %sign3A_1762 : i1 to i32
      %sign3A_1764 = arith.constant 0 : i32
      %sign3A_1765 = arith.cmpi slt, %add3A_1758, %sign3A_1764 : i32
      %sign3A_1766 = arith.extui %sign3A_1765 : i1 to i32
      %sign3A_1767 = arith.subi %sign3A_1763, %sign3A_1766 : i32
      %sign3A_1768 = arith.constant 0 : i32
      %sign3A_1769 = arith.cmpi sgt, %jit3A_1759, %sign3A_1768 : i32
      %sign3A_1770 = arith.extui %sign3A_1769 : i1 to i32
      %sign3A_1771 = arith.constant 0 : i32
      %sign3A_1772 = arith.cmpi slt, %jit3A_1759, %sign3A_1771 : i32
      %sign3A_1773 = arith.extui %sign3A_1772 : i1 to i32
      %sign3A_1774 = arith.subi %sign3A_1770, %sign3A_1773 : i32
      %ne3A_1775 = arith.cmpi ne, %sign3A_1767, %sign3A_1774 : i32
      %rem3A_1776 = arith.remsi %add3A_1758, %jit3A_1759 : i32
      %ne3A_1777 = arith.constant 0 : i32
      %ne3A_1778 = arith.cmpi ne, %rem3A_1776, %ne3A_1777 : i32
      %and3A_1779 = arith.andi %ne3A_1775, %ne3A_1778 : i1
      %sub3A_1780 = arith.constant 1 : i32
      %sub3A_1781 = arith.subi %div3A_1760, %sub3A_1780 : i32
      %select_n3A_1782 = arith.select %and3A_1779, %sub3A_1781, %div3A_1760 : i32
      %jit3A_1783 = arith.constant 2 : i32
      %eq3A_1784 = arith.constant 0 : i32
      %eq3A_1785 = arith.cmpi eq, %jit3A_1783, %eq3A_1784 : i32
      %jit3A_1786 = arith.constant 1 : i32
      %select_n3A_1787 = arith.select %eq3A_1785, %jit3A_1786, %jit3A_1783 : i32
      %rem3A_1788 = arith.remsi %add3A_1758, %select_n3A_1787 : i32
      %ne3A_1789 = arith.constant 0 : i32
      %ne3A_1790 = arith.cmpi ne, %rem3A_1788, %ne3A_1789 : i32
      %lt3A_1791 = arith.constant 0 : i32
      %lt3A_1792 = arith.cmpi slt, %rem3A_1788, %lt3A_1791 : i32
      %lt3A_1793 = arith.constant 0 : i32
      %lt3A_1794 = arith.cmpi slt, %select_n3A_1787, %lt3A_1793 : i32
      %ne3A_1795 = arith.xori %lt3A_1792, %lt3A_1794 : i1
      %and3A_1796 = arith.andi %ne3A_1795, %ne3A_1790 : i1
      %add3A_1797 = arith.addi %rem3A_1788, %select_n3A_1787 : i32
      %select_n3A_1798 = arith.select %and3A_1796, %add3A_1797, %rem3A_1788 : i32
      %mul3A_1799 = arith.constant 64 : i32
      %mul3A_1800 = arith.muli %select_n3A_1798, %mul3A_1799 : i32
      %add3A_1801 = arith.addi %mul3A_2, %mul3A_1800 : i32
      %dma_wait3A_1802 = arith.constant 0 : i32
      %dma_wait3A_1803 = tpu.memref_slice %arg4[%select_n3A_1782, %add3A_1801, %dma_wait3A_1802] : memref<50x4096x128xf32, #tpu.memory_space<hbm>> -> memref<1x64x128xf32, #tpu.memory_space<hbm>>
      %dma_wait3A_1804 = tpu.memref_squeeze %dma_wait3A_1803 : memref<1x64x128xf32, #tpu.memory_space<hbm>> -> memref<64x128xf32, #tpu.memory_space<hbm>>
      %dma_wait3A_1805 = arith.constant 0 : i32
      %dma_wait3A_1806 = tpu.memref_slice %arg4[%select_n3A_1782, %add3A_1801, %dma_wait3A_1805] : memref<50x4096x128xf32, #tpu.memory_space<hbm>> -> memref<1x64x128xf32, #tpu.memory_space<hbm>>
      %dma_wait3A_1807 = tpu.memref_squeeze %dma_wait3A_1806 : memref<1x64x128xf32, #tpu.memory_space<hbm>> -> memref<64x128xf32, #tpu.memory_space<hbm>>
      tpu.wait_dma2 semaphore(%arg33 : memref<!tpu.dma_semaphore, #tpu.memory_space<semaphore_mem>>) src(%arg13 : memref<64x128xf32, #tpu.memory_space<vmem>>) dst(%dma_wait3A_1807 : memref<64x128xf32, #tpu.memory_space<hbm>>)
      %add3A_1808 = arith.constant 5 : i32
      %add3A_1809 = arith.addi %mul3A_1346, %add3A_1808 : i32
      %add3A_1810 = arith.constant 2 : i32
      %add3A_1811 = arith.addi %add3A_1809, %add3A_1810 : i32
      %jit3A_1812 = arith.constant 2 : i32
      %div3A_1813 = arith.divsi %add3A_1811, %jit3A_1812 : i32
      %sign3A_1814 = arith.constant 0 : i32
      %sign3A_1815 = arith.cmpi sgt, %add3A_1811, %sign3A_1814 : i32
      %sign3A_1816 = arith.extui %sign3A_1815 : i1 to i32
      %sign3A_1817 = arith.constant 0 : i32
      %sign3A_1818 = arith.cmpi slt, %add3A_1811, %sign3A_1817 : i32
      %sign3A_1819 = arith.extui %sign3A_1818 : i1 to i32
      %sign3A_1820 = arith.subi %sign3A_1816, %sign3A_1819 : i32
      %sign3A_1821 = arith.constant 0 : i32
      %sign3A_1822 = arith.cmpi sgt, %jit3A_1812, %sign3A_1821 : i32
      %sign3A_1823 = arith.extui %sign3A_1822 : i1 to i32
      %sign3A_1824 = arith.constant 0 : i32
      %sign3A_1825 = arith.cmpi slt, %jit3A_1812, %sign3A_1824 : i32
      %sign3A_1826 = arith.extui %sign3A_1825 : i1 to i32
      %sign3A_1827 = arith.subi %sign3A_1823, %sign3A_1826 : i32
      %ne3A_1828 = arith.cmpi ne, %sign3A_1820, %sign3A_1827 : i32
      %rem3A_1829 = arith.remsi %add3A_1811, %jit3A_1812 : i32
      %ne3A_1830 = arith.constant 0 : i32
      %ne3A_1831 = arith.cmpi ne, %rem3A_1829, %ne3A_1830 : i32
      %and3A_1832 = arith.andi %ne3A_1828, %ne3A_1831 : i1
      %sub3A_1833 = arith.constant 1 : i32
      %sub3A_1834 = arith.subi %div3A_1813, %sub3A_1833 : i32
      %select_n3A_1835 = arith.select %and3A_1832, %sub3A_1834, %div3A_1813 : i32
      %jit3A_1836 = arith.constant 2 : i32
      %eq3A_1837 = arith.constant 0 : i32
      %eq3A_1838 = arith.cmpi eq, %jit3A_1836, %eq3A_1837 : i32
      %jit3A_1839 = arith.constant 1 : i32
      %select_n3A_1840 = arith.select %eq3A_1838, %jit3A_1839, %jit3A_1836 : i32
      %rem3A_1841 = arith.remsi %add3A_1811, %select_n3A_1840 : i32
      %ne3A_1842 = arith.constant 0 : i32
      %ne3A_1843 = arith.cmpi ne, %rem3A_1841, %ne3A_1842 : i32
      %lt3A_1844 = arith.constant 0 : i32
      %lt3A_1845 = arith.cmpi slt, %rem3A_1841, %lt3A_1844 : i32
      %lt3A_1846 = arith.constant 0 : i32
      %lt3A_1847 = arith.cmpi slt, %select_n3A_1840, %lt3A_1846 : i32
      %ne3A_1848 = arith.xori %lt3A_1845, %lt3A_1847 : i1
      %and3A_1849 = arith.andi %ne3A_1848, %ne3A_1843 : i1
      %add3A_1850 = arith.addi %rem3A_1841, %select_n3A_1840 : i32
      %select_n3A_1851 = arith.select %and3A_1849, %add3A_1850, %rem3A_1841 : i32
      %mul3A_1852 = arith.constant 64 : i32
      %mul3A_1853 = arith.muli %select_n3A_1851, %mul3A_1852 : i32
      %dma_start3A_1854 = tpu.memref_slice %arg5[%select_n3A_1835, %mul3A_1853] : memref<50x128xi32, #tpu.memory_space<vmem>> -> memref<1x64xi32, #tpu.memory_space<vmem>>
      %dma_start3A_1855 = tpu.memref_squeeze %dma_start3A_1854 : memref<1x64xi32, #tpu.memory_space<vmem>> -> memref<64xi32, #tpu.memory_space<vmem>>
      %dma_start3A_1856 = arith.constant 0 : i32
      %dma_start3A_1857 = arith.constant 0 : i32
      %dma_start3A_1858 = tpu.memref_slice %arg2[%dma_start3A_1856, %dma_start3A_1857] : memref<100000x128xf32, #tpu.memory_space<hbm>> -> memref<100000x128xf32, #tpu.memory_space<hbm>>
      tpu.enqueue_indirect_dma source(%dma_start3A_1858 : memref<100000x128xf32, #tpu.memory_space<hbm>>) target(%arg13 : memref<64x128xf32, #tpu.memory_space<vmem>>) offsets(%dma_start3A_1855 : memref<64xi32, #tpu.memory_space<vmem>>) semaphore(%arg23 : memref<!tpu.dma_semaphore, #tpu.memory_space<semaphore_mem>>)
      %add3A_1859 = arith.constant 2 : i32
      %add3A_1860 = arith.addi %mul3A_1346, %add3A_1859 : i32
      %jit3A_1861 = arith.constant 2 : i32
      %div3A_1862 = arith.divsi %add3A_1860, %jit3A_1861 : i32
      %sign3A_1863 = arith.constant 0 : i32
      %sign3A_1864 = arith.cmpi sgt, %add3A_1860, %sign3A_1863 : i32
      %sign3A_1865 = arith.extui %sign3A_1864 : i1 to i32
      %sign3A_1866 = arith.constant 0 : i32
      %sign3A_1867 = arith.cmpi slt, %add3A_1860, %sign3A_1866 : i32
      %sign3A_1868 = arith.extui %sign3A_1867 : i1 to i32
      %sign3A_1869 = arith.subi %sign3A_1865, %sign3A_1868 : i32
      %sign3A_1870 = arith.constant 0 : i32
      %sign3A_1871 = arith.cmpi sgt, %jit3A_1861, %sign3A_1870 : i32
      %sign3A_1872 = arith.extui %sign3A_1871 : i1 to i32
      %sign3A_1873 = arith.constant 0 : i32
      %sign3A_1874 = arith.cmpi slt, %jit3A_1861, %sign3A_1873 : i32
      %sign3A_1875 = arith.extui %sign3A_1874 : i1 to i32
      %sign3A_1876 = arith.subi %sign3A_1872, %sign3A_1875 : i32
      %ne3A_1877 = arith.cmpi ne, %sign3A_1869, %sign3A_1876 : i32
      %rem3A_1878 = arith.remsi %add3A_1860, %jit3A_1861 : i32
      %ne3A_1879 = arith.constant 0 : i32
      %ne3A_1880 = arith.cmpi ne, %rem3A_1878, %ne3A_1879 : i32
      %and3A_1881 = arith.andi %ne3A_1877, %ne3A_1880 : i1
      %sub3A_1882 = arith.constant 1 : i32
      %sub3A_1883 = arith.subi %div3A_1862, %sub3A_1882 : i32
      %select_n3A_1884 = arith.select %and3A_1881, %sub3A_1883, %div3A_1862 : i32
      %jit3A_1885 = arith.constant 2 : i32
      %eq3A_1886 = arith.constant 0 : i32
      %eq3A_1887 = arith.cmpi eq, %jit3A_1885, %eq3A_1886 : i32
      %jit3A_1888 = arith.constant 1 : i32
      %select_n3A_1889 = arith.select %eq3A_1887, %jit3A_1888, %jit3A_1885 : i32
      %rem3A_1890 = arith.remsi %add3A_1860, %select_n3A_1889 : i32
      %ne3A_1891 = arith.constant 0 : i32
      %ne3A_1892 = arith.cmpi ne, %rem3A_1890, %ne3A_1891 : i32
      %lt3A_1893 = arith.constant 0 : i32
      %lt3A_1894 = arith.cmpi slt, %rem3A_1890, %lt3A_1893 : i32
      %lt3A_1895 = arith.constant 0 : i32
      %lt3A_1896 = arith.cmpi slt, %select_n3A_1889, %lt3A_1895 : i32
      %ne3A_1897 = arith.xori %lt3A_1894, %lt3A_1896 : i1
      %and3A_1898 = arith.andi %ne3A_1897, %ne3A_1892 : i1
      %add3A_1899 = arith.addi %rem3A_1890, %select_n3A_1889 : i32
      %select_n3A_1900 = arith.select %and3A_1898, %add3A_1899, %rem3A_1890 : i32
      %mul3A_1901 = arith.constant 64 : i32
      %mul3A_1902 = arith.muli %select_n3A_1900, %mul3A_1901 : i32
      %dma_wait3A_1903 = tpu.memref_slice %arg5[%select_n3A_1884, %mul3A_1902] : memref<50x128xi32, #tpu.memory_space<vmem>> -> memref<1x64xi32, #tpu.memory_space<vmem>>
      %dma_wait3A_1904 = tpu.memref_squeeze %dma_wait3A_1903 : memref<1x64xi32, #tpu.memory_space<vmem>> -> memref<64xi32, #tpu.memory_space<vmem>>
      %dma_wait3A_1905 = arith.constant 0 : i32
      %dma_wait3A_1906 = arith.constant 0 : i32
      %dma_wait3A_1907 = tpu.memref_slice %arg2[%dma_wait3A_1905, %dma_wait3A_1906] : memref<100000x128xf32, #tpu.memory_space<hbm>> -> memref<100000x128xf32, #tpu.memory_space<hbm>>
      tpu.wait_indirect_dma semaphore(%arg18 : memref<!tpu.dma_semaphore, #tpu.memory_space<semaphore_mem>>) src(%dma_wait3A_1907 : memref<100000x128xf32, #tpu.memory_space<hbm>>) dst(%arg8 : memref<64x128xf32, #tpu.memory_space<vmem>>)
      %add3A_1908 = arith.constant 2 : i32
      %add3A_1909 = arith.addi %mul3A_1346, %add3A_1908 : i32
      %jit3A_1910 = arith.constant 2 : i32
      %div3A_1911 = arith.divsi %add3A_1909, %jit3A_1910 : i32
      %sign3A_1912 = arith.constant 0 : i32
      %sign3A_1913 = arith.cmpi sgt, %add3A_1909, %sign3A_1912 : i32
      %sign3A_1914 = arith.extui %sign3A_1913 : i1 to i32
      %sign3A_1915 = arith.constant 0 : i32
      %sign3A_1916 = arith.cmpi slt, %add3A_1909, %sign3A_1915 : i32
      %sign3A_1917 = arith.extui %sign3A_1916 : i1 to i32
      %sign3A_1918 = arith.subi %sign3A_1914, %sign3A_1917 : i32
      %sign3A_1919 = arith.constant 0 : i32
      %sign3A_1920 = arith.cmpi sgt, %jit3A_1910, %sign3A_1919 : i32
      %sign3A_1921 = arith.extui %sign3A_1920 : i1 to i32
      %sign3A_1922 = arith.constant 0 : i32
      %sign3A_1923 = arith.cmpi slt, %jit3A_1910, %sign3A_1922 : i32
      %sign3A_1924 = arith.extui %sign3A_1923 : i1 to i32
      %sign3A_1925 = arith.subi %sign3A_1921, %sign3A_1924 : i32
      %ne3A_1926 = arith.cmpi ne, %sign3A_1918, %sign3A_1925 : i32
      %rem3A_1927 = arith.remsi %add3A_1909, %jit3A_1910 : i32
      %ne3A_1928 = arith.constant 0 : i32
      %ne3A_1929 = arith.cmpi ne, %rem3A_1927, %ne3A_1928 : i32
      %and3A_1930 = arith.andi %ne3A_1926, %ne3A_1929 : i1
      %sub3A_1931 = arith.constant 1 : i32
      %sub3A_1932 = arith.subi %div3A_1911, %sub3A_1931 : i32
      %select_n3A_1933 = arith.select %and3A_1930, %sub3A_1932, %div3A_1911 : i32
      %jit3A_1934 = arith.constant 2 : i32
      %eq3A_1935 = arith.constant 0 : i32
      %eq3A_1936 = arith.cmpi eq, %jit3A_1934, %eq3A_1935 : i32
      %jit3A_1937 = arith.constant 1 : i32
      %select_n3A_1938 = arith.select %eq3A_1936, %jit3A_1937, %jit3A_1934 : i32
      %rem3A_1939 = arith.remsi %add3A_1909, %select_n3A_1938 : i32
      %ne3A_1940 = arith.constant 0 : i32
      %ne3A_1941 = arith.cmpi ne, %rem3A_1939, %ne3A_1940 : i32
      %lt3A_1942 = arith.constant 0 : i32
      %lt3A_1943 = arith.cmpi slt, %rem3A_1939, %lt3A_1942 : i32
      %lt3A_1944 = arith.constant 0 : i32
      %lt3A_1945 = arith.cmpi slt, %select_n3A_1938, %lt3A_1944 : i32
      %ne3A_1946 = arith.xori %lt3A_1943, %lt3A_1945 : i1
      %and3A_1947 = arith.andi %ne3A_1946, %ne3A_1941 : i1
      %add3A_1948 = arith.addi %rem3A_1939, %select_n3A_1938 : i32
      %select_n3A_1949 = arith.select %and3A_1947, %add3A_1948, %rem3A_1939 : i32
      %mul3A_1950 = arith.constant 64 : i32
      %mul3A_1951 = arith.muli %select_n3A_1949, %mul3A_1950 : i32
      %add3A_1952 = arith.addi %mul3A_2, %mul3A_1951 : i32
      %dma_start3A_1953 = arith.constant 0 : i32
      %dma_start3A_1954 = tpu.memref_slice %arg4[%select_n3A_1933, %add3A_1952, %dma_start3A_1953] : memref<50x4096x128xf32, #tpu.memory_space<hbm>> -> memref<1x64x128xf32, #tpu.memory_space<hbm>>
      %dma_start3A_1955 = tpu.memref_squeeze %dma_start3A_1954 : memref<1x64x128xf32, #tpu.memory_space<hbm>> -> memref<64x128xf32, #tpu.memory_space<hbm>>
      %dma_start3A_1956 = arith.constant 0 : i32
      %dma_start3A_1957 = tpu.memref_slice %arg4[%select_n3A_1933, %add3A_1952, %dma_start3A_1956] : memref<50x4096x128xf32, #tpu.memory_space<hbm>> -> memref<1x64x128xf32, #tpu.memory_space<hbm>>
      %dma_start3A_1958 = tpu.memref_squeeze %dma_start3A_1957 : memref<1x64x128xf32, #tpu.memory_space<hbm>> -> memref<64x128xf32, #tpu.memory_space<hbm>>
      tpu.enqueue_dma source(%arg8 : memref<64x128xf32, #tpu.memory_space<vmem>>) target(%dma_start3A_1958 : memref<64x128xf32, #tpu.memory_space<hbm>>) target_semaphore(%arg28 : memref<!tpu.dma_semaphore, #tpu.memory_space<semaphore_mem>>)
      %sub3A_1959 = arith.constant 5 : i32
      %sub3A_1960 = arith.subi %mul3A_1346, %sub3A_1959 : i32
      %add3A_1961 = arith.constant 3 : i32
      %add3A_1962 = arith.addi %sub3A_1960, %add3A_1961 : i32
      %jit3A_1963 = arith.constant 2 : i32
      %div3A_1964 = arith.divsi %add3A_1962, %jit3A_1963 : i32
      %sign3A_1965 = arith.constant 0 : i32
      %sign3A_1966 = arith.cmpi sgt, %add3A_1962, %sign3A_1965 : i32
      %sign3A_1967 = arith.extui %sign3A_1966 : i1 to i32
      %sign3A_1968 = arith.constant 0 : i32
      %sign3A_1969 = arith.cmpi slt, %add3A_1962, %sign3A_1968 : i32
      %sign3A_1970 = arith.extui %sign3A_1969 : i1 to i32
      %sign3A_1971 = arith.subi %sign3A_1967, %sign3A_1970 : i32
      %sign3A_1972 = arith.constant 0 : i32
      %sign3A_1973 = arith.cmpi sgt, %jit3A_1963, %sign3A_1972 : i32
      %sign3A_1974 = arith.extui %sign3A_1973 : i1 to i32
      %sign3A_1975 = arith.constant 0 : i32
      %sign3A_1976 = arith.cmpi slt, %jit3A_1963, %sign3A_1975 : i32
      %sign3A_1977 = arith.extui %sign3A_1976 : i1 to i32
      %sign3A_1978 = arith.subi %sign3A_1974, %sign3A_1977 : i32
      %ne3A_1979 = arith.cmpi ne, %sign3A_1971, %sign3A_1978 : i32
      %rem3A_1980 = arith.remsi %add3A_1962, %jit3A_1963 : i32
      %ne3A_1981 = arith.constant 0 : i32
      %ne3A_1982 = arith.cmpi ne, %rem3A_1980, %ne3A_1981 : i32
      %and3A_1983 = arith.andi %ne3A_1979, %ne3A_1982 : i1
      %sub3A_1984 = arith.constant 1 : i32
      %sub3A_1985 = arith.subi %div3A_1964, %sub3A_1984 : i32
      %select_n3A_1986 = arith.select %and3A_1983, %sub3A_1985, %div3A_1964 : i32
      %jit3A_1987 = arith.constant 2 : i32
      %eq3A_1988 = arith.constant 0 : i32
      %eq3A_1989 = arith.cmpi eq, %jit3A_1987, %eq3A_1988 : i32
      %jit3A_1990 = arith.constant 1 : i32
      %select_n3A_1991 = arith.select %eq3A_1989, %jit3A_1990, %jit3A_1987 : i32
      %rem3A_1992 = arith.remsi %add3A_1962, %select_n3A_1991 : i32
      %ne3A_1993 = arith.constant 0 : i32
      %ne3A_1994 = arith.cmpi ne, %rem3A_1992, %ne3A_1993 : i32
      %lt3A_1995 = arith.constant 0 : i32
      %lt3A_1996 = arith.cmpi slt, %rem3A_1992, %lt3A_1995 : i32
      %lt3A_1997 = arith.constant 0 : i32
      %lt3A_1998 = arith.cmpi slt, %select_n3A_1991, %lt3A_1997 : i32
      %ne3A_1999 = arith.xori %lt3A_1996, %lt3A_1998 : i1
      %and3A_2000 = arith.andi %ne3A_1999, %ne3A_1994 : i1
      %add3A_2001 = arith.addi %rem3A_1992, %select_n3A_1991 : i32
      %select_n3A_2002 = arith.select %and3A_2000, %add3A_2001, %rem3A_1992 : i32
      %mul3A_2003 = arith.constant 64 : i32
      %mul3A_2004 = arith.muli %select_n3A_2002, %mul3A_2003 : i32
      %add3A_2005 = arith.addi %mul3A_2, %mul3A_2004 : i32
      %dma_wait3A_2006 = arith.constant 0 : i32
      %dma_wait3A_2007 = tpu.memref_slice %arg4[%select_n3A_1986, %add3A_2005, %dma_wait3A_2006] : memref<50x4096x128xf32, #tpu.memory_space<hbm>> -> memref<1x64x128xf32, #tpu.memory_space<hbm>>
      %dma_wait3A_2008 = tpu.memref_squeeze %dma_wait3A_2007 : memref<1x64x128xf32, #tpu.memory_space<hbm>> -> memref<64x128xf32, #tpu.memory_space<hbm>>
      %dma_wait3A_2009 = arith.constant 0 : i32
      %dma_wait3A_2010 = tpu.memref_slice %arg4[%select_n3A_1986, %add3A_2005, %dma_wait3A_2009] : memref<50x4096x128xf32, #tpu.memory_space<hbm>> -> memref<1x64x128xf32, #tpu.memory_space<hbm>>
      %dma_wait3A_2011 = tpu.memref_squeeze %dma_wait3A_2010 : memref<1x64x128xf32, #tpu.memory_space<hbm>> -> memref<64x128xf32, #tpu.memory_space<hbm>>
      tpu.wait_dma2 semaphore(%arg34 : memref<!tpu.dma_semaphore, #tpu.memory_space<semaphore_mem>>) src(%arg14 : memref<64x128xf32, #tpu.memory_space<vmem>>) dst(%dma_wait3A_2011 : memref<64x128xf32, #tpu.memory_space<hbm>>)
      %add3A_2012 = arith.constant 5 : i32
      %add3A_2013 = arith.addi %mul3A_1346, %add3A_2012 : i32
      %add3A_2014 = arith.constant 3 : i32
      %add3A_2015 = arith.addi %add3A_2013, %add3A_2014 : i32
      %jit3A_2016 = arith.constant 2 : i32
      %div3A_2017 = arith.divsi %add3A_2015, %jit3A_2016 : i32
      %sign3A_2018 = arith.constant 0 : i32
      %sign3A_2019 = arith.cmpi sgt, %add3A_2015, %sign3A_2018 : i32
      %sign3A_2020 = arith.extui %sign3A_2019 : i1 to i32
      %sign3A_2021 = arith.constant 0 : i32
      %sign3A_2022 = arith.cmpi slt, %add3A_2015, %sign3A_2021 : i32
      %sign3A_2023 = arith.extui %sign3A_2022 : i1 to i32
      %sign3A_2024 = arith.subi %sign3A_2020, %sign3A_2023 : i32
      %sign3A_2025 = arith.constant 0 : i32
      %sign3A_2026 = arith.cmpi sgt, %jit3A_2016, %sign3A_2025 : i32
      %sign3A_2027 = arith.extui %sign3A_2026 : i1 to i32
      %sign3A_2028 = arith.constant 0 : i32
      %sign3A_2029 = arith.cmpi slt, %jit3A_2016, %sign3A_2028 : i32
      %sign3A_2030 = arith.extui %sign3A_2029 : i1 to i32
      %sign3A_2031 = arith.subi %sign3A_2027, %sign3A_2030 : i32
      %ne3A_2032 = arith.cmpi ne, %sign3A_2024, %sign3A_2031 : i32
      %rem3A_2033 = arith.remsi %add3A_2015, %jit3A_2016 : i32
      %ne3A_2034 = arith.constant 0 : i32
      %ne3A_2035 = arith.cmpi ne, %rem3A_2033, %ne3A_2034 : i32
      %and3A_2036 = arith.andi %ne3A_2032, %ne3A_2035 : i1
      %sub3A_2037 = arith.constant 1 : i32
      %sub3A_2038 = arith.subi %div3A_2017, %sub3A_2037 : i32
      %select_n3A_2039 = arith.select %and3A_2036, %sub3A_2038, %div3A_2017 : i32
      %jit3A_2040 = arith.constant 2 : i32
      %eq3A_2041 = arith.constant 0 : i32
      %eq3A_2042 = arith.cmpi eq, %jit3A_2040, %eq3A_2041 : i32
      %jit3A_2043 = arith.constant 1 : i32
      %select_n3A_2044 = arith.select %eq3A_2042, %jit3A_2043, %jit3A_2040 : i32
      %rem3A_2045 = arith.remsi %add3A_2015, %select_n3A_2044 : i32
      %ne3A_2046 = arith.constant 0 : i32
      %ne3A_2047 = arith.cmpi ne, %rem3A_2045, %ne3A_2046 : i32
      %lt3A_2048 = arith.constant 0 : i32
      %lt3A_2049 = arith.cmpi slt, %rem3A_2045, %lt3A_2048 : i32
      %lt3A_2050 = arith.constant 0 : i32
      %lt3A_2051 = arith.cmpi slt, %select_n3A_2044, %lt3A_2050 : i32
      %ne3A_2052 = arith.xori %lt3A_2049, %lt3A_2051 : i1
      %and3A_2053 = arith.andi %ne3A_2052, %ne3A_2047 : i1
      %add3A_2054 = arith.addi %rem3A_2045, %select_n3A_2044 : i32
      %select_n3A_2055 = arith.select %and3A_2053, %add3A_2054, %rem3A_2045 : i32
      %mul3A_2056 = arith.constant 64 : i32
      %mul3A_2057 = arith.muli %select_n3A_2055, %mul3A_2056 : i32
      %dma_start3A_2058 = tpu.memref_slice %arg5[%select_n3A_2039, %mul3A_2057] : memref<50x128xi32, #tpu.memory_space<vmem>> -> memref<1x64xi32, #tpu.memory_space<vmem>>
      %dma_start3A_2059 = tpu.memref_squeeze %dma_start3A_2058 : memref<1x64xi32, #tpu.memory_space<vmem>> -> memref<64xi32, #tpu.memory_space<vmem>>
      %dma_start3A_2060 = arith.constant 0 : i32
      %dma_start3A_2061 = arith.constant 0 : i32
      %dma_start3A_2062 = tpu.memref_slice %arg2[%dma_start3A_2060, %dma_start3A_2061] : memref<100000x128xf32, #tpu.memory_space<hbm>> -> memref<100000x128xf32, #tpu.memory_space<hbm>>
      tpu.enqueue_indirect_dma source(%dma_start3A_2062 : memref<100000x128xf32, #tpu.memory_space<hbm>>) target(%arg14 : memref<64x128xf32, #tpu.memory_space<vmem>>) offsets(%dma_start3A_2059 : memref<64xi32, #tpu.memory_space<vmem>>) semaphore(%arg24 : memref<!tpu.dma_semaphore, #tpu.memory_space<semaphore_mem>>)
      %add3A_2063 = arith.constant 3 : i32
      %add3A_2064 = arith.addi %mul3A_1346, %add3A_2063 : i32
      %jit3A_2065 = arith.constant 2 : i32
      %div3A_2066 = arith.divsi %add3A_2064, %jit3A_2065 : i32
      %sign3A_2067 = arith.constant 0 : i32
      %sign3A_2068 = arith.cmpi sgt, %add3A_2064, %sign3A_2067 : i32
      %sign3A_2069 = arith.extui %sign3A_2068 : i1 to i32
      %sign3A_2070 = arith.constant 0 : i32
      %sign3A_2071 = arith.cmpi slt, %add3A_2064, %sign3A_2070 : i32
      %sign3A_2072 = arith.extui %sign3A_2071 : i1 to i32
      %sign3A_2073 = arith.subi %sign3A_2069, %sign3A_2072 : i32
      %sign3A_2074 = arith.constant 0 : i32
      %sign3A_2075 = arith.cmpi sgt, %jit3A_2065, %sign3A_2074 : i32
      %sign3A_2076 = arith.extui %sign3A_2075 : i1 to i32
      %sign3A_2077 = arith.constant 0 : i32
      %sign3A_2078 = arith.cmpi slt, %jit3A_2065, %sign3A_2077 : i32
      %sign3A_2079 = arith.extui %sign3A_2078 : i1 to i32
      %sign3A_2080 = arith.subi %sign3A_2076, %sign3A_2079 : i32
      %ne3A_2081 = arith.cmpi ne, %sign3A_2073, %sign3A_2080 : i32
      %rem3A_2082 = arith.remsi %add3A_2064, %jit3A_2065 : i32
      %ne3A_2083 = arith.constant 0 : i32
      %ne3A_2084 = arith.cmpi ne, %rem3A_2082, %ne3A_2083 : i32
      %and3A_2085 = arith.andi %ne3A_2081, %ne3A_2084 : i1
      %sub3A_2086 = arith.constant 1 : i32
      %sub3A_2087 = arith.subi %div3A_2066, %sub3A_2086 : i32
      %select_n3A_2088 = arith.select %and3A_2085, %sub3A_2087, %div3A_2066 : i32
      %jit3A_2089 = arith.constant 2 : i32
      %eq3A_2090 = arith.constant 0 : i32
      %eq3A_2091 = arith.cmpi eq, %jit3A_2089, %eq3A_2090 : i32
      %jit3A_2092 = arith.constant 1 : i32
      %select_n3A_2093 = arith.select %eq3A_2091, %jit3A_2092, %jit3A_2089 : i32
      %rem3A_2094 = arith.remsi %add3A_2064, %select_n3A_2093 : i32
      %ne3A_2095 = arith.constant 0 : i32
      %ne3A_2096 = arith.cmpi ne, %rem3A_2094, %ne3A_2095 : i32
      %lt3A_2097 = arith.constant 0 : i32
      %lt3A_2098 = arith.cmpi slt, %rem3A_2094, %lt3A_2097 : i32
      %lt3A_2099 = arith.constant 0 : i32
      %lt3A_2100 = arith.cmpi slt, %select_n3A_2093, %lt3A_2099 : i32
      %ne3A_2101 = arith.xori %lt3A_2098, %lt3A_2100 : i1
      %and3A_2102 = arith.andi %ne3A_2101, %ne3A_2096 : i1
      %add3A_2103 = arith.addi %rem3A_2094, %select_n3A_2093 : i32
      %select_n3A_2104 = arith.select %and3A_2102, %add3A_2103, %rem3A_2094 : i32
      %mul3A_2105 = arith.constant 64 : i32
      %mul3A_2106 = arith.muli %select_n3A_2104, %mul3A_2105 : i32
      %dma_wait3A_2107 = tpu.memref_slice %arg5[%select_n3A_2088, %mul3A_2106] : memref<50x128xi32, #tpu.memory_space<vmem>> -> memref<1x64xi32, #tpu.memory_space<vmem>>
      %dma_wait3A_2108 = tpu.memref_squeeze %dma_wait3A_2107 : memref<1x64xi32, #tpu.memory_space<vmem>> -> memref<64xi32, #tpu.memory_space<vmem>>
      %dma_wait3A_2109 = arith.constant 0 : i32
      %dma_wait3A_2110 = arith.constant 0 : i32
      %dma_wait3A_2111 = tpu.memref_slice %arg2[%dma_wait3A_2109, %dma_wait3A_2110] : memref<100000x128xf32, #tpu.memory_space<hbm>> -> memref<100000x128xf32, #tpu.memory_space<hbm>>
      tpu.wait_indirect_dma semaphore(%arg19 : memref<!tpu.dma_semaphore, #tpu.memory_space<semaphore_mem>>) src(%dma_wait3A_2111 : memref<100000x128xf32, #tpu.memory_space<hbm>>) dst(%arg9 : memref<64x128xf32, #tpu.memory_space<vmem>>)
      %add3A_2112 = arith.constant 3 : i32
      %add3A_2113 = arith.addi %mul3A_1346, %add3A_2112 : i32
      %jit3A_2114 = arith.constant 2 : i32
      %div3A_2115 = arith.divsi %add3A_2113, %jit3A_2114 : i32
      %sign3A_2116 = arith.constant 0 : i32
      %sign3A_2117 = arith.cmpi sgt, %add3A_2113, %sign3A_2116 : i32
      %sign3A_2118 = arith.extui %sign3A_2117 : i1 to i32
      %sign3A_2119 = arith.constant 0 : i32
      %sign3A_2120 = arith.cmpi slt, %add3A_2113, %sign3A_2119 : i32
      %sign3A_2121 = arith.extui %sign3A_2120 : i1 to i32
      %sign3A_2122 = arith.subi %sign3A_2118, %sign3A_2121 : i32
      %sign3A_2123 = arith.constant 0 : i32
      %sign3A_2124 = arith.cmpi sgt, %jit3A_2114, %sign3A_2123 : i32
      %sign3A_2125 = arith.extui %sign3A_2124 : i1 to i32
      %sign3A_2126 = arith.constant 0 : i32
      %sign3A_2127 = arith.cmpi slt, %jit3A_2114, %sign3A_2126 : i32
      %sign3A_2128 = arith.extui %sign3A_2127 : i1 to i32
      %sign3A_2129 = arith.subi %sign3A_2125, %sign3A_2128 : i32
      %ne3A_2130 = arith.cmpi ne, %sign3A_2122, %sign3A_2129 : i32
      %rem3A_2131 = arith.remsi %add3A_2113, %jit3A_2114 : i32
      %ne3A_2132 = arith.constant 0 : i32
      %ne3A_2133 = arith.cmpi ne, %rem3A_2131, %ne3A_2132 : i32
      %and3A_2134 = arith.andi %ne3A_2130, %ne3A_2133 : i1
      %sub3A_2135 = arith.constant 1 : i32
      %sub3A_2136 = arith.subi %div3A_2115, %sub3A_2135 : i32
      %select_n3A_2137 = arith.select %and3A_2134, %sub3A_2136, %div3A_2115 : i32
      %jit3A_2138 = arith.constant 2 : i32
      %eq3A_2139 = arith.constant 0 : i32
      %eq3A_2140 = arith.cmpi eq, %jit3A_2138, %eq3A_2139 : i32
      %jit3A_2141 = arith.constant 1 : i32
      %select_n3A_2142 = arith.select %eq3A_2140, %jit3A_2141, %jit3A_2138 : i32
      %rem3A_2143 = arith.remsi %add3A_2113, %select_n3A_2142 : i32
      %ne3A_2144 = arith.constant 0 : i32
      %ne3A_2145 = arith.cmpi ne, %rem3A_2143, %ne3A_2144 : i32
      %lt3A_2146 = arith.constant 0 : i32
      %lt3A_2147 = arith.cmpi slt, %rem3A_2143, %lt3A_2146 : i32
      %lt3A_2148 = arith.constant 0 : i32
      %lt3A_2149 = arith.cmpi slt, %select_n3A_2142, %lt3A_2148 : i32
      %ne3A_2150 = arith.xori %lt3A_2147, %lt3A_2149 : i1
      %and3A_2151 = arith.andi %ne3A_2150, %ne3A_2145 : i1
      %add3A_2152 = arith.addi %rem3A_2143, %select_n3A_2142 : i32
      %select_n3A_2153 = arith.select %and3A_2151, %add3A_2152, %rem3A_2143 : i32
      %mul3A_2154 = arith.constant 64 : i32
      %mul3A_2155 = arith.muli %select_n3A_2153, %mul3A_2154 : i32
      %add3A_2156 = arith.addi %mul3A_2, %mul3A_2155 : i32
      %dma_start3A_2157 = arith.constant 0 : i32
      %dma_start3A_2158 = tpu.memref_slice %arg4[%select_n3A_2137, %add3A_2156, %dma_start3A_2157] : memref<50x4096x128xf32, #tpu.memory_space<hbm>> -> memref<1x64x128xf32, #tpu.memory_space<hbm>>
      %dma_start3A_2159 = tpu.memref_squeeze %dma_start3A_2158 : memref<1x64x128xf32, #tpu.memory_space<hbm>> -> memref<64x128xf32, #tpu.memory_space<hbm>>
      %dma_start3A_2160 = arith.constant 0 : i32
      %dma_start3A_2161 = tpu.memref_slice %arg4[%select_n3A_2137, %add3A_2156, %dma_start3A_2160] : memref<50x4096x128xf32, #tpu.memory_space<hbm>> -> memref<1x64x128xf32, #tpu.memory_space<hbm>>
      %dma_start3A_2162 = tpu.memref_squeeze %dma_start3A_2161 : memref<1x64x128xf32, #tpu.memory_space<hbm>> -> memref<64x128xf32, #tpu.memory_space<hbm>>
      tpu.enqueue_dma source(%arg9 : memref<64x128xf32, #tpu.memory_space<vmem>>) target(%dma_start3A_2162 : memref<64x128xf32, #tpu.memory_space<hbm>>) target_semaphore(%arg29 : memref<!tpu.dma_semaphore, #tpu.memory_space<semaphore_mem>>)
      %sub3A_2163 = arith.constant 5 : i32
      %sub3A_2164 = arith.subi %mul3A_1346, %sub3A_2163 : i32
      %add3A_2165 = arith.constant 4 : i32
      %add3A_2166 = arith.addi %sub3A_2164, %add3A_2165 : i32
      %jit3A_2167 = arith.constant 2 : i32
      %div3A_2168 = arith.divsi %add3A_2166, %jit3A_2167 : i32
      %sign3A_2169 = arith.constant 0 : i32
      %sign3A_2170 = arith.cmpi sgt, %add3A_2166, %sign3A_2169 : i32
      %sign3A_2171 = arith.extui %sign3A_2170 : i1 to i32
      %sign3A_2172 = arith.constant 0 : i32
      %sign3A_2173 = arith.cmpi slt, %add3A_2166, %sign3A_2172 : i32
      %sign3A_2174 = arith.extui %sign3A_2173 : i1 to i32
      %sign3A_2175 = arith.subi %sign3A_2171, %sign3A_2174 : i32
      %sign3A_2176 = arith.constant 0 : i32
      %sign3A_2177 = arith.cmpi sgt, %jit3A_2167, %sign3A_2176 : i32
      %sign3A_2178 = arith.extui %sign3A_2177 : i1 to i32
      %sign3A_2179 = arith.constant 0 : i32
      %sign3A_2180 = arith.cmpi slt, %jit3A_2167, %sign3A_2179 : i32
      %sign3A_2181 = arith.extui %sign3A_2180 : i1 to i32
      %sign3A_2182 = arith.subi %sign3A_2178, %sign3A_2181 : i32
      %ne3A_2183 = arith.cmpi ne, %sign3A_2175, %sign3A_2182 : i32
      %rem3A_2184 = arith.remsi %add3A_2166, %jit3A_2167 : i32
      %ne3A_2185 = arith.constant 0 : i32
      %ne3A_2186 = arith.cmpi ne, %rem3A_2184, %ne3A_2185 : i32
      %and3A_2187 = arith.andi %ne3A_2183, %ne3A_2186 : i1
      %sub3A_2188 = arith.constant 1 : i32
      %sub3A_2189 = arith.subi %div3A_2168, %sub3A_2188 : i32
      %select_n3A_2190 = arith.select %and3A_2187, %sub3A_2189, %div3A_2168 : i32
      %jit3A_2191 = arith.constant 2 : i32
      %eq3A_2192 = arith.constant 0 : i32
      %eq3A_2193 = arith.cmpi eq, %jit3A_2191, %eq3A_2192 : i32
      %jit3A_2194 = arith.constant 1 : i32
      %select_n3A_2195 = arith.select %eq3A_2193, %jit3A_2194, %jit3A_2191 : i32
      %rem3A_2196 = arith.remsi %add3A_2166, %select_n3A_2195 : i32
      %ne3A_2197 = arith.constant 0 : i32
      %ne3A_2198 = arith.cmpi ne, %rem3A_2196, %ne3A_2197 : i32
      %lt3A_2199 = arith.constant 0 : i32
      %lt3A_2200 = arith.cmpi slt, %rem3A_2196, %lt3A_2199 : i32
      %lt3A_2201 = arith.constant 0 : i32
      %lt3A_2202 = arith.cmpi slt, %select_n3A_2195, %lt3A_2201 : i32
      %ne3A_2203 = arith.xori %lt3A_2200, %lt3A_2202 : i1
      %and3A_2204 = arith.andi %ne3A_2203, %ne3A_2198 : i1
      %add3A_2205 = arith.addi %rem3A_2196, %select_n3A_2195 : i32
      %select_n3A_2206 = arith.select %and3A_2204, %add3A_2205, %rem3A_2196 : i32
      %mul3A_2207 = arith.constant 64 : i32
      %mul3A_2208 = arith.muli %select_n3A_2206, %mul3A_2207 : i32
      %add3A_2209 = arith.addi %mul3A_2, %mul3A_2208 : i32
      %dma_wait3A_2210 = arith.constant 0 : i32
      %dma_wait3A_2211 = tpu.memref_slice %arg4[%select_n3A_2190, %add3A_2209, %dma_wait3A_2210] : memref<50x4096x128xf32, #tpu.memory_space<hbm>> -> memref<1x64x128xf32, #tpu.memory_space<hbm>>
      %dma_wait3A_2212 = tpu.memref_squeeze %dma_wait3A_2211 : memref<1x64x128xf32, #tpu.memory_space<hbm>> -> memref<64x128xf32, #tpu.memory_space<hbm>>
      %dma_wait3A_2213 = arith.constant 0 : i32
      %dma_wait3A_2214 = tpu.memref_slice %arg4[%select_n3A_2190, %add3A_2209, %dma_wait3A_2213] : memref<50x4096x128xf32, #tpu.memory_space<hbm>> -> memref<1x64x128xf32, #tpu.memory_space<hbm>>
      %dma_wait3A_2215 = tpu.memref_squeeze %dma_wait3A_2214 : memref<1x64x128xf32, #tpu.memory_space<hbm>> -> memref<64x128xf32, #tpu.memory_space<hbm>>
      tpu.wait_dma2 semaphore(%arg35 : memref<!tpu.dma_semaphore, #tpu.memory_space<semaphore_mem>>) src(%arg15 : memref<64x128xf32, #tpu.memory_space<vmem>>) dst(%dma_wait3A_2215 : memref<64x128xf32, #tpu.memory_space<hbm>>)
      %add3A_2216 = arith.constant 5 : i32
      %add3A_2217 = arith.addi %mul3A_1346, %add3A_2216 : i32
      %add3A_2218 = arith.constant 4 : i32
      %add3A_2219 = arith.addi %add3A_2217, %add3A_2218 : i32
      %jit3A_2220 = arith.constant 2 : i32
      %div3A_2221 = arith.divsi %add3A_2219, %jit3A_2220 : i32
      %sign3A_2222 = arith.constant 0 : i32
      %sign3A_2223 = arith.cmpi sgt, %add3A_2219, %sign3A_2222 : i32
      %sign3A_2224 = arith.extui %sign3A_2223 : i1 to i32
      %sign3A_2225 = arith.constant 0 : i32
      %sign3A_2226 = arith.cmpi slt, %add3A_2219, %sign3A_2225 : i32
      %sign3A_2227 = arith.extui %sign3A_2226 : i1 to i32
      %sign3A_2228 = arith.subi %sign3A_2224, %sign3A_2227 : i32
      %sign3A_2229 = arith.constant 0 : i32
      %sign3A_2230 = arith.cmpi sgt, %jit3A_2220, %sign3A_2229 : i32
      %sign3A_2231 = arith.extui %sign3A_2230 : i1 to i32
      %sign3A_2232 = arith.constant 0 : i32
      %sign3A_2233 = arith.cmpi slt, %jit3A_2220, %sign3A_2232 : i32
      %sign3A_2234 = arith.extui %sign3A_2233 : i1 to i32
      %sign3A_2235 = arith.subi %sign3A_2231, %sign3A_2234 : i32
      %ne3A_2236 = arith.cmpi ne, %sign3A_2228, %sign3A_2235 : i32
      %rem3A_2237 = arith.remsi %add3A_2219, %jit3A_2220 : i32
      %ne3A_2238 = arith.constant 0 : i32
      %ne3A_2239 = arith.cmpi ne, %rem3A_2237, %ne3A_2238 : i32
      %and3A_2240 = arith.andi %ne3A_2236, %ne3A_2239 : i1
      %sub3A_2241 = arith.constant 1 : i32
      %sub3A_2242 = arith.subi %div3A_2221, %sub3A_2241 : i32
      %select_n3A_2243 = arith.select %and3A_2240, %sub3A_2242, %div3A_2221 : i32
      %jit3A_2244 = arith.constant 2 : i32
      %eq3A_2245 = arith.constant 0 : i32
      %eq3A_2246 = arith.cmpi eq, %jit3A_2244, %eq3A_2245 : i32
      %jit3A_2247 = arith.constant 1 : i32
      %select_n3A_2248 = arith.select %eq3A_2246, %jit3A_2247, %jit3A_2244 : i32
      %rem3A_2249 = arith.remsi %add3A_2219, %select_n3A_2248 : i32
      %ne3A_2250 = arith.constant 0 : i32
      %ne3A_2251 = arith.cmpi ne, %rem3A_2249, %ne3A_2250 : i32
      %lt3A_2252 = arith.constant 0 : i32
      %lt3A_2253 = arith.cmpi slt, %rem3A_2249, %lt3A_2252 : i32
      %lt3A_2254 = arith.constant 0 : i32
      %lt3A_2255 = arith.cmpi slt, %select_n3A_2248, %lt3A_2254 : i32
      %ne3A_2256 = arith.xori %lt3A_2253, %lt3A_2255 : i1
      %and3A_2257 = arith.andi %ne3A_2256, %ne3A_2251 : i1
      %add3A_2258 = arith.addi %rem3A_2249, %select_n3A_2248 : i32
      %select_n3A_2259 = arith.select %and3A_2257, %add3A_2258, %rem3A_2249 : i32
      %mul3A_2260 = arith.constant 64 : i32
      %mul3A_2261 = arith.muli %select_n3A_2259, %mul3A_2260 : i32
      %dma_start3A_2262 = tpu.memref_slice %arg5[%select_n3A_2243, %mul3A_2261] : memref<50x128xi32, #tpu.memory_space<vmem>> -> memref<1x64xi32, #tpu.memory_space<vmem>>
      %dma_start3A_2263 = tpu.memref_squeeze %dma_start3A_2262 : memref<1x64xi32, #tpu.memory_space<vmem>> -> memref<64xi32, #tpu.memory_space<vmem>>
      %dma_start3A_2264 = arith.constant 0 : i32
      %dma_start3A_2265 = arith.constant 0 : i32
      %dma_start3A_2266 = tpu.memref_slice %arg2[%dma_start3A_2264, %dma_start3A_2265] : memref<100000x128xf32, #tpu.memory_space<hbm>> -> memref<100000x128xf32, #tpu.memory_space<hbm>>
      tpu.enqueue_indirect_dma source(%dma_start3A_2266 : memref<100000x128xf32, #tpu.memory_space<hbm>>) target(%arg15 : memref<64x128xf32, #tpu.memory_space<vmem>>) offsets(%dma_start3A_2263 : memref<64xi32, #tpu.memory_space<vmem>>) semaphore(%arg25 : memref<!tpu.dma_semaphore, #tpu.memory_space<semaphore_mem>>)
      %add3A_2267 = arith.constant 4 : i32
      %add3A_2268 = arith.addi %mul3A_1346, %add3A_2267 : i32
      %jit3A_2269 = arith.constant 2 : i32
      %div3A_2270 = arith.divsi %add3A_2268, %jit3A_2269 : i32
      %sign3A_2271 = arith.constant 0 : i32
      %sign3A_2272 = arith.cmpi sgt, %add3A_2268, %sign3A_2271 : i32
      %sign3A_2273 = arith.extui %sign3A_2272 : i1 to i32
      %sign3A_2274 = arith.constant 0 : i32
      %sign3A_2275 = arith.cmpi slt, %add3A_2268, %sign3A_2274 : i32
      %sign3A_2276 = arith.extui %sign3A_2275 : i1 to i32
      %sign3A_2277 = arith.subi %sign3A_2273, %sign3A_2276 : i32
      %sign3A_2278 = arith.constant 0 : i32
      %sign3A_2279 = arith.cmpi sgt, %jit3A_2269, %sign3A_2278 : i32
      %sign3A_2280 = arith.extui %sign3A_2279 : i1 to i32
      %sign3A_2281 = arith.constant 0 : i32
      %sign3A_2282 = arith.cmpi slt, %jit3A_2269, %sign3A_2281 : i32
      %sign3A_2283 = arith.extui %sign3A_2282 : i1 to i32
      %sign3A_2284 = arith.subi %sign3A_2280, %sign3A_2283 : i32
      %ne3A_2285 = arith.cmpi ne, %sign3A_2277, %sign3A_2284 : i32
      %rem3A_2286 = arith.remsi %add3A_2268, %jit3A_2269 : i32
      %ne3A_2287 = arith.constant 0 : i32
      %ne3A_2288 = arith.cmpi ne, %rem3A_2286, %ne3A_2287 : i32
      %and3A_2289 = arith.andi %ne3A_2285, %ne3A_2288 : i1
      %sub3A_2290 = arith.constant 1 : i32
      %sub3A_2291 = arith.subi %div3A_2270, %sub3A_2290 : i32
      %select_n3A_2292 = arith.select %and3A_2289, %sub3A_2291, %div3A_2270 : i32
      %jit3A_2293 = arith.constant 2 : i32
      %eq3A_2294 = arith.constant 0 : i32
      %eq3A_2295 = arith.cmpi eq, %jit3A_2293, %eq3A_2294 : i32
      %jit3A_2296 = arith.constant 1 : i32
      %select_n3A_2297 = arith.select %eq3A_2295, %jit3A_2296, %jit3A_2293 : i32
      %rem3A_2298 = arith.remsi %add3A_2268, %select_n3A_2297 : i32
      %ne3A_2299 = arith.constant 0 : i32
      %ne3A_2300 = arith.cmpi ne, %rem3A_2298, %ne3A_2299 : i32
      %lt3A_2301 = arith.constant 0 : i32
      %lt3A_2302 = arith.cmpi slt, %rem3A_2298, %lt3A_2301 : i32
      %lt3A_2303 = arith.constant 0 : i32
      %lt3A_2304 = arith.cmpi slt, %select_n3A_2297, %lt3A_2303 : i32
      %ne3A_2305 = arith.xori %lt3A_2302, %lt3A_2304 : i1
      %and3A_2306 = arith.andi %ne3A_2305, %ne3A_2300 : i1
      %add3A_2307 = arith.addi %rem3A_2298, %select_n3A_2297 : i32
      %select_n3A_2308 = arith.select %and3A_2306, %add3A_2307, %rem3A_2298 : i32
      %mul3A_2309 = arith.constant 64 : i32
      %mul3A_2310 = arith.muli %select_n3A_2308, %mul3A_2309 : i32
      %dma_wait3A_2311 = tpu.memref_slice %arg5[%select_n3A_2292, %mul3A_2310] : memref<50x128xi32, #tpu.memory_space<vmem>> -> memref<1x64xi32, #tpu.memory_space<vmem>>
      %dma_wait3A_2312 = tpu.memref_squeeze %dma_wait3A_2311 : memref<1x64xi32, #tpu.memory_space<vmem>> -> memref<64xi32, #tpu.memory_space<vmem>>
      %dma_wait3A_2313 = arith.constant 0 : i32
      %dma_wait3A_2314 = arith.constant 0 : i32
      %dma_wait3A_2315 = tpu.memref_slice %arg2[%dma_wait3A_2313, %dma_wait3A_2314] : memref<100000x128xf32, #tpu.memory_space<hbm>> -> memref<100000x128xf32, #tpu.memory_space<hbm>>
      tpu.wait_indirect_dma semaphore(%arg20 : memref<!tpu.dma_semaphore, #tpu.memory_space<semaphore_mem>>) src(%dma_wait3A_2315 : memref<100000x128xf32, #tpu.memory_space<hbm>>) dst(%arg10 : memref<64x128xf32, #tpu.memory_space<vmem>>)
      %add3A_2316 = arith.constant 4 : i32
      %add3A_2317 = arith.addi %mul3A_1346, %add3A_2316 : i32
      %jit3A_2318 = arith.constant 2 : i32
      %div3A_2319 = arith.divsi %add3A_2317, %jit3A_2318 : i32
      %sign3A_2320 = arith.constant 0 : i32
      %sign3A_2321 = arith.cmpi sgt, %add3A_2317, %sign3A_2320 : i32
      %sign3A_2322 = arith.extui %sign3A_2321 : i1 to i32
      %sign3A_2323 = arith.constant 0 : i32
      %sign3A_2324 = arith.cmpi slt, %add3A_2317, %sign3A_2323 : i32
      %sign3A_2325 = arith.extui %sign3A_2324 : i1 to i32
      %sign3A_2326 = arith.subi %sign3A_2322, %sign3A_2325 : i32
      %sign3A_2327 = arith.constant 0 : i32
      %sign3A_2328 = arith.cmpi sgt, %jit3A_2318, %sign3A_2327 : i32
      %sign3A_2329 = arith.extui %sign3A_2328 : i1 to i32
      %sign3A_2330 = arith.constant 0 : i32
      %sign3A_2331 = arith.cmpi slt, %jit3A_2318, %sign3A_2330 : i32
      %sign3A_2332 = arith.extui %sign3A_2331 : i1 to i32
      %sign3A_2333 = arith.subi %sign3A_2329, %sign3A_2332 : i32
      %ne3A_2334 = arith.cmpi ne, %sign3A_2326, %sign3A_2333 : i32
      %rem3A_2335 = arith.remsi %add3A_2317, %jit3A_2318 : i32
      %ne3A_2336 = arith.constant 0 : i32
      %ne3A_2337 = arith.cmpi ne, %rem3A_2335, %ne3A_2336 : i32
      %and3A_2338 = arith.andi %ne3A_2334, %ne3A_2337 : i1
      %sub3A_2339 = arith.constant 1 : i32
      %sub3A_2340 = arith.subi %div3A_2319, %sub3A_2339 : i32
      %select_n3A_2341 = arith.select %and3A_2338, %sub3A_2340, %div3A_2319 : i32
      %jit3A_2342 = arith.constant 2 : i32
      %eq3A_2343 = arith.constant 0 : i32
      %eq3A_2344 = arith.cmpi eq, %jit3A_2342, %eq3A_2343 : i32
      %jit3A_2345 = arith.constant 1 : i32
      %select_n3A_2346 = arith.select %eq3A_2344, %jit3A_2345, %jit3A_2342 : i32
      %rem3A_2347 = arith.remsi %add3A_2317, %select_n3A_2346 : i32
      %ne3A_2348 = arith.constant 0 : i32
      %ne3A_2349 = arith.cmpi ne, %rem3A_2347, %ne3A_2348 : i32
      %lt3A_2350 = arith.constant 0 : i32
      %lt3A_2351 = arith.cmpi slt, %rem3A_2347, %lt3A_2350 : i32
      %lt3A_2352 = arith.constant 0 : i32
      %lt3A_2353 = arith.cmpi slt, %select_n3A_2346, %lt3A_2352 : i32
      %ne3A_2354 = arith.xori %lt3A_2351, %lt3A_2353 : i1
      %and3A_2355 = arith.andi %ne3A_2354, %ne3A_2349 : i1
      %add3A_2356 = arith.addi %rem3A_2347, %select_n3A_2346 : i32
      %select_n3A_2357 = arith.select %and3A_2355, %add3A_2356, %rem3A_2347 : i32
      %mul3A_2358 = arith.constant 64 : i32
      %mul3A_2359 = arith.muli %select_n3A_2357, %mul3A_2358 : i32
      %add3A_2360 = arith.addi %mul3A_2, %mul3A_2359 : i32
      %dma_start3A_2361 = arith.constant 0 : i32
      %dma_start3A_2362 = tpu.memref_slice %arg4[%select_n3A_2341, %add3A_2360, %dma_start3A_2361] : memref<50x4096x128xf32, #tpu.memory_space<hbm>> -> memref<1x64x128xf32, #tpu.memory_space<hbm>>
      %dma_start3A_2363 = tpu.memref_squeeze %dma_start3A_2362 : memref<1x64x128xf32, #tpu.memory_space<hbm>> -> memref<64x128xf32, #tpu.memory_space<hbm>>
      %dma_start3A_2364 = arith.constant 0 : i32
      %dma_start3A_2365 = tpu.memref_slice %arg4[%select_n3A_2341, %add3A_2360, %dma_start3A_2364] : memref<50x4096x128xf32, #tpu.memory_space<hbm>> -> memref<1x64x128xf32, #tpu.memory_space<hbm>>
      %dma_start3A_2366 = tpu.memref_squeeze %dma_start3A_2365 : memref<1x64x128xf32, #tpu.memory_space<hbm>> -> memref<64x128xf32, #tpu.memory_space<hbm>>
      tpu.enqueue_dma source(%arg10 : memref<64x128xf32, #tpu.memory_space<vmem>>) target(%dma_start3A_2366 : memref<64x128xf32, #tpu.memory_space<hbm>>) target_semaphore(%arg30 : memref<!tpu.dma_semaphore, #tpu.memory_space<semaphore_mem>>)
    }
    %scan3A_155 = arith.constant 9 : i32
    %dma_wait3A_156 = arith.constant 47 : i32
    %dma_wait3A_157 = arith.constant 64 : i32
    %dma_wait3A_158 = tpu.memref_slice %arg5[%dma_wait3A_156, %dma_wait3A_157] : memref<50x128xi32, #tpu.memory_space<vmem>> -> memref<1x64xi32, #tpu.memory_space<vmem>>
    %dma_wait3A_159 = tpu.memref_squeeze %dma_wait3A_158 : memref<1x64xi32, #tpu.memory_space<vmem>> -> memref<64xi32, #tpu.memory_space<vmem>>
    %dma_wait3A_160 = arith.constant 0 : i32
    %dma_wait3A_161 = arith.constant 0 : i32
    %dma_wait3A_162 = tpu.memref_slice %arg2[%dma_wait3A_160, %dma_wait3A_161] : memref<100000x128xf32, #tpu.memory_space<hbm>> -> memref<100000x128xf32, #tpu.memory_space<hbm>>
    tpu.wait_indirect_dma semaphore(%arg21 : memref<!tpu.dma_semaphore, #tpu.memory_space<semaphore_mem>>) src(%dma_wait3A_162 : memref<100000x128xf32, #tpu.memory_space<hbm>>) dst(%arg11 : memref<64x128xf32, #tpu.memory_space<vmem>>)
    %add3A_163 = arith.constant 64 : i32
    %add3A_164 = arith.addi %mul3A_2, %add3A_163 : i32
    %dma_start3A_165 = arith.constant 47 : i32
    %dma_start3A_166 = arith.constant 0 : i32
    %dma_start3A_167 = tpu.memref_slice %arg4[%dma_start3A_165, %add3A_164, %dma_start3A_166] : memref<50x4096x128xf32, #tpu.memory_space<hbm>> -> memref<1x64x128xf32, #tpu.memory_space<hbm>>
    %dma_start3A_168 = tpu.memref_squeeze %dma_start3A_167 : memref<1x64x128xf32, #tpu.memory_space<hbm>> -> memref<64x128xf32, #tpu.memory_space<hbm>>
    %dma_start3A_169 = arith.constant 0 : i32
    %dma_start3A_170 = tpu.memref_slice %arg4[%dma_start3A_165, %add3A_164, %dma_start3A_169] : memref<50x4096x128xf32, #tpu.memory_space<hbm>> -> memref<1x64x128xf32, #tpu.memory_space<hbm>>
    %dma_start3A_171 = tpu.memref_squeeze %dma_start3A_170 : memref<1x64x128xf32, #tpu.memory_space<hbm>> -> memref<64x128xf32, #tpu.memory_space<hbm>>
    tpu.enqueue_dma source(%arg11 : memref<64x128xf32, #tpu.memory_space<vmem>>) target(%dma_start3A_171 : memref<64x128xf32, #tpu.memory_space<hbm>>) target_semaphore(%arg31 : memref<!tpu.dma_semaphore, #tpu.memory_space<semaphore_mem>>)
    %dma_wait3A_172 = arith.constant 48 : i32
    %dma_wait3A_173 = arith.constant 0 : i32
    %dma_wait3A_174 = tpu.memref_slice %arg5[%dma_wait3A_172, %dma_wait3A_173] : memref<50x128xi32, #tpu.memory_space<vmem>> -> memref<1x64xi32, #tpu.memory_space<vmem>>
    %dma_wait3A_175 = tpu.memref_squeeze %dma_wait3A_174 : memref<1x64xi32, #tpu.memory_space<vmem>> -> memref<64xi32, #tpu.memory_space<vmem>>
    %dma_wait3A_176 = arith.constant 0 : i32
    %dma_wait3A_177 = arith.constant 0 : i32
    %dma_wait3A_178 = tpu.memref_slice %arg2[%dma_wait3A_176, %dma_wait3A_177] : memref<100000x128xf32, #tpu.memory_space<hbm>> -> memref<100000x128xf32, #tpu.memory_space<hbm>>
    tpu.wait_indirect_dma semaphore(%arg22 : memref<!tpu.dma_semaphore, #tpu.memory_space<semaphore_mem>>) src(%dma_wait3A_178 : memref<100000x128xf32, #tpu.memory_space<hbm>>) dst(%arg12 : memref<64x128xf32, #tpu.memory_space<vmem>>)
    %add3A_179 = arith.constant 0 : i32
    %add3A_180 = arith.addi %mul3A_2, %add3A_179 : i32
    %dma_start3A_181 = arith.constant 48 : i32
    %dma_start3A_182 = arith.constant 0 : i32
    %dma_start3A_183 = tpu.memref_slice %arg4[%dma_start3A_181, %add3A_180, %dma_start3A_182] : memref<50x4096x128xf32, #tpu.memory_space<hbm>> -> memref<1x64x128xf32, #tpu.memory_space<hbm>>
    %dma_start3A_184 = tpu.memref_squeeze %dma_start3A_183 : memref<1x64x128xf32, #tpu.memory_space<hbm>> -> memref<64x128xf32, #tpu.memory_space<hbm>>
    %dma_start3A_185 = arith.constant 0 : i32
    %dma_start3A_186 = tpu.memref_slice %arg4[%dma_start3A_181, %add3A_180, %dma_start3A_185] : memref<50x4096x128xf32, #tpu.memory_space<hbm>> -> memref<1x64x128xf32, #tpu.memory_space<hbm>>
    %dma_start3A_187 = tpu.memref_squeeze %dma_start3A_186 : memref<1x64x128xf32, #tpu.memory_space<hbm>> -> memref<64x128xf32, #tpu.memory_space<hbm>>
    tpu.enqueue_dma source(%arg12 : memref<64x128xf32, #tpu.memory_space<vmem>>) target(%dma_start3A_187 : memref<64x128xf32, #tpu.memory_space<hbm>>) target_semaphore(%arg32 : memref<!tpu.dma_semaphore, #tpu.memory_space<semaphore_mem>>)
    %dma_wait3A_188 = arith.constant 48 : i32
    %dma_wait3A_189 = arith.constant 64 : i32
    %dma_wait3A_190 = tpu.memref_slice %arg5[%dma_wait3A_188, %dma_wait3A_189] : memref<50x128xi32, #tpu.memory_space<vmem>> -> memref<1x64xi32, #tpu.memory_space<vmem>>
    %dma_wait3A_191 = tpu.memref_squeeze %dma_wait3A_190 : memref<1x64xi32, #tpu.memory_space<vmem>> -> memref<64xi32, #tpu.memory_space<vmem>>
    %dma_wait3A_192 = arith.constant 0 : i32
    %dma_wait3A_193 = arith.constant 0 : i32
    %dma_wait3A_194 = tpu.memref_slice %arg2[%dma_wait3A_192, %dma_wait3A_193] : memref<100000x128xf32, #tpu.memory_space<hbm>> -> memref<100000x128xf32, #tpu.memory_space<hbm>>
    tpu.wait_indirect_dma semaphore(%arg23 : memref<!tpu.dma_semaphore, #tpu.memory_space<semaphore_mem>>) src(%dma_wait3A_194 : memref<100000x128xf32, #tpu.memory_space<hbm>>) dst(%arg13 : memref<64x128xf32, #tpu.memory_space<vmem>>)
    %add3A_195 = arith.constant 64 : i32
    %add3A_196 = arith.addi %mul3A_2, %add3A_195 : i32
    %dma_start3A_197 = arith.constant 48 : i32
    %dma_start3A_198 = arith.constant 0 : i32
    %dma_start3A_199 = tpu.memref_slice %arg4[%dma_start3A_197, %add3A_196, %dma_start3A_198] : memref<50x4096x128xf32, #tpu.memory_space<hbm>> -> memref<1x64x128xf32, #tpu.memory_space<hbm>>
    %dma_start3A_200 = tpu.memref_squeeze %dma_start3A_199 : memref<1x64x128xf32, #tpu.memory_space<hbm>> -> memref<64x128xf32, #tpu.memory_space<hbm>>
    %dma_start3A_201 = arith.constant 0 : i32
    %dma_start3A_202 = tpu.memref_slice %arg4[%dma_start3A_197, %add3A_196, %dma_start3A_201] : memref<50x4096x128xf32, #tpu.memory_space<hbm>> -> memref<1x64x128xf32, #tpu.memory_space<hbm>>
    %dma_start3A_203 = tpu.memref_squeeze %dma_start3A_202 : memref<1x64x128xf32, #tpu.memory_space<hbm>> -> memref<64x128xf32, #tpu.memory_space<hbm>>
    tpu.enqueue_dma source(%arg13 : memref<64x128xf32, #tpu.memory_space<vmem>>) target(%dma_start3A_203 : memref<64x128xf32, #tpu.memory_space<hbm>>) target_semaphore(%arg33 : memref<!tpu.dma_semaphore, #tpu.memory_space<semaphore_mem>>)
    %dma_wait3A_204 = arith.constant 49 : i32
    %dma_wait3A_205 = arith.constant 0 : i32
    %dma_wait3A_206 = tpu.memref_slice %arg5[%dma_wait3A_204, %dma_wait3A_205] : memref<50x128xi32, #tpu.memory_space<vmem>> -> memref<1x64xi32, #tpu.memory_space<vmem>>
    %dma_wait3A_207 = tpu.memref_squeeze %dma_wait3A_206 : memref<1x64xi32, #tpu.memory_space<vmem>> -> memref<64xi32, #tpu.memory_space<vmem>>
    %dma_wait3A_208 = arith.constant 0 : i32
    %dma_wait3A_209 = arith.constant 0 : i32
    %dma_wait3A_210 = tpu.memref_slice %arg2[%dma_wait3A_208, %dma_wait3A_209] : memref<100000x128xf32, #tpu.memory_space<hbm>> -> memref<100000x128xf32, #tpu.memory_space<hbm>>
    tpu.wait_indirect_dma semaphore(%arg24 : memref<!tpu.dma_semaphore, #tpu.memory_space<semaphore_mem>>) src(%dma_wait3A_210 : memref<100000x128xf32, #tpu.memory_space<hbm>>) dst(%arg14 : memref<64x128xf32, #tpu.memory_space<vmem>>)
    %add3A_211 = arith.constant 0 : i32
    %add3A_212 = arith.addi %mul3A_2, %add3A_211 : i32
    %dma_start3A_213 = arith.constant 49 : i32
    %dma_start3A_214 = arith.constant 0 : i32
    %dma_start3A_215 = tpu.memref_slice %arg4[%dma_start3A_213, %add3A_212, %dma_start3A_214] : memref<50x4096x128xf32, #tpu.memory_space<hbm>> -> memref<1x64x128xf32, #tpu.memory_space<hbm>>
    %dma_start3A_216 = tpu.memref_squeeze %dma_start3A_215 : memref<1x64x128xf32, #tpu.memory_space<hbm>> -> memref<64x128xf32, #tpu.memory_space<hbm>>
    %dma_start3A_217 = arith.constant 0 : i32
    %dma_start3A_218 = tpu.memref_slice %arg4[%dma_start3A_213, %add3A_212, %dma_start3A_217] : memref<50x4096x128xf32, #tpu.memory_space<hbm>> -> memref<1x64x128xf32, #tpu.memory_space<hbm>>
    %dma_start3A_219 = tpu.memref_squeeze %dma_start3A_218 : memref<1x64x128xf32, #tpu.memory_space<hbm>> -> memref<64x128xf32, #tpu.memory_space<hbm>>
    tpu.enqueue_dma source(%arg14 : memref<64x128xf32, #tpu.memory_space<vmem>>) target(%dma_start3A_219 : memref<64x128xf32, #tpu.memory_space<hbm>>) target_semaphore(%arg34 : memref<!tpu.dma_semaphore, #tpu.memory_space<semaphore_mem>>)
    %dma_wait3A_220 = arith.constant 49 : i32
    %dma_wait3A_221 = arith.constant 64 : i32
    %dma_wait3A_222 = tpu.memref_slice %arg5[%dma_wait3A_220, %dma_wait3A_221] : memref<50x128xi32, #tpu.memory_space<vmem>> -> memref<1x64xi32, #tpu.memory_space<vmem>>
    %dma_wait3A_223 = tpu.memref_squeeze %dma_wait3A_222 : memref<1x64xi32, #tpu.memory_space<vmem>> -> memref<64xi32, #tpu.memory_space<vmem>>
    %dma_wait3A_224 = arith.constant 0 : i32
    %dma_wait3A_225 = arith.constant 0 : i32
    %dma_wait3A_226 = tpu.memref_slice %arg2[%dma_wait3A_224, %dma_wait3A_225] : memref<100000x128xf32, #tpu.memory_space<hbm>> -> memref<100000x128xf32, #tpu.memory_space<hbm>>
    tpu.wait_indirect_dma semaphore(%arg25 : memref<!tpu.dma_semaphore, #tpu.memory_space<semaphore_mem>>) src(%dma_wait3A_226 : memref<100000x128xf32, #tpu.memory_space<hbm>>) dst(%arg15 : memref<64x128xf32, #tpu.memory_space<vmem>>)
    %add3A_227 = arith.constant 64 : i32
    %add3A_228 = arith.addi %mul3A_2, %add3A_227 : i32
    %dma_start3A_229 = arith.constant 49 : i32
    %dma_start3A_230 = arith.constant 0 : i32
    %dma_start3A_231 = tpu.memref_slice %arg4[%dma_start3A_229, %add3A_228, %dma_start3A_230] : memref<50x4096x128xf32, #tpu.memory_space<hbm>> -> memref<1x64x128xf32, #tpu.memory_space<hbm>>
    %dma_start3A_232 = tpu.memref_squeeze %dma_start3A_231 : memref<1x64x128xf32, #tpu.memory_space<hbm>> -> memref<64x128xf32, #tpu.memory_space<hbm>>
    %dma_start3A_233 = arith.constant 0 : i32
    %dma_start3A_234 = tpu.memref_slice %arg4[%dma_start3A_229, %add3A_228, %dma_start3A_233] : memref<50x4096x128xf32, #tpu.memory_space<hbm>> -> memref<1x64x128xf32, #tpu.memory_space<hbm>>
    %dma_start3A_235 = tpu.memref_squeeze %dma_start3A_234 : memref<1x64x128xf32, #tpu.memory_space<hbm>> -> memref<64x128xf32, #tpu.memory_space<hbm>>
    tpu.enqueue_dma source(%arg15 : memref<64x128xf32, #tpu.memory_space<vmem>>) target(%dma_start3A_235 : memref<64x128xf32, #tpu.memory_space<hbm>>) target_semaphore(%arg35 : memref<!tpu.dma_semaphore, #tpu.memory_space<semaphore_mem>>)
    %add3A_236 = arith.constant 0 : i32
    %add3A_237 = arith.addi %mul3A_2, %add3A_236 : i32
    %dma_wait3A_238 = arith.constant 45 : i32
    %dma_wait3A_239 = arith.constant 0 : i32
    %dma_wait3A_240 = tpu.memref_slice %arg4[%dma_wait3A_238, %add3A_237, %dma_wait3A_239] : memref<50x4096x128xf32, #tpu.memory_space<hbm>> -> memref<1x64x128xf32, #tpu.memory_space<hbm>>
    %dma_wait3A_241 = tpu.memref_squeeze %dma_wait3A_240 : memref<1x64x128xf32, #tpu.memory_space<hbm>> -> memref<64x128xf32, #tpu.memory_space<hbm>>
    %dma_wait3A_242 = arith.constant 0 : i32
    %dma_wait3A_243 = tpu.memref_slice %arg4[%dma_wait3A_238, %add3A_237, %dma_wait3A_242] : memref<50x4096x128xf32, #tpu.memory_space<hbm>> -> memref<1x64x128xf32, #tpu.memory_space<hbm>>
    %dma_wait3A_244 = tpu.memref_squeeze %dma_wait3A_243 : memref<1x64x128xf32, #tpu.memory_space<hbm>> -> memref<64x128xf32, #tpu.memory_space<hbm>>
    tpu.wait_dma2 semaphore(%arg26 : memref<!tpu.dma_semaphore, #tpu.memory_space<semaphore_mem>>) src(%arg6 : memref<64x128xf32, #tpu.memory_space<vmem>>) dst(%dma_wait3A_244 : memref<64x128xf32, #tpu.memory_space<hbm>>)
    %add3A_245 = arith.constant 64 : i32
    %add3A_246 = arith.addi %mul3A_2, %add3A_245 : i32
    %dma_wait3A_247 = arith.constant 45 : i32
    %dma_wait3A_248 = arith.constant 0 : i32
    %dma_wait3A_249 = tpu.memref_slice %arg4[%dma_wait3A_247, %add3A_246, %dma_wait3A_248] : memref<50x4096x128xf32, #tpu.memory_space<hbm>> -> memref<1x64x128xf32, #tpu.memory_space<hbm>>
    %dma_wait3A_250 = tpu.memref_squeeze %dma_wait3A_249 : memref<1x64x128xf32, #tpu.memory_space<hbm>> -> memref<64x128xf32, #tpu.memory_space<hbm>>
    %dma_wait3A_251 = arith.constant 0 : i32
    %dma_wait3A_252 = tpu.memref_slice %arg4[%dma_wait3A_247, %add3A_246, %dma_wait3A_251] : memref<50x4096x128xf32, #tpu.memory_space<hbm>> -> memref<1x64x128xf32, #tpu.memory_space<hbm>>
    %dma_wait3A_253 = tpu.memref_squeeze %dma_wait3A_252 : memref<1x64x128xf32, #tpu.memory_space<hbm>> -> memref<64x128xf32, #tpu.memory_space<hbm>>
    tpu.wait_dma2 semaphore(%arg27 : memref<!tpu.dma_semaphore, #tpu.memory_space<semaphore_mem>>) src(%arg7 : memref<64x128xf32, #tpu.memory_space<vmem>>) dst(%dma_wait3A_253 : memref<64x128xf32, #tpu.memory_space<hbm>>)
    %add3A_254 = arith.constant 0 : i32
    %add3A_255 = arith.addi %mul3A_2, %add3A_254 : i32
    %dma_wait3A_256 = arith.constant 46 : i32
    %dma_wait3A_257 = arith.constant 0 : i32
    %dma_wait3A_258 = tpu.memref_slice %arg4[%dma_wait3A_256, %add3A_255, %dma_wait3A_257] : memref<50x4096x128xf32, #tpu.memory_space<hbm>> -> memref<1x64x128xf32, #tpu.memory_space<hbm>>
    %dma_wait3A_259 = tpu.memref_squeeze %dma_wait3A_258 : memref<1x64x128xf32, #tpu.memory_space<hbm>> -> memref<64x128xf32, #tpu.memory_space<hbm>>
    %dma_wait3A_260 = arith.constant 0 : i32
    %dma_wait3A_261 = tpu.memref_slice %arg4[%dma_wait3A_256, %add3A_255, %dma_wait3A_260] : memref<50x4096x128xf32, #tpu.memory_space<hbm>> -> memref<1x64x128xf32, #tpu.memory_space<hbm>>
    %dma_wait3A_262 = tpu.memref_squeeze %dma_wait3A_261 : memref<1x64x128xf32, #tpu.memory_space<hbm>> -> memref<64x128xf32, #tpu.memory_space<hbm>>
    tpu.wait_dma2 semaphore(%arg28 : memref<!tpu.dma_semaphore, #tpu.memory_space<semaphore_mem>>) src(%arg8 : memref<64x128xf32, #tpu.memory_space<vmem>>) dst(%dma_wait3A_262 : memref<64x128xf32, #tpu.memory_space<hbm>>)
    %add3A_263 = arith.constant 64 : i32
    %add3A_264 = arith.addi %mul3A_2, %add3A_263 : i32
    %dma_wait3A_265 = arith.constant 46 : i32
    %dma_wait3A_266 = arith.constant 0 : i32
    %dma_wait3A_267 = tpu.memref_slice %arg4[%dma_wait3A_265, %add3A_264, %dma_wait3A_266] : memref<50x4096x128xf32, #tpu.memory_space<hbm>> -> memref<1x64x128xf32, #tpu.memory_space<hbm>>
    %dma_wait3A_268 = tpu.memref_squeeze %dma_wait3A_267 : memref<1x64x128xf32, #tpu.memory_space<hbm>> -> memref<64x128xf32, #tpu.memory_space<hbm>>
    %dma_wait3A_269 = arith.constant 0 : i32
    %dma_wait3A_270 = tpu.memref_slice %arg4[%dma_wait3A_265, %add3A_264, %dma_wait3A_269] : memref<50x4096x128xf32, #tpu.memory_space<hbm>> -> memref<1x64x128xf32, #tpu.memory_space<hbm>>
    %dma_wait3A_271 = tpu.memref_squeeze %dma_wait3A_270 : memref<1x64x128xf32, #tpu.memory_space<hbm>> -> memref<64x128xf32, #tpu.memory_space<hbm>>
    tpu.wait_dma2 semaphore(%arg29 : memref<!tpu.dma_semaphore, #tpu.memory_space<semaphore_mem>>) src(%arg9 : memref<64x128xf32, #tpu.memory_space<vmem>>) dst(%dma_wait3A_271 : memref<64x128xf32, #tpu.memory_space<hbm>>)
    %add3A_272 = arith.constant 0 : i32
    %add3A_273 = arith.addi %mul3A_2, %add3A_272 : i32
    %dma_wait3A_274 = arith.constant 47 : i32
    %dma_wait3A_275 = arith.constant 0 : i32
    %dma_wait3A_276 = tpu.memref_slice %arg4[%dma_wait3A_274, %add3A_273, %dma_wait3A_275] : memref<50x4096x128xf32, #tpu.memory_space<hbm>> -> memref<1x64x128xf32, #tpu.memory_space<hbm>>
    %dma_wait3A_277 = tpu.memref_squeeze %dma_wait3A_276 : memref<1x64x128xf32, #tpu.memory_space<hbm>> -> memref<64x128xf32, #tpu.memory_space<hbm>>
    %dma_wait3A_278 = arith.constant 0 : i32
    %dma_wait3A_279 = tpu.memref_slice %arg4[%dma_wait3A_274, %add3A_273, %dma_wait3A_278] : memref<50x4096x128xf32, #tpu.memory_space<hbm>> -> memref<1x64x128xf32, #tpu.memory_space<hbm>>
    %dma_wait3A_280 = tpu.memref_squeeze %dma_wait3A_279 : memref<1x64x128xf32, #tpu.memory_space<hbm>> -> memref<64x128xf32, #tpu.memory_space<hbm>>
    tpu.wait_dma2 semaphore(%arg30 : memref<!tpu.dma_semaphore, #tpu.memory_space<semaphore_mem>>) src(%arg10 : memref<64x128xf32, #tpu.memory_space<vmem>>) dst(%dma_wait3A_280 : memref<64x128xf32, #tpu.memory_space<hbm>>)
    %add3A_281 = arith.constant 64 : i32
    %add3A_282 = arith.addi %mul3A_2, %add3A_281 : i32
    %dma_wait3A_283 = arith.constant 47 : i32
    %dma_wait3A_284 = arith.constant 0 : i32
    %dma_wait3A_285 = tpu.memref_slice %arg4[%dma_wait3A_283, %add3A_282, %dma_wait3A_284] : memref<50x4096x128xf32, #tpu.memory_space<hbm>> -> memref<1x64x128xf32, #tpu.memory_space<hbm>>
    %dma_wait3A_286 = tpu.memref_squeeze %dma_wait3A_285 : memref<1x64x128xf32, #tpu.memory_space<hbm>> -> memref<64x128xf32, #tpu.memory_space<hbm>>
    %dma_wait3A_287 = arith.constant 0 : i32
    %dma_wait3A_288 = tpu.memref_slice %arg4[%dma_wait3A_283, %add3A_282, %dma_wait3A_287] : memref<50x4096x128xf32, #tpu.memory_space<hbm>> -> memref<1x64x128xf32, #tpu.memory_space<hbm>>
    %dma_wait3A_289 = tpu.memref_squeeze %dma_wait3A_288 : memref<1x64x128xf32, #tpu.memory_space<hbm>> -> memref<64x128xf32, #tpu.memory_space<hbm>>
    tpu.wait_dma2 semaphore(%arg31 : memref<!tpu.dma_semaphore, #tpu.memory_space<semaphore_mem>>) src(%arg11 : memref<64x128xf32, #tpu.memory_space<vmem>>) dst(%dma_wait3A_289 : memref<64x128xf32, #tpu.memory_space<hbm>>)
    %add3A_290 = arith.constant 0 : i32
    %add3A_291 = arith.addi %mul3A_2, %add3A_290 : i32
    %dma_wait3A_292 = arith.constant 48 : i32
    %dma_wait3A_293 = arith.constant 0 : i32
    %dma_wait3A_294 = tpu.memref_slice %arg4[%dma_wait3A_292, %add3A_291, %dma_wait3A_293] : memref<50x4096x128xf32, #tpu.memory_space<hbm>> -> memref<1x64x128xf32, #tpu.memory_space<hbm>>
    %dma_wait3A_295 = tpu.memref_squeeze %dma_wait3A_294 : memref<1x64x128xf32, #tpu.memory_space<hbm>> -> memref<64x128xf32, #tpu.memory_space<hbm>>
    %dma_wait3A_296 = arith.constant 0 : i32
    %dma_wait3A_297 = tpu.memref_slice %arg4[%dma_wait3A_292, %add3A_291, %dma_wait3A_296] : memref<50x4096x128xf32, #tpu.memory_space<hbm>> -> memref<1x64x128xf32, #tpu.memory_space<hbm>>
    %dma_wait3A_298 = tpu.memref_squeeze %dma_wait3A_297 : memref<1x64x128xf32, #tpu.memory_space<hbm>> -> memref<64x128xf32, #tpu.memory_space<hbm>>
    tpu.wait_dma2 semaphore(%arg32 : memref<!tpu.dma_semaphore, #tpu.memory_space<semaphore_mem>>) src(%arg12 : memref<64x128xf32, #tpu.memory_space<vmem>>) dst(%dma_wait3A_298 : memref<64x128xf32, #tpu.memory_space<hbm>>)
    %add3A_299 = arith.constant 64 : i32
    %add3A_300 = arith.addi %mul3A_2, %add3A_299 : i32
    %dma_wait3A_301 = arith.constant 48 : i32
    %dma_wait3A_302 = arith.constant 0 : i32
    %dma_wait3A_303 = tpu.memref_slice %arg4[%dma_wait3A_301, %add3A_300, %dma_wait3A_302] : memref<50x4096x128xf32, #tpu.memory_space<hbm>> -> memref<1x64x128xf32, #tpu.memory_space<hbm>>
    %dma_wait3A_304 = tpu.memref_squeeze %dma_wait3A_303 : memref<1x64x128xf32, #tpu.memory_space<hbm>> -> memref<64x128xf32, #tpu.memory_space<hbm>>
    %dma_wait3A_305 = arith.constant 0 : i32
    %dma_wait3A_306 = tpu.memref_slice %arg4[%dma_wait3A_301, %add3A_300, %dma_wait3A_305] : memref<50x4096x128xf32, #tpu.memory_space<hbm>> -> memref<1x64x128xf32, #tpu.memory_space<hbm>>
    %dma_wait3A_307 = tpu.memref_squeeze %dma_wait3A_306 : memref<1x64x128xf32, #tpu.memory_space<hbm>> -> memref<64x128xf32, #tpu.memory_space<hbm>>
    tpu.wait_dma2 semaphore(%arg33 : memref<!tpu.dma_semaphore, #tpu.memory_space<semaphore_mem>>) src(%arg13 : memref<64x128xf32, #tpu.memory_space<vmem>>) dst(%dma_wait3A_307 : memref<64x128xf32, #tpu.memory_space<hbm>>)
    %add3A_308 = arith.constant 0 : i32
    %add3A_309 = arith.addi %mul3A_2, %add3A_308 : i32
    %dma_wait3A_310 = arith.constant 49 : i32
    %dma_wait3A_311 = arith.constant 0 : i32
    %dma_wait3A_312 = tpu.memref_slice %arg4[%dma_wait3A_310, %add3A_309, %dma_wait3A_311] : memref<50x4096x128xf32, #tpu.memory_space<hbm>> -> memref<1x64x128xf32, #tpu.memory_space<hbm>>
    %dma_wait3A_313 = tpu.memref_squeeze %dma_wait3A_312 : memref<1x64x128xf32, #tpu.memory_space<hbm>> -> memref<64x128xf32, #tpu.memory_space<hbm>>
    %dma_wait3A_314 = arith.constant 0 : i32
    %dma_wait3A_315 = tpu.memref_slice %arg4[%dma_wait3A_310, %add3A_309, %dma_wait3A_314] : memref<50x4096x128xf32, #tpu.memory_space<hbm>> -> memref<1x64x128xf32, #tpu.memory_space<hbm>>
    %dma_wait3A_316 = tpu.memref_squeeze %dma_wait3A_315 : memref<1x64x128xf32, #tpu.memory_space<hbm>> -> memref<64x128xf32, #tpu.memory_space<hbm>>
    tpu.wait_dma2 semaphore(%arg34 : memref<!tpu.dma_semaphore, #tpu.memory_space<semaphore_mem>>) src(%arg14 : memref<64x128xf32, #tpu.memory_space<vmem>>) dst(%dma_wait3A_316 : memref<64x128xf32, #tpu.memory_space<hbm>>)
    %add3A_317 = arith.constant 64 : i32
    %add3A_318 = arith.addi %mul3A_2, %add3A_317 : i32
    %dma_wait3A_319 = arith.constant 49 : i32
    %dma_wait3A_320 = arith.constant 0 : i32
    %dma_wait3A_321 = tpu.memref_slice %arg4[%dma_wait3A_319, %add3A_318, %dma_wait3A_320] : memref<50x4096x128xf32, #tpu.memory_space<hbm>> -> memref<1x64x128xf32, #tpu.memory_space<hbm>>
    %dma_wait3A_322 = tpu.memref_squeeze %dma_wait3A_321 : memref<1x64x128xf32, #tpu.memory_space<hbm>> -> memref<64x128xf32, #tpu.memory_space<hbm>>
    %dma_wait3A_323 = arith.constant 0 : i32
    %dma_wait3A_324 = tpu.memref_slice %arg4[%dma_wait3A_319, %add3A_318, %dma_wait3A_323] : memref<50x4096x128xf32, #tpu.memory_space<hbm>> -> memref<1x64x128xf32, #tpu.memory_space<hbm>>
    %dma_wait3A_325 = tpu.memref_squeeze %dma_wait3A_324 : memref<1x64x128xf32, #tpu.memory_space<hbm>> -> memref<64x128xf32, #tpu.memory_space<hbm>>
    tpu.wait_dma2 semaphore(%arg35 : memref<!tpu.dma_semaphore, #tpu.memory_space<semaphore_mem>>) src(%arg15 : memref<64x128xf32, #tpu.memory_space<vmem>>) dst(%dma_wait3A_325 : memref<64x128xf32, #tpu.memory_space<hbm>>)
    return
  }
}

</mosaic_0001>

<sc_bundles>
// kernel: kernel.3.cloned.1.call-start
scs
__scs_entry_jumppad:
0x0: {  	(pc) =	sbr.rel $0x88, $3  }
0x1: {  	(tag) =	ssettag $0x0;
	lr =	simm.s32 $0x1  }
0x2: {  	[smem:$0x3F9F] =	sst lr;
	_ =	strace $0xD0000000  }
0x3: {  	_ = 	snop  }
0x4: {  	_ = 	snop  }
0x5: {  	_ = 	snop  }
0x6: {  	_ = 	snop  }
0x7: {  	_ = 	snop  }
__scs_overlays_trampoline_lowered:
0x8: {  	[smem:$0x3FAE] =	sst s0  }
0x9: {  	[smem:$0x3FAF] =	sst s1  }
0xa: {  	[smem:$0x3FB0] =	sst s2  }
0xb: {  	[smem:$0x3FB1] =	sst s3  }
0xc: {  	[smem:$0x3FB2] =	sst s4  }
0xd: {  	[smem:$0x3FB3] =	sst s5  }
0xe: {  	[smem:$0x3FB4] =	sst s6  }
0xf: {  	[smem:$0x3FB5] =	sst s7  }
0x10: {  	[smem:$0x3FB6] =	sst s8  }
0x11: {  	[smem:$0x3FB7] =	sst s9;
	s0 =	simm.s32 @!p0 $0x0  }
0x12: {  	s1 =	sld [smem:$0x3F9D];
	s0 =	simm.s32 @p0 $0x1  }
0x13: {  	[smem:$0x3FB8] =	sst s0;
	s0 =	simm.s32 @!p1 $0x0  }
0x14: {  	s2 =	sld [smem:$0x3F9C];
	s0 =	simm.s32 @p1 $0x1  }
0x15: {  	[smem:$0x3FB9] =	sst s0;
	s0 =	simm.s32 @!p2 $0x0  }
0x16: {  	s3 =	sld [smem:$0x3FDB];
	s0 =	simm.s32 @p2 $0x1  }
0x17: {  	s4 =	simm.s32 $0x1BF5;
	[smem:$0x3FBB] =	sst s0  }
0x18: {  	s0 =	sld [smem:$0x3F9E];
	_ =	swait.ge [sflag:s4], $0x0  }
0x19: {  	s7 =	sld [smem:$0x3F9F]  }
0x1a: {  	s8 =	sadd.s32 $0xFFFFE003, lr  }
0x1b: {  	s9 =	sadd.s32 $0xFFFFFEF7, lr;
	s5 =	simm.s32 $0xFFFFFFFF;
	p2 =	slt.u32 s8, $0xFFFFF086  }
0x1c: {  	p1 =	slt.u32 s9, $0xF7A;
	s5 =	simm.s32 @!p2 $0x0  }
0x1d: {  	s5 =	simm.s32 @p1 $0x1;
	p0 =	seq.s32 s7, s2  }
0x1e: {  	s7 =	smul.u32 @!p0 $0xF7A, s2;
	p2 =	seq.s32 @!p0 s5, $0x0  }
0x1f: {  	s9 =	smul.u32 $0xF7A, s1;
	s8 =	simm.s32 @!p0 $0x1BF5;
	p2 =	por !p2, p0  }
0x20: {  	[sflag:s8] =	ssyncset.s32 @!p0 $0xFFFFF086;
	s6 =	sadd.s32 @!p0 s3, s7;
	s7 =	simm.s32 @!p0 $0x108  }
0x21: {  	s3 =	sadd.s32 s3, s9;
	s6 =	sadd.s32 @!p0 $0x88, s6;
	s7 =	simm.s32 @p2 $0x1082  }
0x22: {  	[simem:s7], [sflag:s8] =	dma.local @!p0 [hbm:s6], $0xF7A  }
0x23: {  	s9 =	sor.u32 $0xD0000000, s2;
	s6 =	simm.s32 $0x108;
	_ =	swait.ge @!p0 [sflag:s8], $0x0  }
0x24: {  	s3 =	sadd.s32 $0x88, s3;
	s6 =	simm.s32 @!p1 $0x1082;
	[sflag:s4] =	ssyncset.s32 $0xFFFFF086  }
0x25: {  	[simem:s6], [sflag:s4] =	dma.local [hbm:s3], $0xF7A  }
0x26: {  	[smem:$0x3F9F] =	sst s1;
	(tag) =	ssettag s2;
	_ =	strace s9  }
0x27: {  	s1 =	sld [smem:$0x3FAF]  }
0x28: {  	s2 =	sld [smem:$0x3FB0]  }
0x29: {  	s4 =	sld [smem:$0x3FB2]  }
0x2a: {  	p0 =	seq.s32 s5, $0x0;
	s5 =	sld [smem:$0x3FB3]  }
0x2b: {  	s6 =	sld [smem:$0x3FB4]  }
0x2c: {  	s7 =	sld [smem:$0x3FB5]  }
0x2d: {  	s3 =	simm.s32 $0x108;
	s8 =	sld [smem:$0x3FB6]  }
0x2e: {  	s3 =	simm.s32 @!p0 $0x1082;
	s9 =	sld [smem:$0x3FB7]  }
0x2f: {  	lr =	sadd.s32 s0, s3;
	s0 =	sld [smem:$0x3FAE]  }
0x30: {  	s3 =	sld [smem:$0x3FB1]  }
0x31: {  	[smem:$0x3FBA] =	sst s10  }
0x32: {  	s10 =	sld [smem:$0x3FB8];
	_ =	sdelay $0x3  }
0x33: {  	p0 =	seq.s32 s10, $0x1;
	s10 =	sld [smem:$0x3FBA];
	_ =	sdelay $0x3  }
0x34: {  	[smem:$0x3FBA] =	sst s10  }
0x35: {  	s10 =	sld [smem:$0x3FB9];
	_ =	sdelay $0x3  }
0x36: {  	p1 =	seq.s32 s10, $0x1;
	s10 =	sld [smem:$0x3FBA];
	_ =	sdelay $0x3  }
0x37: {  	[smem:$0x3FBA] =	sst s10  }
0x38: {  	s10 =	sld [smem:$0x3FBB]  }
0x39: {  	_ = 	snop;
	(pc) =	sbr.ind lr, $3  }
0x3a: {  	_ = 	snop  }
0x3b: {  	_ = 	snop  }
0x3c: {  	p2 =	seq.s32 s10, $0x1;
	s10 =	sld [smem:$0x3FBA]  }
0x3d: {  	_ =	shalt  }
0x3e: {  	_ =	shalt  }
0x3f: {  	_ =	shalt  }
0x40: {  	_ =	shalt  }
0x41: {  	_ =	shalt  }
0x42: {  	_ =	shalt  }
0x43: {  	_ =	shalt  }
0x44: {  	_ =	shalt  }
0x45: {  	_ =	shalt  }
0x46: {  	_ =	shalt  }
0x47: {  	_ =	shalt  }
0x48: {  	_ =	shalt  }
0x49: {  	_ =	shalt  }
0x4a: {  	_ =	shalt  }
0x4b: {  	_ =	shalt  }
0x4c: {  	_ =	shalt  }
0x4d: {  	_ =	shalt  }
0x4e: {  	_ =	shalt  }
0x4f: {  	_ =	shalt  }
0x50: {  	_ =	shalt  }
0x51: {  	_ =	shalt  }
0x52: {  	_ =	shalt  }
0x53: {  	_ =	shalt  }
0x54: {  	_ =	shalt  }
0x55: {  	_ =	shalt  }
0x56: {  	_ =	shalt  }
0x57: {  	_ =	shalt  }
0x58: {  	_ =	shalt  }
0x59: {  	_ =	shalt  }
0x5a: {  	_ =	shalt  }
0x5b: {  	_ =	shalt  }
0x5c: {  	_ =	shalt  }
0x5d: {  	_ =	shalt  }
0x5e: {  	_ =	shalt  }
0x5f: {  	_ =	shalt  }
0x60: {  	_ =	shalt  }
0x61: {  	_ =	shalt  }
0x62: {  	_ =	shalt  }
0x63: {  	_ =	shalt  }
0x64: {  	_ =	shalt  }
0x65: {  	_ =	shalt  }
0x66: {  	_ =	shalt  }
0x67: {  	_ =	shalt  }
0x68: {  	_ =	shalt  }
0x69: {  	_ =	shalt  }
0x6a: {  	_ =	shalt  }
0x6b: {  	_ =	shalt  }
0x6c: {  	_ =	shalt  }
0x6d: {  	_ =	shalt  }
0x6e: {  	_ =	shalt  }
0x6f: {  	_ =	shalt  }
0x70: {  	_ =	shalt  }
0x71: {  	_ =	shalt  }
0x72: {  	_ =	shalt  }
0x73: {  	_ =	shalt  }
0x74: {  	_ =	shalt  }
0x75: {  	_ =	shalt  }
0x76: {  	_ =	shalt  }
0x77: {  	_ =	shalt  }
0x78: {  	_ =	shalt  }
0x79: {  	_ =	shalt  }
0x7a: {  	_ =	shalt  }
0x7b: {  	_ =	shalt  }
0x7c: {  	_ =	shalt  }
0x7d: {  	_ =	shalt  }
0x7e: {  	_ =	shalt  }
0x7f: {  	_ =	shalt  }
0x80: {  	_ =	shalt  }
0x81: {  	_ =	shalt  }
0x82: {  	_ =	shalt  }
0x83: {  	_ =	shalt  }
0x84: {  	_ =	shalt  }
0x85: {  	_ =	shalt  }
0x86: {  	_ =	shalt  }
0x87: {  	_ =	shalt  }
.Lfunc_end0:
.L_simem_size_0:
called_computation_lowered:
.L_overlay_start_0:
0x88: {  	s2 =	sld [smem:$0x3FD9]  }
0x89: {  	s3 =	sld [smem:$0x3FFE];
	_ =	sdelay $0x1  }
0x8a: {  	s1 =	srdreg.scid  }
0x8b: {  	s0 =	sand.u32 $0x1, s1  }
0x8c: {  	s18 =	sshll.u32 s0, $0xA;
	s2 =	sadd.s32 s3, s2  }
0x8d: {  	s2 =	sadd.s32 s2, s18  }
0x8e: {  	[smem:$0x3FC6] =	sst s2  }
0x8f: {  	_ = 	snop  }
0x90: {  	s2 =	sld [smem:$0x3FC9]  }
0x91: {  	s19 =	sld [smem:$0x3FC8]  }
0x92: {  	s4 =	sld [smem:$0x3FD0];
	(tm) =	ssettm $0x1  }
0x93: {  	s5 =	sld [smem:$0x3FFB];
	_ =	sdelay $0x3  }
0x94: {  	_ =	strace s5  }
0x95: {  	s5 =	sld [smem:$0x3FFC];
	_ =	sdelay $0x3  }
0x96: {  	_ =	strace s5  }
0x97: {  	s5 =	sld [smem:$0x3FFD];
	_ =	sdelay $0x3  }
0x98: {  	_ =	strace s5  }
0x99: {  	_ =	strace $0x8FFFFFFF  }
0x9a: {  	s20 =	sld [smem:$0x3FDB];
	_ =	sdelay $0x1  }
0x9b: {  	s6 =	simm.s32 $_scs_section_size  }
0x9c: {  	s7 =	simm.s32 $_size__tile_overlayer_lowered;
	s8 =	simm.s32 $_tile_overlayer_lowered  }
0x9d: {  	s23 =	simm.s32 $0x1BFF;
	s22 =	sshll.u32 s8, $0x1;
	s5 =	sadd.s32 s6, s20  }
0x9e: {  	s9 =	simm.s32 $0x0;
	s21 =	sshll.u32 s7, $0x1;
	s7 =	sadd.s32 s22, s5  }
0x9f: {  	[timem:s9], [sflag:s23] =	dma.local [hbm:s7], s21  }
0xa0: {  	_ =	swait.ge [sflag:s23], s21  }
0xa1: {  	s6 =	ssub.s32 $0x0, s21;
	[sflag:s23] =	ssyncset.done $0x0  }
0xa2: {  	[sflag:s23] =	ssyncadd.s32 s6;
	_ =	sdelay $0x1  }
0xa3: {  	s24 =	simm.s32 $0x1B8B  }
0xa4: {  	_ =	swait.ge [sflag:s24], $0x1  }
0xa5: {  	[sflag:s24] =	ssyncset.done $0x0  }
0xa6: {  	s25 =	simm.s32 $0x1B8E;
	[sflag:s24] =	ssyncadd.s32 $0xFFFFFFFF  }
0xa7: {  	s26 =	simm.s32 $execute0_lowered;
	[smem:$0x3FD2] =	sst s25  }
0xa8: {  	s6 =	sshll.u32 s26, $0x1;
	_ =	strace $0x80000046;
	[dreg:$0x1] =	wrdreg $0xFFFFFFFF  }
0xa9: {  	s28 =	simm.s32 $_size_execute0_lowered;
	s5 =	sadd.s32 s5, s6;
	[dreg:$0x0] =	wrdreg $0x0  }
0xaa: {  	s6 =	sshll.u32 s28, $0x1;
	[dreg:$0x2] =	wrdreg s5  }
0xab: {  	[dreg:$0x3] =	wrdreg s6  }
0xac: {  	[dreg:$0x4] =	wrdreg $0xC0  }
0xad: {  	_ =	task [dreg:s9], $0x5FFFF  }
0xae: {  	[dreg:$0x1] =	wrdreg $0xFFFFFFFF  }
0xaf: {  	[dreg:$0x0] =	wrdreg $0x60  }
0xb0: {  	[dreg:$0x2] =	wrdreg s19  }
0xb1: {  	[dreg:$0x3] =	wrdreg s2  }
0xb2: {  	[dreg:$0x4] =	wrdreg s4  }
0xb3: {  	[dreg:$0x5] =	wrdreg $0x9  }
0xb4: {  	_ =	task.clear_ibuf [dreg:s9], $0x6FFFF;
	_ =	strace $0x90000046  }
0xb5: {  	s29 =	simm.s32 $0x9;
	_ =	strace $0x80000048  }
0xb6: {  	_ =	swait.ge [sflag:s29], $0x1  }
0xb7: {  	[sflag:s29] =	ssyncadd.s32 $0xFFFFFFFF  }
0xb8: {  	_ =	strace $0x90000048  }
0xb9: {  	_ =	sfence  }
0xba: {  	s30 =	sld [smem:$0x0];
	_ =	sdelay $0x2  }
0xbb: {  	s31 =	sshll.u32 s1, $0xD;
	s1 =	sshrl.u32 s1, $0x2  }
0xbc: {  	s3 =	sand.u32 $0x4000, s31;
	s1 =	sadd.s32 s1, s30  }
0xbd: {  	s0 =	sor.u32 s3, s0;
	s1 =	sshll.u32 s1, $0x11  }
0xbe: {  	s0 =	sor.u32 s1, s0  }
0xbf: {  	s0 =	sadd.s32 $0x8F2B, s0  }
0xc0: {  	[sflag:s0] =	ssyncadd.remote.s32 $0x1  }
0xc1: {  	_ =	sfence.sel $0xFFFF  }
0xc2: {  	[dreg:$0x0] =	wrdreg $0xFFFFFFFF;
	(pc) =	sbr.abs _section_cstart, $3  }
0xc3: {  	[dreg:$0x1] =	wrdreg $0xFFFFFFFF  }
0xc4: {  	_ =	task.clear_ibuf [dreg:s9], $0x2FFFF;
	_ =	strace $0x9FFFFFFF  }
0xc5: {  	(tm) =	ssettm $0x7FFFFFFF  }
tec
execute0_lowered:
.L_overlay_start_1:
0x0: {  	(tag) =	ssettag $0x1  }
0x1: {  	s1 =	rddreg [dreg:$0x0]  }
0x2: {  	s0 =	rddreg [dreg:$0x1]  }
0x3: {  	s29 =	rddreg [dreg:$0x2]  }
0x4: {  	s2 =	srdreg.scid;
	s8 =	stileid.u32  }
0x5: {  	s4 =	simm.s32 $0x0;
	s28 =	simm.s32 $0x5C00;
	s31 =	simm.s32 $0x5C00  }
0x6: {  	s2 =	sand.u32 $0x1, s2;
	s3 =	sshll.u32 s8, $0x8;
	[smem:$0x7FF] =	sst s4  }
0x7: {  	s26 =	sshll.u32 s8, $0xF;
	s5 =	sshll.u32 s2, $0x7;
	_ =	strace $0x80000047  }
0x8: {  	s19 =	ssub.s32 $0x2, s2;
	s2 =	sshll.u32 s2, $0xE;
	s3 =	sor.u32 s5, s3  }
0x9: {  	s7 =	sshrl.u32 s19, $0x1;
	s6 =	sshll.u32 s3, $0x4;
	s3 =	sadd.s32 s0, s3  }
0xa: {  	s2 =	sor.u32 s2, s26;
	[dreg:$0xd] =	wrdreg s3;
	s3 =	sadd.s32 $0x6000, s3  }
0xb: {  	s20 =	ssub.s32 s19, s7;
	s6 =	sadd.s32 s29, s6;
	[dreg:$0xf] =	wrdreg s3  }
0xc: {  	s10 =	sor.u32 $0x102000, s2;
	s0 =	smax.u32 s20, $0x1;
	[dreg:$0xe] =	wrdreg s6  }
0xd: {  	s12 =	sor.u32 $0x380000, s2;
	s11 =	sshrl.u32 s10, $0x3;
	[dreg:$0x19] =	wrdreg s0  }
0xe: {  	s14 =	sor.u32 $0x302000, s2;
	s13 =	sshrl.u32 s12, $0x3;
	[dreg:$0x4] =	wrdreg s11  }
0xf: {  	s16 =	sor.u32 $0x300000, s2;
	s15 =	sshrl.u32 s14, $0x3;
	[dreg:$0x5] =	wrdreg s13  }
0x10: {  	s18 =	sor.u32 $0x282000, s2;
	s17 =	sshrl.u32 s16, $0x3;
	[dreg:$0x6] =	wrdreg s15  }
0x11: {  	s5 =	simm.s32 $0x4;
	s19 =	sshrl.u32 s18, $0x3;
	[dreg:$0x7] =	wrdreg s17  }
0x12: {  	s26 =	sor.u32 $0x180000, s2;
	s21 =	sadd.s32 $0x400, s6;
	[dreg:$0x8] =	wrdreg s19  }
0x13: {  	s20 =	sor.u32 $0x202000, s2;
	s22 =	sadd.s32 $0x10000, s6;
	[dreg:$0x10] =	wrdreg s21  }
0x14: {  	s14 =	simm.s32 $0x2;
	s23 =	sadd.s32 $0x10400, s6;
	[dreg:$0x11] =	wrdreg s22  }
0x15: {  	s16 =	simm.s32 $0x5;
	s24 =	sadd.s32 $0x20000, s6;
	[dreg:$0x12] =	wrdreg s23  }
0x16: {  	s18 =	simm.s32 $0x11;
	s25 =	sadd.s32 $0x2F0400, s6;
	[dreg:$0x13] =	wrdreg s24  }
0x17: {  	s30 =	sadd.s32 $0x300000, s6;
	s7 =	sadd.s32 $0x300400, s6;
	[dreg:$0x14] =	wrdreg s25  }
0x18: {  	s8 =	sadd.s32 $0x310000, s6;
	s9 =	sadd.s32 $0x310400, s6;
	[dreg:$0x15] =	wrdreg s30  }
0x19: {  	s13 =	simm.s32 $0x1;
	s15 =	simm.s32 $0x3;
	[dreg:$0x16] =	wrdreg s7  }
0x1a: {  	s6 =	simm.s32 $0xA;
	s3 =	simm.s32 $0x12;
	[dreg:$0x17] =	wrdreg s8  }
0x1b: {  	[dreg:$0x18] =	wrdreg s9;
	s21 =	sshrl.u32 s20, $0x3;
	s22 =	sor.u32 $0x200000, s2  }
0x1c: {  	s24 =	sor.u32 $0x182000, s2;
	s2 =	sor.u32 $0x280000, s2;
	s30 =	sshrl.u32 s26, $0x3  }
0x1d: {  	s26 =	simm.s32 $0x3C00;
	s20 =	simm.s32 $0x7C00;
	[dreg:$0x9] =	wrdreg s21  }
0x1e: {  	s7 =	simm.s32 $0x0;
	s23 =	sshrl.u32 s22, $0x3;
	[dreg:$0x1a] =	wrdreg s2  }
0x1f: {  	s25 =	sshrl.u32 s24, $0x3;
	[dreg:$0xc] =	wrdreg s30;
	s2 =	simm.s32 $0x1C00  }
0x20: {  	s22 =	simm.s32 $0x10;
	s24 =	simm.s32 $0x13;
	[dreg:$0xa] =	wrdreg s23  }
0x21: {  	[dreg:$0xb] =	wrdreg s25;
	s23 =	simm.s32 $0x40;
	s25 =	simm.s32 $0x14  }
.LBB2_1:
0x22: {  	[dreg:$0x1b] =	wrdreg s7  }
0x23: {  	s0 =	rddreg [dreg:$0xd];
	s19 =	simm.s32 $0x400;
	s21 =	simm.s32 $0x8000  }
0x24: {  	[tilespmem:s4], [sflag:$0x15] =	stream.strided.gather [hbm4b:s0+s19], $0x1800, s21, s19, $0x38;
	[tilespmem:$0x15C00] =	vst v63  }
0x25: {  	s12 =	rddreg [dreg:$0xf];
	s17 =	simm.s32 $0x1800;
	s19 =	simm.s32 $0x15  }
0x26: {  	[tilespmem:s17], [sflag:$0x15] =	stream.linear.gather [hbm4b:s12+s4], $0x100, $0x38;
	[tilespmem:$0x15C00] =	vst v63  }
0x27: {  	_ =	swait.ge [sflag:s19], $0x1900  }
0x28: {  	[sflag:s19] =	ssyncset.done $0x0  }
0x29: {  	[sflag:s19] =	ssyncadd.s32 $0xFFFFE700  }
0x2a: {  	[tilespmem:s2], [sflag:$0x1] =	stream.indirect.gather [hbm4b:s1+s23], $0x80, s4, s23, $0xb8;
	[tilespmem:$0x15C00] =	vst v63  }
0x2b: {  	_ = 	snop  }
0x2c: {  	[tilespmem:s26], [sflag:$0x2] =	stream.indirect.gather [hbm4b:s1+s23], $0x80, s23, s23, $0xb8;
	[tilespmem:$0x15C00] =	vst v63  }
0x2d: {  	s21 =	simm.s32 $0x80  }
0x2e: {  	[tilespmem:s28], [sflag:$0x3] =	stream.indirect.gather [hbm4b:s1+s23], $0x80, s21, s23, $0xb8;
	[tilespmem:$0x15C00] =	vst v63  }
0x2f: {  	s7 =	simm.s32 $0xC0  }
0x30: {  	[tilespmem:s20], [sflag:$0x4] =	stream.indirect.gather [hbm4b:s1+s23], $0x80, s7, s23, $0xb8;
	[tilespmem:$0x15C00] =	vst v63  }
0x31: {  	s8 =	simm.s32 $0x100;
	s7 =	simm.s32 $0x9C00  }
0x32: {  	[tilespmem:s7], [sflag:$0x5] =	stream.indirect.gather [hbm4b:s1+s23], $0x80, s8, s23, $0xb8;
	[tilespmem:$0x15C00] =	vst v63  }
0x33: {  	s9 =	simm.s32 $0x140;
	s8 =	simm.s32 $0xBC00  }
0x34: {  	[tilespmem:s8], [sflag:$0x6] =	stream.indirect.gather [hbm4b:s1+s23], $0x80, s9, s23, $0xb8;
	[tilespmem:$0x15C00] =	vst v63  }
0x35: {  	s10 =	simm.s32 $0x180;
	s9 =	simm.s32 $0xDC00  }
0x36: {  	[tilespmem:s9], [sflag:$0x7] =	stream.indirect.gather [hbm4b:s1+s23], $0x80, s10, s23, $0xb8;
	[tilespmem:$0x15C00] =	vst v63  }
0x37: {  	s11 =	simm.s32 $0x1C0;
	s10 =	simm.s32 $0xFC00  }
0x38: {  	[tilespmem:s10], [sflag:$0x8] =	stream.indirect.gather [hbm4b:s1+s23], $0x80, s11, s23, $0xb8;
	[tilespmem:$0x15C00] =	vst v63  }
0x39: {  	s12 =	simm.s32 $0x200;
	s11 =	simm.s32 $0x11C00  }
0x3a: {  	[tilespmem:s11], [sflag:$0x9] =	stream.indirect.gather [hbm4b:s1+s23], $0x80, s12, s23, $0xb8;
	[tilespmem:$0x15C00] =	vst v63  }
0x3b: {  	s17 =	simm.s32 $0x240;
	s12 =	simm.s32 $0x13C00  }
0x3c: {  	[tilespmem:s12], [sflag:$0xA] =	stream.indirect.gather [hbm4b:s1+s23], $0x80, s17, s23, $0xb8;
	[tilespmem:$0x15C00] =	vst v63  }
0x3d: {  	_ =	swait.ge [sflag:s13], $0x2000  }
0x3e: {  	[sflag:s13] =	ssyncset.done $0x0  }
0x3f: {  	s19 =	rddreg [dreg:$0xe];
	[sflag:s13] =	ssyncadd.s32 $0xFFFFE000  }
0x40: {  	[hbm4b:s19+s4] =	stream.linear.scatter [tilespmem:s2], [sflag:$0xB], $0x2000, $0x38;
	[tilespmem:$0x15C00] =	vst v63  }
0x41: {  	_ =	swait.ge [sflag:s14], $0x2000  }
0x42: {  	[sflag:s14] =	ssyncset.done $0x0  }
0x43: {  	s21 =	rddreg [dreg:$0x10];
	[sflag:s14] =	ssyncadd.s32 $0xFFFFE000  }
0x44: {  	[hbm4b:s21+s4] =	stream.linear.scatter [tilespmem:s26], [sflag:$0xC], $0x2000, $0x38;
	[tilespmem:$0x15C00] =	vst v63  }
0x45: {  	_ =	swait.ge [sflag:s15], $0x2000  }
0x46: {  	[sflag:s15] =	ssyncset.done $0x0  }
0x47: {  	s17 =	rddreg [dreg:$0x11];
	[sflag:s15] =	ssyncadd.s32 $0xFFFFE000  }
0x48: {  	[hbm4b:s17+s4] =	stream.linear.scatter [tilespmem:s28], [sflag:$0xD], $0x2000, $0x38;
	[tilespmem:$0x15C00] =	vst v63  }
0x49: {  	_ =	swait.ge [sflag:s5], $0x2000  }
0x4a: {  	[sflag:s5] =	ssyncset.done $0x0  }
0x4b: {  	s19 =	rddreg [dreg:$0x12];
	[sflag:s5] =	ssyncadd.s32 $0xFFFFE000  }
0x4c: {  	[hbm4b:s19+s4] =	stream.linear.scatter [tilespmem:s20], [sflag:$0xE], $0x2000, $0x38;
	[tilespmem:$0x15C00] =	vst v63  }
0x4d: {  	_ =	swait.ge [sflag:s16], $0x2000  }
0x4e: {  	[sflag:s16] =	ssyncset.done $0x0  }
0x4f: {  	s17 =	simm.s32 $0xB;
	s21 =	rddreg [dreg:$0x13];
	[sflag:s16] =	ssyncadd.s32 $0xFFFFE000  }
0x50: {  	[hbm4b:s21+s4] =	stream.linear.scatter [tilespmem:s7], [sflag:$0xF], $0x2000, $0x38;
	[tilespmem:$0x15C00] =	vst v63  }
0x51: {  	_ =	swait.ge [sflag:s17], $0x2000  }
0x52: {  	[sflag:s17] =	ssyncset.done $0x0  }
0x53: {  	s19 =	simm.s32 $0x280;
	[sflag:s17] =	ssyncadd.s32 $0xFFFFE000;
	s17 =	simm.s32 $0x6  }
0x54: {  	[tilespmem:s2], [sflag:$0x1] =	stream.indirect.gather [hbm4b:s1+s23], $0x80, s19, s23, $0xb8;
	[tilespmem:$0x15C00] =	vst v63  }
0x55: {  	_ =	swait.ge [sflag:s17], $0x2000  }
0x56: {  	s21 =	rddreg [dreg:$0x4];
	[sflag:s17] =	ssyncset.done $0x0  }
0x57: {  	s19 =	simm.s32 $0xC;
	[sflag:s17] =	ssyncadd.s32 $0xFFFFE000;
	s0 =	sadd.s32 s29, s21  }
0x58: {  	[hbm4b:s0+s4] =	stream.linear.scatter [tilespmem:s8], [sflag:$0x10], $0x2000, $0x38;
	[tilespmem:$0x15C00] =	vst v63  }
0x59: {  	_ =	swait.ge [sflag:s19], $0x2000  }
0x5a: {  	[sflag:s19] =	ssyncset.done $0x0  }
0x5b: {  	s21 =	simm.s32 $0x2C0;
	s0 =	simm.s32 $0x7;
	[sflag:s19] =	ssyncadd.s32 $0xFFFFE000  }
0x5c: {  	[tilespmem:s26], [sflag:$0x2] =	stream.indirect.gather [hbm4b:s1+s23], $0x80, s21, s23, $0xb8;
	[tilespmem:$0x15C00] =	vst v63  }
0x5d: {  	_ =	swait.ge [sflag:s0], $0x2000  }
0x5e: {  	s19 =	rddreg [dreg:$0xc];
	[sflag:s0] =	ssyncset.done $0x0  }
0x5f: {  	s21 =	simm.s32 $0xD;
	[sflag:s0] =	ssyncadd.s32 $0xFFFFE000;
	s0 =	sadd.s32 s29, s19  }
0x60: {  	[hbm4b:s0+s4] =	stream.linear.scatter [tilespmem:s9], [sflag:$0x11], $0x2000, $0x38;
	[tilespmem:$0x15C00] =	vst v63  }
0x61: {  	_ =	swait.ge [sflag:s21], $0x2000  }
0x62: {  	[sflag:s21] =	ssyncset.done $0x0  }
0x63: {  	s17 =	simm.s32 $0x300;
	s19 =	simm.s32 $0x8;
	[sflag:s21] =	ssyncadd.s32 $0xFFFFE000  }
0x64: {  	[tilespmem:s28], [sflag:$0x3] =	stream.indirect.gather [hbm4b:s1+s23], $0x80, s17, s23, $0xb8;
	[tilespmem:$0x15C00] =	vst v63  }
0x65: {  	_ =	swait.ge [sflag:s19], $0x2000  }
0x66: {  	s21 =	rddreg [dreg:$0xb];
	[sflag:s19] =	ssyncset.done $0x0  }
0x67: {  	[sflag:s19] =	ssyncadd.s32 $0xFFFFE000;
	s0 =	sadd.s32 s29, s21;
	s19 =	simm.s32 $0xE  }
0x68: {  	[hbm4b:s0+s4] =	stream.linear.scatter [tilespmem:s10], [sflag:$0x12], $0x2000, $0x38;
	[tilespmem:$0x15C00] =	vst v63  }
0x69: {  	_ =	swait.ge [sflag:s19], $0x2000  }
0x6a: {  	[sflag:s19] =	ssyncset.done $0x0  }
0x6b: {  	s21 =	simm.s32 $0x340;
	s0 =	simm.s32 $0x9;
	[sflag:s19] =	ssyncadd.s32 $0xFFFFE000  }
0x6c: {  	[tilespmem:s20], [sflag:$0x4] =	stream.indirect.gather [hbm4b:s1+s23], $0x80, s21, s23, $0xb8;
	[tilespmem:$0x15C00] =	vst v63  }
0x6d: {  	_ =	swait.ge [sflag:s0], $0x2000  }
0x6e: {  	s19 =	rddreg [dreg:$0xa];
	[sflag:s0] =	ssyncset.done $0x0  }
0x6f: {  	s21 =	simm.s32 $0xF;
	[sflag:s0] =	ssyncadd.s32 $0xFFFFE000;
	s0 =	sadd.s32 s29, s19  }
0x70: {  	[hbm4b:s0+s4] =	stream.linear.scatter [tilespmem:s11], [sflag:$0x13], $0x2000, $0x38;
	[tilespmem:$0x15C00] =	vst v63  }
0x71: {  	_ =	swait.ge [sflag:s21], $0x2000  }
0x72: {  	[sflag:s21] =	ssyncset.done $0x0  }
0x73: {  	s17 =	simm.s32 $0x380;
	[sflag:s21] =	ssyncadd.s32 $0xFFFFE000  }
0x74: {  	[tilespmem:s7], [sflag:$0x5] =	stream.indirect.gather [hbm4b:s1+s23], $0x80, s17, s23, $0xb8;
	[tilespmem:$0x15C00] =	vst v63  }
0x75: {  	_ =	swait.ge [sflag:s6], $0x2000  }
0x76: {  	s19 =	rddreg [dreg:$0x9];
	[sflag:s6] =	ssyncset.done $0x0  }
0x77: {  	[sflag:s6] =	ssyncadd.s32 $0xFFFFE000;
	s0 =	sadd.s32 s29, s19  }
0x78: {  	[hbm4b:s0+s4] =	stream.linear.scatter [tilespmem:s12], [sflag:$0x14], $0x2000, $0x38;
	[tilespmem:$0x15C00] =	vst v63  }
0x79: {  	_ =	swait.ge [sflag:s22], $0x2000  }
0x7a: {  	[sflag:s22] =	ssyncset.done $0x0  }
0x7b: {  	s21 =	simm.s32 $0x3C0;
	[sflag:s22] =	ssyncadd.s32 $0xFFFFE000  }
0x7c: {  	[tilespmem:s8], [sflag:$0x6] =	stream.indirect.gather [hbm4b:s1+s23], $0x80, s21, s23, $0xb8;
	[tilespmem:$0x15C00] =	vst v63  }
0x7d: {  	_ =	swait.ge [sflag:s13], $0x2000  }
0x7e: {  	s21 =	rddreg [dreg:$0x1a]  }
0x7f: {  	[sflag:s13] =	ssyncset.done $0x0;
	s7 =	sshrl.u32 s21, $0x3  }
0x80: {  	[sflag:s13] =	ssyncadd.s32 $0xFFFFE000;
	s0 =	sadd.s32 s29, s7  }
0x81: {  	[hbm4b:s0+s4] =	stream.linear.scatter [tilespmem:s2], [sflag:$0xB], $0x2000, $0x38;
	[tilespmem:$0x15C00] =	vst v63  }
0x82: {  	_ =	swait.ge [sflag:s18], $0x2000  }
0x83: {  	[sflag:s18] =	ssyncset.done $0x0  }
0x84: {  	s8 =	simm.s32 $0x400;
	[sflag:s18] =	ssyncadd.s32 $0xFFFFE000  }
0x85: {  	[tilespmem:s9], [sflag:$0x7] =	stream.indirect.gather [hbm4b:s1+s23], $0x80, s8, s23, $0xb8;
	[tilespmem:$0x15C00] =	vst v63  }
0x86: {  	_ =	swait.ge [sflag:s14], $0x2000  }
0x87: {  	s9 =	rddreg [dreg:$0x8];
	[sflag:s14] =	ssyncset.done $0x0  }
0x88: {  	[sflag:s14] =	ssyncadd.s32 $0xFFFFE000;
	s0 =	sadd.s32 s29, s9  }
0x89: {  	[hbm4b:s0+s4] =	stream.linear.scatter [tilespmem:s26], [sflag:$0xC], $0x2000, $0x38;
	[tilespmem:$0x15C00] =	vst v63  }
0x8a: {  	_ =	swait.ge [sflag:s3], $0x2000  }
0x8b: {  	[sflag:s3] =	ssyncset.done $0x0  }
0x8c: {  	s13 =	simm.s32 $0x440;
	[sflag:s3] =	ssyncadd.s32 $0xFFFFE000  }
0x8d: {  	[tilespmem:s10], [sflag:$0x8] =	stream.indirect.gather [hbm4b:s1+s23], $0x80, s13, s23, $0xb8;
	[tilespmem:$0x15C00] =	vst v63  }
0x8e: {  	_ =	swait.ge [sflag:s15], $0x2000  }
0x8f: {  	s14 =	rddreg [dreg:$0x7];
	[sflag:s15] =	ssyncset.done $0x0  }
0x90: {  	[sflag:s15] =	ssyncadd.s32 $0xFFFFE000;
	s0 =	sadd.s32 s29, s14  }
0x91: {  	[hbm4b:s0+s4] =	stream.linear.scatter [tilespmem:s28], [sflag:$0xD], $0x2000, $0x38;
	[tilespmem:$0x15C00] =	vst v63  }
0x92: {  	_ =	swait.ge [sflag:s24], $0x2000  }
0x93: {  	[sflag:s24] =	ssyncset.done $0x0  }
0x94: {  	s15 =	simm.s32 $0x480;
	[sflag:s24] =	ssyncadd.s32 $0xFFFFE000  }
0x95: {  	[tilespmem:s11], [sflag:$0x9] =	stream.indirect.gather [hbm4b:s1+s23], $0x80, s15, s23, $0xb8;
	[tilespmem:$0x15C00] =	vst v63  }
0x96: {  	_ =	swait.ge [sflag:s5], $0x2000  }
0x97: {  	s17 =	rddreg [dreg:$0x6];
	[sflag:s5] =	ssyncset.done $0x0  }
0x98: {  	[sflag:s5] =	ssyncadd.s32 $0xFFFFE000;
	s0 =	sadd.s32 s29, s17  }
0x99: {  	[hbm4b:s0+s4] =	stream.linear.scatter [tilespmem:s20], [sflag:$0xE], $0x2000, $0x38;
	[tilespmem:$0x15C00] =	vst v63  }
0x9a: {  	s30 =	sadd.s32 $0x50000, s29;
	_ =	swait.ge [sflag:s25], $0x2000  }
0x9b: {  	s19 =	simm.s32 $0x4C0;
	s2 =	simm.s32 $0x1C00;
	[sflag:s25] =	ssyncset.done $0x0  }
0x9c: {  	s26 =	simm.s32 $0x3C00;
	s14 =	simm.s32 $0x1;
	[sflag:s25] =	ssyncadd.s32 $0xFFFFE000  }
0x9d: {  	[tilespmem:s12], [sflag:$0xA] =	stream.indirect.gather [hbm4b:s1+s23], $0x80, s19, s23, $0xb8;
	[tilespmem:$0x15C00] =	vst v63  }
0x9e: {  	s28 =	simm.s32 $0xA00;
	s15 =	simm.s32 $0x2;
	_ =	swait.ge [sflag:s16], $0x2000  }
0x9f: {  	s5 =	simm.s32 $0x4;
	s17 =	simm.s32 $0x5;
	[sflag:s16] =	ssyncset.done $0x0  }
0xa0: {  	s0 =	sadd.s32 $0x280000, s21;
	s20 =	rddreg [dreg:$0x5];
	[sflag:s16] =	ssyncadd.s32 $0xFFFFE000  }
0xa1: {  	s19 =	sadd.s32 s29, s20;
	s20 =	simm.s32 $0x7C00;
	s16 =	simm.s32 $0x3  }
.LBB2_2:
0xa2: {  	s8 =	simm.s32 $0x9C00;
	s7 =	simm.s32 $0xB  }
0xa3: {  	[hbm4b:s19+s4] =	stream.linear.scatter [tilespmem:s8], [sflag:$0xF], $0x2000, $0x38;
	[tilespmem:$0x15C00] =	vst v63  }
0xa4: {  	s13 =	smov.u32 s28;
	_ =	swait.ge [sflag:s7], $0x2000  }
0xa5: {  	s19 =	sshra.s32 s13, $0x2;
	[sflag:s7] =	ssyncset.done $0x0  }
0xa6: {  	s21 =	sadd.s32 $0x280, s19;
	[sflag:s7] =	ssyncadd.s32 $0xFFFFE000  }
0xa7: {  	[tilespmem:s2], [sflag:$0x1] =	stream.indirect.gather [hbm4b:s1+s23], $0x80, s21, s23, $0xb8;
	[tilespmem:$0x15C00] =	vst v63  }
0xa8: {  	s21 =	simm.s32 $0x6  }
0xa9: {  	_ =	swait.ge [sflag:s21], $0x2000  }
0xaa: {  	s10 =	simm.s32 $0xC;
	s9 =	rddreg [dreg:$0x4];
	[sflag:s21] =	ssyncset.done $0x0  }
0xab: {  	[sflag:s21] =	ssyncadd.s32 $0xFFFFE000;
	s21 =	sadd.s32 s30, s9;
	s9 =	simm.s32 $0xBC00  }
0xac: {  	[hbm4b:s21+s4] =	stream.linear.scatter [tilespmem:s9], [sflag:$0x10], $0x2000, $0x38;
	[tilespmem:$0x15C00] =	vst v63  }
0xad: {  	_ =	swait.ge [sflag:s10], $0x2000  }
0xae: {  	[sflag:s10] =	ssyncset.done $0x0  }
0xaf: {  	s12 =	simm.s32 $0x7;
	s11 =	sadd.s32 $0x2C0, s19;
	[sflag:s10] =	ssyncadd.s32 $0xFFFFE000  }
0xb0: {  	[tilespmem:s26], [sflag:$0x2] =	stream.indirect.gather [hbm4b:s1+s23], $0x80, s11, s23, $0xb8;
	[tilespmem:$0x15C00] =	vst v63  }
0xb1: {  	_ =	swait.ge [sflag:s12], $0x2000  }
0xb2: {  	s13 =	rddreg [dreg:$0xc];
	[sflag:s12] =	ssyncset.done $0x0  }
0xb3: {  	s10 =	simm.s32 $0xDC00;
	[sflag:s12] =	ssyncadd.s32 $0xFFFFE000;
	s21 =	sadd.s32 s30, s13  }
0xb4: {  	[hbm4b:s21+s4] =	stream.linear.scatter [tilespmem:s10], [sflag:$0x11], $0x2000, $0x38;
	[tilespmem:$0x15C00] =	vst v63  }
0xb5: {  	s21 =	simm.s32 $0xD  }
0xb6: {  	_ =	swait.ge [sflag:s21], $0x2000  }
0xb7: {  	[sflag:s21] =	ssyncset.done $0x0  }
0xb8: {  	s11 =	sadd.s32 $0x300, s19;
	s12 =	simm.s32 $0x8;
	[sflag:s21] =	ssyncadd.s32 $0xFFFFE000  }
0xb9: {  	[tilespmem:s31], [sflag:$0x3] =	stream.indirect.gather [hbm4b:s1+s23], $0x80, s11, s23, $0xb8;
	[tilespmem:$0x15C00] =	vst v63  }
0xba: {  	_ =	swait.ge [sflag:s12], $0x2000  }
0xbb: {  	s13 =	rddreg [dreg:$0xb];
	[sflag:s12] =	ssyncset.done $0x0  }
0xbc: {  	s11 =	simm.s32 $0xFC00;
	[sflag:s12] =	ssyncadd.s32 $0xFFFFE000;
	s21 =	sadd.s32 s30, s13  }
0xbd: {  	[hbm4b:s21+s4] =	stream.linear.scatter [tilespmem:s11], [sflag:$0x12], $0x2000, $0x38;
	[tilespmem:$0x15C00] =	vst v63  }
0xbe: {  	s21 =	simm.s32 $0xE  }
0xbf: {  	_ =	swait.ge [sflag:s21], $0x2000  }
0xc0: {  	[sflag:s21] =	ssyncset.done $0x0  }
0xc1: {  	s7 =	sadd.s32 $0x340, s19;
	s12 =	simm.s32 $0x9;
	[sflag:s21] =	ssyncadd.s32 $0xFFFFE000  }
0xc2: {  	[tilespmem:s20], [sflag:$0x4] =	stream.indirect.gather [hbm4b:s1+s23], $0x80, s7, s23, $0xb8;
	[tilespmem:$0x15C00] =	vst v63  }
0xc3: {  	_ =	swait.ge [sflag:s12], $0x2000  }
0xc4: {  	s13 =	rddreg [dreg:$0xa];
	[sflag:s12] =	ssyncset.done $0x0  }
0xc5: {  	[sflag:s12] =	ssyncadd.s32 $0xFFFFE000;
	s21 =	sadd.s32 s30, s13;
	s12 =	simm.s32 $0x11C00  }
0xc6: {  	[hbm4b:s21+s4] =	stream.linear.scatter [tilespmem:s12], [sflag:$0x13], $0x2000, $0x38;
	[tilespmem:$0x15C00] =	vst v63  }
0xc7: {  	s21 =	simm.s32 $0xF  }
0xc8: {  	_ =	swait.ge [sflag:s21], $0x2000  }
0xc9: {  	[sflag:s21] =	ssyncset.done $0x0  }
0xca: {  	s13 =	sadd.s32 $0x380, s19;
	[sflag:s21] =	ssyncadd.s32 $0xFFFFE000  }
0xcb: {  	[tilespmem:s8], [sflag:$0x5] =	stream.indirect.gather [hbm4b:s1+s23], $0x80, s13, s23, $0xb8;
	[tilespmem:$0x15C00] =	vst v63  }
0xcc: {  	_ =	swait.ge [sflag:s6], $0x2000  }
0xcd: {  	s8 =	rddreg [dreg:$0x9];
	[sflag:s6] =	ssyncset.done $0x0  }
0xce: {  	s13 =	simm.s32 $0x13C00;
	[sflag:s6] =	ssyncadd.s32 $0xFFFFE000;
	s21 =	sadd.s32 s30, s8  }
0xcf: {  	[hbm4b:s21+s4] =	stream.linear.scatter [tilespmem:s13], [sflag:$0x14], $0x2000, $0x38;
	[tilespmem:$0x15C00] =	vst v63  }
0xd0: {  	_ =	swait.ge [sflag:s22], $0x2000  }
0xd1: {  	[sflag:s22] =	ssyncset.done $0x0  }
0xd2: {  	s21 =	sadd.s32 $0x3C0, s19;
	[sflag:s22] =	ssyncadd.s32 $0xFFFFE000  }
0xd3: {  	[tilespmem:s9], [sflag:$0x6] =	stream.indirect.gather [hbm4b:s1+s23], $0x80, s21, s23, $0xb8;
	[tilespmem:$0x15C00] =	vst v63  }
0xd4: {  	_ =	swait.ge [sflag:s14], $0x2000  }
0xd5: {  	s9 =	sshrl.u32 s0, $0x3;
	[sflag:s14] =	ssyncset.done $0x0  }
0xd6: {  	s21 =	sadd.s32 s29, s9;
	[sflag:s14] =	ssyncadd.s32 $0xFFFFE000  }
0xd7: {  	[hbm4b:s21+s4] =	stream.linear.scatter [tilespmem:s2], [sflag:$0xB], $0x2000, $0x38;
	[tilespmem:$0x15C00] =	vst v63  }
0xd8: {  	_ =	swait.ge [sflag:s18], $0x2000  }
0xd9: {  	[sflag:s18] =	ssyncset.done $0x0  }
0xda: {  	s21 =	sadd.s32 $0x400, s19;
	[sflag:s18] =	ssyncadd.s32 $0xFFFFE000  }
0xdb: {  	[tilespmem:s10], [sflag:$0x7] =	stream.indirect.gather [hbm4b:s1+s23], $0x80, s21, s23, $0xb8;
	[tilespmem:$0x15C00] =	vst v63  }
0xdc: {  	_ =	swait.ge [sflag:s15], $0x2000  }
0xdd: {  	s10 =	rddreg [dreg:$0x8];
	[sflag:s15] =	ssyncset.done $0x0  }
0xde: {  	[sflag:s15] =	ssyncadd.s32 $0xFFFFE000;
	s21 =	sadd.s32 s30, s10  }
0xdf: {  	[hbm4b:s21+s4] =	stream.linear.scatter [tilespmem:s26], [sflag:$0xC], $0x2000, $0x38;
	[tilespmem:$0x15C00] =	vst v63  }
0xe0: {  	_ =	swait.ge [sflag:s3], $0x2000  }
0xe1: {  	[sflag:s3] =	ssyncset.done $0x0  }
0xe2: {  	s21 =	sadd.s32 $0x440, s19;
	[sflag:s3] =	ssyncadd.s32 $0xFFFFE000  }
0xe3: {  	[tilespmem:s11], [sflag:$0x8] =	stream.indirect.gather [hbm4b:s1+s23], $0x80, s21, s23, $0xb8;
	[tilespmem:$0x15C00] =	vst v63  }
0xe4: {  	_ =	swait.ge [sflag:s16], $0x2000  }
0xe5: {  	s11 =	rddreg [dreg:$0x7];
	[sflag:s16] =	ssyncset.done $0x0  }
0xe6: {  	[sflag:s16] =	ssyncadd.s32 $0xFFFFE000;
	s21 =	sadd.s32 s30, s11  }
0xe7: {  	[hbm4b:s21+s4] =	stream.linear.scatter [tilespmem:s31], [sflag:$0xD], $0x2000, $0x38;
	[tilespmem:$0x15C00] =	vst v63  }
0xe8: {  	_ =	swait.ge [sflag:s24], $0x2000  }
0xe9: {  	[sflag:s24] =	ssyncset.done $0x0  }
0xea: {  	s21 =	sadd.s32 $0x480, s19;
	[sflag:s24] =	ssyncadd.s32 $0xFFFFE000  }
0xeb: {  	[tilespmem:s12], [sflag:$0x9] =	stream.indirect.gather [hbm4b:s1+s23], $0x80, s21, s23, $0xb8;
	[tilespmem:$0x15C00] =	vst v63  }
0xec: {  	_ =	swait.ge [sflag:s5], $0x2000  }
0xed: {  	p0 =	sne.s32 s28, $0x5000;
	s12 =	rddreg [dreg:$0x6];
	[sflag:s5] =	ssyncset.done $0x0  }
0xee: {  	s28 =	sadd.s32 $0xA00, s28;
	[sflag:s5] =	ssyncadd.s32 $0xFFFFE000;
	s21 =	sadd.s32 s30, s12  }
0xef: {  	[hbm4b:s21+s4] =	stream.linear.scatter [tilespmem:s20], [sflag:$0xE], $0x2000, $0x38;
	[tilespmem:$0x15C00] =	vst v63  }
0xf0: {  	s7 =	simm.s32 $0x9C00;
	s8 =	simm.s32 $0xBC00;
	_ =	swait.ge [sflag:s25], $0x2000  }
0xf1: {  	s0 =	sadd.s32 $0x280000, s0;
	s9 =	simm.s32 $0xDC00;
	[sflag:s25] =	ssyncset.done $0x0  }
.Ltmp0:
0xf2: {  	s19 =	sadd.s32 $0x4C0, s19;
	[sflag:s25] =	ssyncadd.s32 $0xFFFFE000;
	(pc) =	sbr.rel @p0 .LBB2_2-.Ltmp0, $4  }
0xf3: {  	[tilespmem:s13], [sflag:$0xA] =	stream.indirect.gather [hbm4b:s1+s23], $0x80, s19, s23, $0xb8;
	[tilespmem:$0x15C00] =	vst v63  }
0xf4: {  	s10 =	simm.s32 $0xFC00;
	s11 =	simm.s32 $0x11C00;
	_ =	swait.ge [sflag:s17], $0x2000  }
0xf5: {  	s12 =	simm.s32 $0x13C00;
	[sflag:s17] =	ssyncset.done $0x0;
	s21 =	rddreg [dreg:$0x5]  }
0xf6: {  	[sflag:s17] =	ssyncadd.s32 $0xFFFFE000;
	s19 =	sadd.s32 s30, s21;
	s30 =	sadd.s32 $0x50000, s30  }
0xf7: {  	[hbm4b:s19+s4] =	stream.linear.scatter [tilespmem:s7], [sflag:$0xF], $0x2000, $0x38;
	[tilespmem:$0x15C00] =	vst v63  }
0xf8: {  	s0 =	simm.s32 $0x6  }
0xf9: {  	_ =	swait.ge [sflag:s0], $0x2000  }
0xfa: {  	[sflag:s0] =	ssyncset.done $0x0  }
0xfb: {  	s5 =	simm.s32 $0x7;
	s2 =	rddreg [dreg:$0x14];
	[sflag:s0] =	ssyncadd.s32 $0xFFFFE000  }
0xfc: {  	[hbm4b:s2+s4] =	stream.linear.scatter [tilespmem:s8], [sflag:$0x10], $0x2000, $0x38;
	[tilespmem:$0x15C00] =	vst v63  }
0xfd: {  	_ =	swait.ge [sflag:s5], $0x2000  }
0xfe: {  	[sflag:s5] =	ssyncset.done $0x0  }
0xff: {  	s8 =	simm.s32 $0x8;
	s7 =	rddreg [dreg:$0x15];
	[sflag:s5] =	ssyncadd.s32 $0xFFFFE000  }
0x100: {  	[hbm4b:s7+s4] =	stream.linear.scatter [tilespmem:s9], [sflag:$0x11], $0x2000, $0x38;
	[tilespmem:$0x15C00] =	vst v63  }
0x101: {  	_ =	swait.ge [sflag:s8], $0x2000  }
0x102: {  	[sflag:s8] =	ssyncset.done $0x0  }
0x103: {  	s13 =	simm.s32 $0x9;
	s9 =	rddreg [dreg:$0x16];
	[sflag:s8] =	ssyncadd.s32 $0xFFFFE000  }
0x104: {  	[hbm4b:s9+s4] =	stream.linear.scatter [tilespmem:s10], [sflag:$0x12], $0x2000, $0x38;
	[tilespmem:$0x15C00] =	vst v63  }
0x105: {  	_ =	swait.ge [sflag:s13], $0x2000  }
0x106: {  	[sflag:s13] =	ssyncset.done $0x0  }
0x107: {  	s14 =	rddreg [dreg:$0x17];
	[sflag:s13] =	ssyncadd.s32 $0xFFFFE000  }
0x108: {  	[hbm4b:s14+s4] =	stream.linear.scatter [tilespmem:s11], [sflag:$0x13], $0x2000, $0x38;
	[tilespmem:$0x15C00] =	vst v63  }
0x109: {  	_ =	swait.ge [sflag:s6], $0x2000  }
0x10a: {  	[sflag:s6] =	ssyncset.done $0x0  }
0x10b: {  	s16 =	simm.s32 $0xB;
	s15 =	rddreg [dreg:$0x18];
	[sflag:s6] =	ssyncadd.s32 $0xFFFFE000  }
0x10c: {  	[hbm4b:s15+s4] =	stream.linear.scatter [tilespmem:s12], [sflag:$0x14], $0x2000, $0x38;
	[tilespmem:$0x15C00] =	vst v63  }
0x10d: {  	_ =	swait.ge [sflag:s16], $0x2000  }
0x10e: {  	[sflag:s16] =	ssyncset.done $0x0  }
0x10f: {  	s17 =	simm.s32 $0xC;
	[sflag:s16] =	ssyncadd.s32 $0xFFFFE000  }
0x110: {  	_ =	swait.ge [sflag:s17], $0x2000  }
0x111: {  	[sflag:s17] =	ssyncset.done $0x0  }
0x112: {  	s19 =	simm.s32 $0xD;
	[sflag:s17] =	ssyncadd.s32 $0xFFFFE000  }
0x113: {  	_ =	swait.ge [sflag:s19], $0x2000  }
0x114: {  	[sflag:s19] =	ssyncset.done $0x0  }
0x115: {  	s20 =	simm.s32 $0xE;
	[sflag:s19] =	ssyncadd.s32 $0xFFFFE000  }
0x116: {  	_ =	swait.ge [sflag:s20], $0x2000  }
0x117: {  	[sflag:s20] =	ssyncset.done $0x0  }
0x118: {  	s21 =	simm.s32 $0xF;
	[sflag:s20] =	ssyncadd.s32 $0xFFFFE000  }
0x119: {  	_ =	swait.ge [sflag:s21], $0x2000  }
0x11a: {  	[sflag:s21] =	ssyncset.done $0x0  }
0x11b: {  	[sflag:s21] =	ssyncadd.s32 $0xFFFFE000  }
0x11c: {  	_ =	swait.ge [sflag:s22], $0x2000  }
0x11d: {  	[sflag:s22] =	ssyncset.done $0x0  }
0x11e: {  	[sflag:s22] =	ssyncadd.s32 $0xFFFFE000  }
0x11f: {  	_ =	swait.ge [sflag:s18], $0x2000  }
0x120: {  	[sflag:s18] =	ssyncset.done $0x0  }
0x121: {  	[sflag:s18] =	ssyncadd.s32 $0xFFFFE000  }
0x122: {  	_ =	swait.ge [sflag:s3], $0x2000  }
0x123: {  	[sflag:s3] =	ssyncset.done $0x0  }
0x124: {  	[sflag:s3] =	ssyncadd.s32 $0xFFFFE000  }
0x125: {  	_ =	swait.ge [sflag:s24], $0x2000  }
0x126: {  	[sflag:s24] =	ssyncset.done $0x0  }
0x127: {  	[sflag:s24] =	ssyncadd.s32 $0xFFFFE000  }
0x128: {  	_ =	swait.ge [sflag:s25], $0x2000  }
0x129: {  	s26 =	rddreg [dreg:$0x1b]  }
0x12a: {  	s30 =	rddreg [dreg:$0x19];
	s7 =	sadd.s32 $0x1, s26  }
0x12b: {  	p0 =	sne.s32 s7, s30  }
.Ltmp1:
0x12c: {  	_ = 	snop;
	(pc) =	sbr.rel @p0 .LBB2_1-.Ltmp1, $4  }
0x12d: {  	s28 =	simm.s32 $0x5C00;
	s2 =	simm.s32 $0x1C00  }
0x12e: {  	s5 =	simm.s32 $0x4;
	s13 =	simm.s32 $0x1;
	s14 =	simm.s32 $0x2  }
0x12f: {  	s15 =	simm.s32 $0x3;
	s16 =	simm.s32 $0x5;
	[sflag:s25] =	ssyncset.done $0x0  }
0x130: {  	s20 =	simm.s32 $0x7C00;
	[sflag:s25] =	ssyncadd.s32 $0xFFFFE000;
	s26 =	simm.s32 $0x3C00  }
0x131: {  	_ =	sfence.sel $0x180000  }
0x132: {  	[bflag:$0x0] =	sbarrier.arrive $0xFFFF  }
0x133: {  	_ =	strace $0x90000047  }
0x134: {  	s0 =	stileid.u32;
	[bflag:$0x2] =	sbarrier.arrive $0xFFFF  }
0x135: {  	p0 =	sne.s32 s0, $0x0;
	s0 =	rddreg [dreg:$0x3]  }
0x136: {  	s0 =	sadd.s32 @!p0 $0x100000, s0  }
0x137: {  	[sflag:s0] =	ssyncadd.tile.s32 @!p0 $0x1;
	_ =	shalt  }
.Lfunc_end2:
_tile_overlayer_lowered:
.L_overlay_start_2:
0x138: {  	(tag) =	ssettag $0x2  }
0x139: {  	s0 =	rddreg [dreg:$0x0];
	s2 =	stileid.u32  }
0x13a: {  	s1 =	rddreg [dreg:$0x1];
	p0 =	sne.s32 s2, $0x0  }
0x13b: {  	s3 =	rddreg [dreg:$0x2];
	[bflag:$0x3] =	sbarrier.arrive $0xFFFF;
	s2 =	simm.s32 @!p0 $0x1C15  }
0x13c: {  	[timem:s3], [sflag:s2] =	dma.local @!p0 [hbm:s0], s1  }
0x13d: {  	s0 =	simm.s32 @!p0 $0x15  }
0x13e: {  	_ =	swait.ge @!p0 [sflag:s0], s1  }
0x13f: {  	s1 =	ssub.s32 @!p0 $0x0, s1;
	[sflag:s0] =	ssyncset.done @!p0 $0x0  }
0x140: {  	[sflag:s0] =	ssyncadd.s32 @!p0 s1  }
0x141: {  	[bflag:$0x3] =	sbarrier.arrive $0xFFFF  }
0x142: {  	_ =	shalt  }

</sc_bundles>
